<compile_context>
chip_gen: v7x
topology: tpu7x:2x2x1
jax: 0.10.2.dev20260603
libtpu: 0.0.44.dev20260713+nightly
codegen_flags: <defaults>
</compile_context>

<pallas_src>
import functools

import jax
import jax.numpy as jnp
from jax import lax
from jax.experimental import pallas as pl
from jax.experimental.pallas import tpu as pltpu
from jax.experimental.pallas import tpu_sc as plsc

N = 10000
E = 320000
D = 128
NEG_SLOPE = 0.2

NP = 10240
NPT = NP // 16
EPT = 20224
NCHUNK = EPT // 128
EP = 16 * EPT


def _prep_body(x_ref, wt_ref, al_ref, ar_ref, feat_ref, el_ref, er_ref,
               mx_ref):
    i = pl.program_id(0)
    f = jnp.dot(x_ref[...], wt_ref[...], preferred_element_type=jnp.float32)
    feat_ref[...] = f
    el = jnp.dot(f, al_ref[...], preferred_element_type=jnp.float32)
    er = jnp.dot(f, ar_ref[...], preferred_element_type=jnp.float32)
    el_ref[...] = el
    er_ref[...] = er
    m = jnp.concatenate(
        [jnp.full((1, 128), jnp.max(el), jnp.float32),
         jnp.full((1, 128), jnp.max(er), jnp.float32)], axis=0)

    @pl.when(i == 0)
    def _():
        mx_ref[...] = m

    @pl.when(i > 0)
    def _():
        mx_ref[...] = jnp.maximum(mx_ref[...], m)


def _prep(x_p, wt, al, ar):
    return pl.pallas_call(
        _prep_body,
        grid=(NP // 1024,),
        in_specs=[
            pl.BlockSpec((1024, 128), lambda i: (i, 0)),
            pl.BlockSpec((128, 128), lambda i: (0, 0)),
            pl.BlockSpec((128, 1), lambda i: (0, 0)),
            pl.BlockSpec((128, 1), lambda i: (0, 0)),
        ],
        out_specs=[
            pl.BlockSpec((1024, 128), lambda i: (i, 0)),
            pl.BlockSpec((1024, 1), lambda i: (i, 0)),
            pl.BlockSpec((1024, 1), lambda i: (i, 0)),
            pl.BlockSpec((2, 128), lambda i: (0, 0)),
        ],
        out_shape=[
            jax.ShapeDtypeStruct((NP, 128), jnp.float32),
            jax.ShapeDtypeStruct((NP, 1), jnp.float32),
            jax.ShapeDtypeStruct((NP, 1), jnp.float32),
            jax.ShapeDtypeStruct((2, 128), jnp.float32),
        ],
    )(x_p, wt, al, ar)


def _make_sc():
    mesh = plsc.VectorSubcoreMesh(core_axis_name="c", subcore_axis_name="s")

    @functools.partial(
        pl.kernel,
        out_type=(
            jax.ShapeDtypeStruct((2, 16, NPT), jnp.float32),
            jax.ShapeDtypeStruct((2, 16, NPT, 64), jnp.float32),
        ),
        mesh=mesh,
        compiler_params=pltpu.CompilerParams(needs_layout_passes=False,
                                             use_tc_tiling_on_sc=False),
        scratch_types=[
            pltpu.VMEM((NCHUNK, 128), jnp.int32),
            pltpu.VMEM((NCHUNK, 128), jnp.int32),
            pltpu.VMEM((NCHUNK, 128), jnp.float32),
            pltpu.VMEM((128, 64), jnp.float32),
            pltpu.VMEM((128, 64), jnp.float32),
            pltpu.VMEM((2, 128), jnp.float32),
            pltpu.VMEM((4, 128), jnp.float32),
            pltpu.VMEM_SHARED((NP,), jnp.float32),
            pltpu.VMEM_SHARED((NP, 64), jnp.float32),
            pltpu.SemaphoreType.DMA,
            pltpu.SemaphoreType.DMA,
            pltpu.SemaphoreType.DMA,
            pltpu.SemaphoreType.DMA,
            pltpu.SemaphoreType.DMA,
            pltpu.SemaphoreType.DMA,
            pltpu.SemaphoreType.DMA,
            pltpu.SemaphoreType.DMA,
            pltpu.SemaphoreType.DMA,
            pltpu.SemaphoreType.DMA,
        ],
    )
    def sc_kernel(el_hbm, er_hbm, src_hbm, dst_hbm, feat2_hbm, mx_hbm,
                  denom_out, rst_out,
                  src_v, dst_v, ee_v, rows0, rows1, mv, erow,
                  denom_sh, rst_sh,
                  semg0, semg1, sems0, sems1, semel,
                  semer0, semer1, semer2, semer3, semd):
        c = lax.axis_index("c")
        s = lax.axis_index("s")

        pltpu.sync_copy(src_hbm.at[s], src_v)
        pltpu.sync_copy(dst_hbm.at[s], dst_v)
        pltpu.sync_copy(mx_hbm, mv)

        def _zerow(i, _):
            erow[0, pl.ds(i * 16, 16)] = jnp.zeros((16,), jnp.float32)
            return 0
        lax.fori_loop(0, 8, _zerow, 0)

        @plsc.parallel_loop(0, 128 * 4, unroll=4)
        def _zrow(i):
            r = i // 4
            cb = lax.rem(i, 4)
            rows0[r, pl.ds(cb * 16, 16)] = jnp.zeros((16,), jnp.float32)

        for k in range(NPT // 128):
            pltpu.sync_copy(erow.at[0],
                            denom_sh.at[pl.ds(s * NPT + k * 128, 128)])
            pltpu.sync_copy(rows0, rst_sh.at[pl.ds(s * NPT + k * 128, 128)])
        plsc.subcore_barrier()

        def _mx8(row):
            def body(k, acc):
                return jnp.maximum(acc, mv[row, pl.ds(k * 16, 16)])
            return jnp.max(lax.fori_loop(1, 8, body, mv[row, pl.ds(0, 16)]))
        M = jnp.maximum(_mx8(0) + _mx8(1), 0.0)

        def _g_el(j):
            pltpu.async_copy(el_hbm.at[src_v.at[j]], ee_v.at[j], semel)

        def _g_er(j, b, sem):
            pltpu.async_copy(er_hbm.at[dst_v.at[j]], erow.at[b], sem)

        _g_el(0)
        _g_er(0, 0, semer0)
        _g_el(1)
        _g_er(1, 1, semer1)

        def _att_one(j, b, sem):
            pltpu.make_async_copy(el_hbm.at[pl.ds(0, 128)], ee_v.at[0],
                                  semel).wait()
            pltpu.make_async_copy(er_hbm.at[pl.ds(0, 128)], erow.at[b],
                                  sem).wait()
            for k in range(8):
                sl = pl.ds(k * 16, 16)
                e = ee_v[j, sl] + erow[b, sl]
                e = jnp.where(e > 0, e, NEG_SLOPE * e)
                ee_v[j, sl] = jnp.exp(e - M)
            pltpu.async_copy(ee_v.at[j], denom_sh.at[dst_v.at[j]], semd,
                             add=True)

        def att_body(t, _):
            j = 2 * t
            _att_one(j, 0, semer0)

            @pl.when(t < NCHUNK // 2 - 1)
            def _():
                _g_el(j + 2)
                _g_er(j + 2, 0, semer0)
            _att_one(j + 1, 1, semer1)

            @pl.when(t < NCHUNK // 2 - 1)
            def _():
                _g_el(j + 3)
                _g_er(j + 3, 1, semer1)
            return 0
        lax.fori_loop(0, NCHUNK // 2, att_body, 0)

        @plsc.parallel_loop(0, EPT // 16, unroll=4)
        def src2_body(i):
            r = i // 8
            cl = pl.ds(lax.rem(i, 8) * 16, 16)
            src_v[r, cl] = src_v[r, cl] * 2 + c

        def _g_rows(j, buf, sem):
            pltpu.async_copy(feat2_hbm.at[src_v.at[j]], buf, sem)

        def _w_rows(buf, sem):
            pltpu.make_async_copy(feat2_hbm.at[pl.ds(0, 128)], buf,
                                  sem).wait()

        def _sc_rows(j, buf, sem):
            pltpu.async_copy(buf, rst_sh.at[dst_v.at[j]], sem, add=True)

        def _w_scat(buf, sem):
            pltpu.make_async_copy(buf, rst_sh.at[pl.ds(0, 128)], sem).wait()

        def _scale(j, buf):
            @plsc.parallel_loop(0, 128, unroll=16)
            def row_body(r):
                ar = plsc.load_gather(
                    ee_v, [jnp.full((16,), j, jnp.int32),
                           jnp.full((16,), r, jnp.int32)])
                for cb in range(4):
                    sl = pl.ds(cb * 16, 16)
                    buf[r, sl] = buf[r, sl] * ar

        _g_rows(0, rows0, semg0)
        _g_rows(1, rows1, semg1)

        def msg_body(t, _):
            j = 2 * t
            _w_rows(rows0, semg0)
            _scale(j, rows0)
            _sc_rows(j, rows0, sems0)
            _w_rows(rows1, semg1)
            _scale(j + 1, rows1)
            _sc_rows(j + 1, rows1, sems1)

            @pl.when(t < NCHUNK // 2 - 1)
            def _():
                _w_scat(rows0, sems0)
                _g_rows(j + 2, rows0, semg0)
                _w_scat(rows1, sems1)
                _g_rows(j + 3, rows1, semg1)
            return 0
        lax.fori_loop(0, NCHUNK // 2, msg_body, 0)
        _w_scat(rows0, sems0)
        _w_scat(rows1, sems1)

        def dr_body(j, _):
            pltpu.make_async_copy(ee_v.at[0], denom_sh.at[pl.ds(0, 128)],
                                  semd).wait()
            return 0
        lax.fori_loop(0, NCHUNK, dr_body, 0)

        plsc.subcore_barrier()

        pltpu.sync_copy(denom_sh.at[pl.ds(s * NPT, NPT)], denom_out.at[c, s])
        pltpu.sync_copy(rst_sh.at[pl.ds(s * NPT, NPT)], rst_out.at[c, s])

    return sc_kernel


_sc_kernel = _make_sc()


def _post_body(r_ref, d_ref, out_ref):
    d = d_ref[...]
    inv = jnp.where(d > 0, 1.0 / d, 0.0)
    out_ref[...] = jnp.concatenate(
        [r_ref[0] * inv, r_ref[1] * inv], axis=1)


def _post(rst_part, denom0):
    return pl.pallas_call(
        _post_body,
        grid=(NP // 1024,),
        in_specs=[
            pl.BlockSpec((2, 1024, 64), lambda i: (0, i, 0)),
            pl.BlockSpec((1024, 1), lambda i: (i, 0)),
        ],
        out_specs=pl.BlockSpec((1024, 128), lambda i: (i, 0)),
        out_shape=jax.ShapeDtypeStruct((NP, 128), jnp.float32),
    )(rst_part, denom0)


def kernel(x, edge_index, W, attn_l, attn_r):
    x_p = jnp.pad(x, ((0, NP - N), (0, 0)))
    wt = W.T
    al = attn_l.reshape(D, 1)
    ar = attn_r.reshape(D, 1)

    feat, el, er, mx = _prep(x_p, wt, al, ar)
    el1 = el.reshape(NP)
    er1 = er.reshape(NP)
    feat2 = feat.reshape(2 * NP, 64)

    src = edge_index[0]
    dst = edge_index[1]
    pad = EP - E
    src_p = jnp.concatenate([src, jnp.zeros((pad,), jnp.int32)]).reshape(
        16, NCHUNK, 128)
    dst_p = jnp.concatenate([dst, jnp.full((pad,), N, jnp.int32)]).reshape(
        16, NCHUNK, 128)

    denom_part, rst_part = _sc_kernel(el1, er1, src_p, dst_p, feat2, mx)

    rst = _post(rst_part.reshape(2, NP, 64),
                denom_part.reshape(2, NP, 1)[0])
    return rst[:N].reshape(N, 1, D)

# --- scband reference (transcript-rebuilt; emitter-appended) ---
"""Pipeline reference for scband-gatlayer-11828339933793 (READ-ONLY COPY).

The authoritative reference and input builder live on the scoring server;
editing this copy changes nothing except your own understanding.
"""

import jax, jax.numpy as jnp
import numpy as np

N = 10000
E = 320000
D_IN = 128
H = 1
D_OUT = 128
NEG_SLOPE = 0.2


def setup_inputs(seed: int = 0) -> dict:
    key = jax.random.key(seed)
    k1, k2, k3, k4, k5 = jax.random.split(key, 5)
    x = jax.random.normal(k1, (N, D_IN), dtype=jnp.float32)
    edge_index = jax.random.randint(k2, (2, E), 0, N, dtype=jnp.int32)
    # fc weight, torch Linear layout [out_features, in_features], xavier-ish scale
    gain = float(np.sqrt(2.0))
    std_fc = gain * float(np.sqrt(2.0 / (D_IN + H * D_OUT)))
    W = jax.random.normal(k3, (H * D_OUT, D_IN), dtype=jnp.float32) * std_fc
    std_a = gain * float(np.sqrt(2.0 / (1 + D_OUT)))
    attn_l = jax.random.normal(k4, (1, H, D_OUT), dtype=jnp.float32) * std_a
    attn_r = jax.random.normal(k5, (1, H, D_OUT), dtype=jnp.float32) * std_a
    return {"x": x, "edge_index": edge_index, "W": W, "attn_l": attn_l, "attn_r": attn_r}


def reference(x, edge_index, W, attn_l, attn_r):
    # feat_drop / attn_drop are identity in eval (rates ignored at inference)
    feat = (x @ W.T).reshape(-1, H, D_OUT)          # [N, H, D_OUT]
    el = (feat * attn_l).sum(axis=-1)               # [N, H]
    er = (feat * attn_r).sum(axis=-1)               # [N, H]
    src = edge_index[0]
    dst = edge_index[1]
    e = el[src] + er[dst]                           # [E, H]  (u_add_v)
    e = jnp.where(e > 0, e, NEG_SLOPE * e)          # LeakyReLU
    # edge softmax over incoming edges of each dst node
    emax = jax.ops.segment_max(e, dst, num_segments=N)
    emax = jnp.where(jnp.isfinite(emax), emax, 0.0)
    ee = jnp.exp(e - jax.lax.stop_gradient(emax)[dst])
    denom = jax.ops.segment_sum(ee, dst, num_segments=N)
    a = ee / denom[dst]                             # [E, H]
    # message passing: u_mul_e then sum over dst
    m = feat[src] * a[:, :, None]                   # [E, H, D_OUT]
    rst = jax.ops.segment_sum(m, dst, num_segments=N)  # [N, H, D_OUT]
    return rst

if __name__ == "__main__":
    import jax
    _d = setup_inputs()
    print(jax.jit(kernel)(*tuple(_d.values())))

</pallas_src>

<mosaic_0001>
#map = affine_map<(d0, d1) -> (0)>
#map1 = affine_map<(d0, d1) -> (0, 0, 0)>
#map2 = affine_map<(d0, d1) -> (0, 0)>
#map3 = affine_map<(d0, d1) -> (0, 0, 0, 0)>
module attributes {stable_mosaic.version = 14 : i64} {
  func.func @sc_kernel(%arg0: i32, %arg1: i32, %arg2: memref<10240xf32, #tpu.memory_space<hbm>>, %arg3: memref<10240xf32, #tpu.memory_space<hbm>>, %arg4: memref<16x158x128xi32, #tpu.memory_space<hbm>>, %arg5: memref<16x158x128xi32, #tpu.memory_space<hbm>>, %arg6: memref<20480x64xf32, #tpu.memory_space<hbm>>, %arg7: memref<2x128xf32, #tpu.memory_space<hbm>>, %arg8: memref<2x16x640xf32, #tpu.memory_space<hbm>>, %arg9: memref<2x16x640x64xf32, #tpu.memory_space<hbm>>, %arg10: memref<158x128xi32, #tpu.memory_space<vmem>>, %arg11: memref<158x128xi32, #tpu.memory_space<vmem>>, %arg12: memref<158x128xf32, #tpu.memory_space<vmem>>, %arg13: memref<128x64xf32, #tpu.memory_space<vmem>>, %arg14: memref<128x64xf32, #tpu.memory_space<vmem>>, %arg15: memref<2x128xf32, #tpu.memory_space<vmem>>, %arg16: memref<4x128xf32, #tpu.memory_space<vmem>>, %arg17: memref<10240xf32, #tpu.memory_space<vmem_shared>>, %arg18: memref<10240x64xf32, #tpu.memory_space<vmem_shared>>, %arg19: memref<!tpu.dma_semaphore, #tpu.memory_space<semaphore_mem>>, %arg20: memref<!tpu.dma_semaphore, #tpu.memory_space<semaphore_mem>>, %arg21: memref<!tpu.dma_semaphore, #tpu.memory_space<semaphore_mem>>, %arg22: memref<!tpu.dma_semaphore, #tpu.memory_space<semaphore_mem>>, %arg23: memref<!tpu.dma_semaphore, #tpu.memory_space<semaphore_mem>>, %arg24: memref<!tpu.dma_semaphore, #tpu.memory_space<semaphore_mem>>, %arg25: memref<!tpu.dma_semaphore, #tpu.memory_space<semaphore_mem>>, %arg26: memref<!tpu.dma_semaphore, #tpu.memory_space<semaphore_mem>>, %arg27: memref<!tpu.dma_semaphore, #tpu.memory_space<semaphore_mem>>, %arg28: memref<!tpu.dma_semaphore, #tpu.memory_space<semaphore_mem>>) attributes {dimension_semantics = [#tpu.dimension_semantics<core_parallel>, #tpu.dimension_semantics<subcore_parallel>], iteration_bounds = array<i64: 2, 16>, scalar_prefetch = 0 : i64, scratch_operands = 19 : i64, tpu.core_type = #tpu.core_type<sc_vector_subcore>, window_params = [{transform_indices = #map}, {transform_indices = #map}, {transform_indices = #map1}, {transform_indices = #map1}, {transform_indices = #map2}, {transform_indices = #map2}, {transform_indices = #map1}, {transform_indices = #map3}]} {
    "tpu.region"() ({
      %run_scoped3A_171 = tpu.sem_alloc : memref<!tpu.dma_semaphore, #tpu.memory_space<semaphore_mem>>
      %dma_start3A_172 = arith.constant 0 : i32
      %dma_start3A_173 = arith.constant 0 : i32
      %dma_start3A_174 = tpu.memref_slice %arg4[%arg1, %dma_start3A_172, %dma_start3A_173] : memref<16x158x128xi32, #tpu.memory_space<hbm>> -> memref<1x158x128xi32, #tpu.memory_space<hbm>>
      %dma_start3A_175 = tpu.memref_squeeze %dma_start3A_174 : memref<1x158x128xi32, #tpu.memory_space<hbm>> -> memref<158x128xi32, #tpu.memory_space<hbm>>
      %dma_start3A_176 = arith.constant 0 : i32
      %dma_start3A_177 = arith.constant 0 : i32
      %dma_start3A_178 = tpu.memref_slice %arg4[%arg1, %dma_start3A_176, %dma_start3A_177] : memref<16x158x128xi32, #tpu.memory_space<hbm>> -> memref<1x158x128xi32, #tpu.memory_space<hbm>>
      %dma_start3A_179 = tpu.memref_squeeze %dma_start3A_178 : memref<1x158x128xi32, #tpu.memory_space<hbm>> -> memref<158x128xi32, #tpu.memory_space<hbm>>
      tpu.enqueue_dma source(%dma_start3A_179 : memref<158x128xi32, #tpu.memory_space<hbm>>) target(%arg10 : memref<158x128xi32, #tpu.memory_space<vmem>>) target_semaphore(%run_scoped3A_171 : memref<!tpu.dma_semaphore, #tpu.memory_space<semaphore_mem>>)
      %dma_wait3A_180 = arith.constant 0 : i32
      %dma_wait3A_181 = arith.constant 0 : i32
      %dma_wait3A_182 = tpu.memref_slice %arg4[%arg1, %dma_wait3A_180, %dma_wait3A_181] : memref<16x158x128xi32, #tpu.memory_space<hbm>> -> memref<1x158x128xi32, #tpu.memory_space<hbm>>
      %dma_wait3A_183 = tpu.memref_squeeze %dma_wait3A_182 : memref<1x158x128xi32, #tpu.memory_space<hbm>> -> memref<158x128xi32, #tpu.memory_space<hbm>>
      %dma_wait3A_184 = arith.constant 0 : i32
      %dma_wait3A_185 = arith.constant 0 : i32
      %dma_wait3A_186 = tpu.memref_slice %arg4[%arg1, %dma_wait3A_184, %dma_wait3A_185] : memref<16x158x128xi32, #tpu.memory_space<hbm>> -> memref<1x158x128xi32, #tpu.memory_space<hbm>>
      %dma_wait3A_187 = tpu.memref_squeeze %dma_wait3A_186 : memref<1x158x128xi32, #tpu.memory_space<hbm>> -> memref<158x128xi32, #tpu.memory_space<hbm>>
      tpu.wait_dma2 semaphore(%run_scoped3A_171 : memref<!tpu.dma_semaphore, #tpu.memory_space<semaphore_mem>>) src(%dma_wait3A_187 : memref<158x128xi32, #tpu.memory_space<hbm>>) dst(%arg10 : memref<158x128xi32, #tpu.memory_space<vmem>>)
      tpu.yield
    }) : () -> ()
    "tpu.region"() ({
      %run_scoped3A_171 = tpu.sem_alloc : memref<!tpu.dma_semaphore, #tpu.memory_space<semaphore_mem>>
      %dma_start3A_172 = arith.constant 0 : i32
      %dma_start3A_173 = arith.constant 0 : i32
      %dma_start3A_174 = tpu.memref_slice %arg5[%arg1, %dma_start3A_172, %dma_start3A_173] : memref<16x158x128xi32, #tpu.memory_space<hbm>> -> memref<1x158x128xi32, #tpu.memory_space<hbm>>
      %dma_start3A_175 = tpu.memref_squeeze %dma_start3A_174 : memref<1x158x128xi32, #tpu.memory_space<hbm>> -> memref<158x128xi32, #tpu.memory_space<hbm>>
      %dma_start3A_176 = arith.constant 0 : i32
      %dma_start3A_177 = arith.constant 0 : i32
      %dma_start3A_178 = tpu.memref_slice %arg5[%arg1, %dma_start3A_176, %dma_start3A_177] : memref<16x158x128xi32, #tpu.memory_space<hbm>> -> memref<1x158x128xi32, #tpu.memory_space<hbm>>
      %dma_start3A_179 = tpu.memref_squeeze %dma_start3A_178 : memref<1x158x128xi32, #tpu.memory_space<hbm>> -> memref<158x128xi32, #tpu.memory_space<hbm>>
      tpu.enqueue_dma source(%dma_start3A_179 : memref<158x128xi32, #tpu.memory_space<hbm>>) target(%arg11 : memref<158x128xi32, #tpu.memory_space<vmem>>) target_semaphore(%run_scoped3A_171 : memref<!tpu.dma_semaphore, #tpu.memory_space<semaphore_mem>>)
      %dma_wait3A_180 = arith.constant 0 : i32
      %dma_wait3A_181 = arith.constant 0 : i32
      %dma_wait3A_182 = tpu.memref_slice %arg5[%arg1, %dma_wait3A_180, %dma_wait3A_181] : memref<16x158x128xi32, #tpu.memory_space<hbm>> -> memref<1x158x128xi32, #tpu.memory_space<hbm>>
      %dma_wait3A_183 = tpu.memref_squeeze %dma_wait3A_182 : memref<1x158x128xi32, #tpu.memory_space<hbm>> -> memref<158x128xi32, #tpu.memory_space<hbm>>
      %dma_wait3A_184 = arith.constant 0 : i32
      %dma_wait3A_185 = arith.constant 0 : i32
      %dma_wait3A_186 = tpu.memref_slice %arg5[%arg1, %dma_wait3A_184, %dma_wait3A_185] : memref<16x158x128xi32, #tpu.memory_space<hbm>> -> memref<1x158x128xi32, #tpu.memory_space<hbm>>
      %dma_wait3A_187 = tpu.memref_squeeze %dma_wait3A_186 : memref<1x158x128xi32, #tpu.memory_space<hbm>> -> memref<158x128xi32, #tpu.memory_space<hbm>>
      tpu.wait_dma2 semaphore(%run_scoped3A_171 : memref<!tpu.dma_semaphore, #tpu.memory_space<semaphore_mem>>) src(%dma_wait3A_187 : memref<158x128xi32, #tpu.memory_space<hbm>>) dst(%arg11 : memref<158x128xi32, #tpu.memory_space<vmem>>)
      tpu.yield
    }) : () -> ()
    "tpu.region"() ({
      %run_scoped3A_171 = tpu.sem_alloc : memref<!tpu.dma_semaphore, #tpu.memory_space<semaphore_mem>>
      tpu.enqueue_dma source(%arg7 : memref<2x128xf32, #tpu.memory_space<hbm>>) target(%arg15 : memref<2x128xf32, #tpu.memory_space<vmem>>) target_semaphore(%run_scoped3A_171 : memref<!tpu.dma_semaphore, #tpu.memory_space<semaphore_mem>>)
      tpu.wait_dma2 semaphore(%run_scoped3A_171 : memref<!tpu.dma_semaphore, #tpu.memory_space<semaphore_mem>>) src(%arg7 : memref<2x128xf32, #tpu.memory_space<hbm>>) dst(%arg15 : memref<2x128xf32, #tpu.memory_space<vmem>>)
      tpu.yield
    }) : () -> ()
    %scan3A = arith.constant 0 : i32
    %scan3A_0 = arith.constant 0 : i32
    %scan3A_1 = arith.constant 8 : i32
    %scan3A_2 = arith.addi %scan3A_0, %scan3A_1 : i32
    %scan3A_3 = arith.constant 1 : i32
    %scan3A_4 = scf.for %scan3A_171 = %scan3A_0 to %scan3A_2 step %scan3A_3 iter_args(%scan3A_172 = %scan3A) -> (i32)  : i32 {
      %broadcast_in_dim3A = arith.constant 0.000000e+00 : f32
      %broadcast_in_dim3A_173 = vector.broadcast %broadcast_in_dim3A : f32 to vector<16xf32>
      %mul3A_174 = arith.constant 16 : i32
      %mul3A_175 = arith.muli %scan3A_171, %mul3A_174 : i32
      %swap3A = arith.constant 0 : i32
      %swap3A_176 = arith.index_cast %swap3A : i32 to index
      %swap3A_177 = arith.index_cast %mul3A_175 : i32 to index
      %swap3A_178 = tpu.vector_load %arg16[%swap3A_176, %swap3A_177] {strides = array<i32>} : memref<4x128xf32, #tpu.memory_space<vmem>>, vector<16xf32>,
      tpu.vector_store %arg16[%swap3A_176, %swap3A_177], %broadcast_in_dim3A_173 {strides = array<i32>} : memref<4x128xf32, #tpu.memory_space<vmem>>, vector<16xf32>,
      %scan3A_179 = arith.constant 0 : i32
      scf.yield %scan3A_179 : i32
    }
    %scan3A_5 = arith.constant 8 : i32
    %parallel_loop3A = arith.constant 0 : i32
    %parallel_loop3A_6 = arith.constant 512 : i32
    %parallel_loop3A_7 = arith.constant 1 : i32
    scf.for %parallel_loop3A_171 = %parallel_loop3A to %parallel_loop3A_6 step %parallel_loop3A_7  : i32 {
      %parallel_loop3A_172 = arith.constant 4 : i32
      %parallel_loop3A_173 = arith.divsi %parallel_loop3A_171, %parallel_loop3A_172 : i32
      %parallel_loop3A_174 = arith.constant 0 : i32
      %parallel_loop3A_175 = arith.cmpi sgt, %parallel_loop3A_171, %parallel_loop3A_174 : i32
      %parallel_loop3A_176 = arith.extui %parallel_loop3A_175 : i1 to i32
      %parallel_loop3A_177 = arith.constant 0 : i32
      %parallel_loop3A_178 = arith.cmpi slt, %parallel_loop3A_171, %parallel_loop3A_177 : i32
      %parallel_loop3A_179 = arith.extui %parallel_loop3A_178 : i1 to i32
      %parallel_loop3A_180 = arith.subi %parallel_loop3A_176, %parallel_loop3A_179 : i32
      %parallel_loop3A_181 = arith.constant 0 : i32
      %parallel_loop3A_182 = arith.cmpi sgt, %parallel_loop3A_172, %parallel_loop3A_181 : i32
      %parallel_loop3A_183 = arith.extui %parallel_loop3A_182 : i1 to i32
      %parallel_loop3A_184 = arith.constant 0 : i32
      %parallel_loop3A_185 = arith.cmpi slt, %parallel_loop3A_172, %parallel_loop3A_184 : i32
      %parallel_loop3A_186 = arith.extui %parallel_loop3A_185 : i1 to i32
      %parallel_loop3A_187 = arith.subi %parallel_loop3A_183, %parallel_loop3A_186 : i32
      %parallel_loop3A_188 = arith.cmpi ne, %parallel_loop3A_180, %parallel_loop3A_187 : i32
      %parallel_loop3A_189 = arith.remsi %parallel_loop3A_171, %parallel_loop3A_172 : i32
      %parallel_loop3A_190 = arith.constant 0 : i32
      %parallel_loop3A_191 = arith.cmpi ne, %parallel_loop3A_189, %parallel_loop3A_190 : i32
      %parallel_loop3A_192 = arith.andi %parallel_loop3A_188, %parallel_loop3A_191 : i1
      %parallel_loop3A_193 = arith.constant 1 : i32
      %parallel_loop3A_194 = arith.subi %parallel_loop3A_173, %parallel_loop3A_193 : i32
      %parallel_loop3A_195 = arith.select %parallel_loop3A_192, %parallel_loop3A_194, %parallel_loop3A_173 : i32
      %parallel_loop3A_196 = arith.constant 4 : i32
      %parallel_loop3A_197 = arith.remsi %parallel_loop3A_171, %parallel_loop3A_196 : i32
      %parallel_loop3A_198 = arith.constant 0.000000e+00 : f32
      %parallel_loop3A_199 = vector.broadcast %parallel_loop3A_198 : f32 to vector<16xf32>
      %parallel_loop3A_200 = arith.constant 16 : i32
      %parallel_loop3A_201 = arith.muli %parallel_loop3A_197, %parallel_loop3A_200 : i32
      %parallel_loop3A_202 = arith.index_cast %parallel_loop3A_195 : i32 to index
      %parallel_loop3A_203 = arith.index_cast %parallel_loop3A_201 : i32 to index
      %parallel_loop3A_204 = tpu.vector_load %arg13[%parallel_loop3A_202, %parallel_loop3A_203] {strides = array<i32>} : memref<128x64xf32, #tpu.memory_space<vmem>>, vector<16xf32>,
      tpu.vector_store %arg13[%parallel_loop3A_202, %parallel_loop3A_203], %parallel_loop3A_199 {strides = array<i32>} : memref<128x64xf32, #tpu.memory_space<vmem>>, vector<16xf32>,
    } {sc.loop_unroll_factor = 4 : i64, sc.parallel_access}
    %mul3A = arith.constant 640 : i32
    %mul3A_8 = arith.muli %arg1, %mul3A : i32
    %add3A = arith.constant 0 : i32
    %add3A_9 = arith.addi %mul3A_8, %add3A : i32
    %run_scoped3A = arith.constant 0 : i32
    "tpu.region"() ({
      %run_scoped3A_171 = tpu.sem_alloc : memref<!tpu.dma_semaphore, #tpu.memory_space<semaphore_mem>>
      %dma_start3A_172 = arith.constant 0 : i32
      %dma_start3A_173 = tpu.memref_slice %arg16[%run_scoped3A, %dma_start3A_172] : memref<4x128xf32, #tpu.memory_space<vmem>> -> memref<1x128xf32, #tpu.memory_space<vmem>>
      %dma_start3A_174 = tpu.memref_squeeze %dma_start3A_173 : memref<1x128xf32, #tpu.memory_space<vmem>> -> memref<128xf32, #tpu.memory_space<vmem>>
      %dma_start3A_175 = tpu.memref_slice %arg17[%add3A_9] : memref<10240xf32, #tpu.memory_space<vmem_shared>> -> memref<128xf32, #tpu.memory_space<vmem_shared>>
      %dma_start3A_176 = tpu.memref_slice %arg17[%add3A_9] : memref<10240xf32, #tpu.memory_space<vmem_shared>> -> memref<128xf32, #tpu.memory_space<vmem_shared>>
      %dma_start3A_177 = arith.constant 0 : i32
      %dma_start3A_178 = tpu.memref_slice %arg16[%run_scoped3A, %dma_start3A_177] : memref<4x128xf32, #tpu.memory_space<vmem>> -> memref<1x128xf32, #tpu.memory_space<vmem>>
      %dma_start3A_179 = tpu.memref_squeeze %dma_start3A_178 : memref<1x128xf32, #tpu.memory_space<vmem>> -> memref<128xf32, #tpu.memory_space<vmem>>
      tpu.enqueue_dma source(%dma_start3A_179 : memref<128xf32, #tpu.memory_space<vmem>>) target(%dma_start3A_176 : memref<128xf32, #tpu.memory_space<vmem_shared>>) target_semaphore(%run_scoped3A_171 : memref<!tpu.dma_semaphore, #tpu.memory_space<semaphore_mem>>)
      %dma_wait3A_180 = arith.constant 0 : i32
      %dma_wait3A_181 = tpu.memref_slice %arg16[%run_scoped3A, %dma_wait3A_180] : memref<4x128xf32, #tpu.memory_space<vmem>> -> memref<1x128xf32, #tpu.memory_space<vmem>>
      %dma_wait3A_182 = tpu.memref_squeeze %dma_wait3A_181 : memref<1x128xf32, #tpu.memory_space<vmem>> -> memref<128xf32, #tpu.memory_space<vmem>>
      %dma_wait3A_183 = tpu.memref_slice %arg17[%add3A_9] : memref<10240xf32, #tpu.memory_space<vmem_shared>> -> memref<128xf32, #tpu.memory_space<vmem_shared>>
      %dma_wait3A_184 = tpu.memref_slice %arg17[%add3A_9] : memref<10240xf32, #tpu.memory_space<vmem_shared>> -> memref<128xf32, #tpu.memory_space<vmem_shared>>
      %dma_wait3A_185 = arith.constant 0 : i32
      %dma_wait3A_186 = tpu.memref_slice %arg16[%run_scoped3A, %dma_wait3A_185] : memref<4x128xf32, #tpu.memory_space<vmem>> -> memref<1x128xf32, #tpu.memory_space<vmem>>
      %dma_wait3A_187 = tpu.memref_squeeze %dma_wait3A_186 : memref<1x128xf32, #tpu.memory_space<vmem>> -> memref<128xf32, #tpu.memory_space<vmem>>
      tpu.wait_dma2 semaphore(%run_scoped3A_171 : memref<!tpu.dma_semaphore, #tpu.memory_space<semaphore_mem>>) src(%dma_wait3A_187 : memref<128xf32, #tpu.memory_space<vmem>>) dst(%dma_wait3A_184 : memref<128xf32, #tpu.memory_space<vmem_shared>>)
      tpu.yield
    }) : () -> ()
    %mul3A_10 = arith.constant 640 : i32
    %mul3A_11 = arith.muli %arg1, %mul3A_10 : i32
    %add3A_12 = arith.constant 0 : i32
    %add3A_13 = arith.addi %mul3A_11, %add3A_12 : i32
    "tpu.region"() ({
      %run_scoped3A_171 = tpu.sem_alloc : memref<!tpu.dma_semaphore, #tpu.memory_space<semaphore_mem>>
      %dma_start3A_172 = arith.constant 0 : i32
      %dma_start3A_173 = tpu.memref_slice %arg18[%add3A_13, %dma_start3A_172] : memref<10240x64xf32, #tpu.memory_space<vmem_shared>> -> memref<128x64xf32, #tpu.memory_space<vmem_shared>>
      %dma_start3A_174 = arith.constant 0 : i32
      %dma_start3A_175 = tpu.memref_slice %arg18[%add3A_13, %dma_start3A_174] : memref<10240x64xf32, #tpu.memory_space<vmem_shared>> -> memref<128x64xf32, #tpu.memory_space<vmem_shared>>
      tpu.enqueue_dma source(%arg13 : memref<128x64xf32, #tpu.memory_space<vmem>>) target(%dma_start3A_175 : memref<128x64xf32, #tpu.memory_space<vmem_shared>>) target_semaphore(%run_scoped3A_171 : memref<!tpu.dma_semaphore, #tpu.memory_space<semaphore_mem>>)
      %dma_wait3A_176 = arith.constant 0 : i32
      %dma_wait3A_177 = tpu.memref_slice %arg18[%add3A_13, %dma_wait3A_176] : memref<10240x64xf32, #tpu.memory_space<vmem_shared>> -> memref<128x64xf32, #tpu.memory_space<vmem_shared>>
      %dma_wait3A_178 = arith.constant 0 : i32
      %dma_wait3A_179 = tpu.memref_slice %arg18[%add3A_13, %dma_wait3A_178] : memref<10240x64xf32, #tpu.memory_space<vmem_shared>> -> memref<128x64xf32, #tpu.memory_space<vmem_shared>>
      tpu.wait_dma2 semaphore(%run_scoped3A_171 : memref<!tpu.dma_semaphore, #tpu.memory_space<semaphore_mem>>) src(%arg13 : memref<128x64xf32, #tpu.memory_space<vmem>>) dst(%dma_wait3A_179 : memref<128x64xf32, #tpu.memory_space<vmem_shared>>)
      tpu.yield
    }) : () -> ()
    %mul3A_14 = arith.constant 640 : i32
    %mul3A_15 = arith.muli %arg1, %mul3A_14 : i32
    %add3A_16 = arith.constant 128 : i32
    %add3A_17 = arith.addi %mul3A_15, %add3A_16 : i32
    %run_scoped3A_18 = arith.constant 0 : i32
    "tpu.region"() ({
      %run_scoped3A_171 = tpu.sem_alloc : memref<!tpu.dma_semaphore, #tpu.memory_space<semaphore_mem>>
      %dma_start3A_172 = arith.constant 0 : i32
      %dma_start3A_173 = tpu.memref_slice %arg16[%run_scoped3A_18, %dma_start3A_172] : memref<4x128xf32, #tpu.memory_space<vmem>> -> memref<1x128xf32, #tpu.memory_space<vmem>>
      %dma_start3A_174 = tpu.memref_squeeze %dma_start3A_173 : memref<1x128xf32, #tpu.memory_space<vmem>> -> memref<128xf32, #tpu.memory_space<vmem>>
      %dma_start3A_175 = tpu.memref_slice %arg17[%add3A_17] : memref<10240xf32, #tpu.memory_space<vmem_shared>> -> memref<128xf32, #tpu.memory_space<vmem_shared>>
      %dma_start3A_176 = tpu.memref_slice %arg17[%add3A_17] : memref<10240xf32, #tpu.memory_space<vmem_shared>> -> memref<128xf32, #tpu.memory_space<vmem_shared>>
      %dma_start3A_177 = arith.constant 0 : i32
      %dma_start3A_178 = tpu.memref_slice %arg16[%run_scoped3A_18, %dma_start3A_177] : memref<4x128xf32, #tpu.memory_space<vmem>> -> memref<1x128xf32, #tpu.memory_space<vmem>>
      %dma_start3A_179 = tpu.memref_squeeze %dma_start3A_178 : memref<1x128xf32, #tpu.memory_space<vmem>> -> memref<128xf32, #tpu.memory_space<vmem>>
      tpu.enqueue_dma source(%dma_start3A_179 : memref<128xf32, #tpu.memory_space<vmem>>) target(%dma_start3A_176 : memref<128xf32, #tpu.memory_space<vmem_shared>>) target_semaphore(%run_scoped3A_171 : memref<!tpu.dma_semaphore, #tpu.memory_space<semaphore_mem>>)
      %dma_wait3A_180 = arith.constant 0 : i32
      %dma_wait3A_181 = tpu.memref_slice %arg16[%run_scoped3A_18, %dma_wait3A_180] : memref<4x128xf32, #tpu.memory_space<vmem>> -> memref<1x128xf32, #tpu.memory_space<vmem>>
      %dma_wait3A_182 = tpu.memref_squeeze %dma_wait3A_181 : memref<1x128xf32, #tpu.memory_space<vmem>> -> memref<128xf32, #tpu.memory_space<vmem>>
      %dma_wait3A_183 = tpu.memref_slice %arg17[%add3A_17] : memref<10240xf32, #tpu.memory_space<vmem_shared>> -> memref<128xf32, #tpu.memory_space<vmem_shared>>
      %dma_wait3A_184 = tpu.memref_slice %arg17[%add3A_17] : memref<10240xf32, #tpu.memory_space<vmem_shared>> -> memref<128xf32, #tpu.memory_space<vmem_shared>>
      %dma_wait3A_185 = arith.constant 0 : i32
      %dma_wait3A_186 = tpu.memref_slice %arg16[%run_scoped3A_18, %dma_wait3A_185] : memref<4x128xf32, #tpu.memory_space<vmem>> -> memref<1x128xf32, #tpu.memory_space<vmem>>
      %dma_wait3A_187 = tpu.memref_squeeze %dma_wait3A_186 : memref<1x128xf32, #tpu.memory_space<vmem>> -> memref<128xf32, #tpu.memory_space<vmem>>
      tpu.wait_dma2 semaphore(%run_scoped3A_171 : memref<!tpu.dma_semaphore, #tpu.memory_space<semaphore_mem>>) src(%dma_wait3A_187 : memref<128xf32, #tpu.memory_space<vmem>>) dst(%dma_wait3A_184 : memref<128xf32, #tpu.memory_space<vmem_shared>>)
      tpu.yield
    }) : () -> ()
    %mul3A_19 = arith.constant 640 : i32
    %mul3A_20 = arith.muli %arg1, %mul3A_19 : i32
    %add3A_21 = arith.constant 128 : i32
    %add3A_22 = arith.addi %mul3A_20, %add3A_21 : i32
    "tpu.region"() ({
      %run_scoped3A_171 = tpu.sem_alloc : memref<!tpu.dma_semaphore, #tpu.memory_space<semaphore_mem>>
      %dma_start3A_172 = arith.constant 0 : i32
      %dma_start3A_173 = tpu.memref_slice %arg18[%add3A_22, %dma_start3A_172] : memref<10240x64xf32, #tpu.memory_space<vmem_shared>> -> memref<128x64xf32, #tpu.memory_space<vmem_shared>>
      %dma_start3A_174 = arith.constant 0 : i32
      %dma_start3A_175 = tpu.memref_slice %arg18[%add3A_22, %dma_start3A_174] : memref<10240x64xf32, #tpu.memory_space<vmem_shared>> -> memref<128x64xf32, #tpu.memory_space<vmem_shared>>
      tpu.enqueue_dma source(%arg13 : memref<128x64xf32, #tpu.memory_space<vmem>>) target(%dma_start3A_175 : memref<128x64xf32, #tpu.memory_space<vmem_shared>>) target_semaphore(%run_scoped3A_171 : memref<!tpu.dma_semaphore, #tpu.memory_space<semaphore_mem>>)
      %dma_wait3A_176 = arith.constant 0 : i32
      %dma_wait3A_177 = tpu.memref_slice %arg18[%add3A_22, %dma_wait3A_176] : memref<10240x64xf32, #tpu.memory_space<vmem_shared>> -> memref<128x64xf32, #tpu.memory_space<vmem_shared>>
      %dma_wait3A_178 = arith.constant 0 : i32
      %dma_wait3A_179 = tpu.memref_slice %arg18[%add3A_22, %dma_wait3A_178] : memref<10240x64xf32, #tpu.memory_space<vmem_shared>> -> memref<128x64xf32, #tpu.memory_space<vmem_shared>>
      tpu.wait_dma2 semaphore(%run_scoped3A_171 : memref<!tpu.dma_semaphore, #tpu.memory_space<semaphore_mem>>) src(%arg13 : memref<128x64xf32, #tpu.memory_space<vmem>>) dst(%dma_wait3A_179 : memref<128x64xf32, #tpu.memory_space<vmem_shared>>)
      tpu.yield
    }) : () -> ()
    %mul3A_23 = arith.constant 640 : i32
    %mul3A_24 = arith.muli %arg1, %mul3A_23 : i32
    %add3A_25 = arith.constant 256 : i32
    %add3A_26 = arith.addi %mul3A_24, %add3A_25 : i32
    %run_scoped3A_27 = arith.constant 0 : i32
    "tpu.region"() ({
      %run_scoped3A_171 = tpu.sem_alloc : memref<!tpu.dma_semaphore, #tpu.memory_space<semaphore_mem>>
      %dma_start3A_172 = arith.constant 0 : i32
      %dma_start3A_173 = tpu.memref_slice %arg16[%run_scoped3A_27, %dma_start3A_172] : memref<4x128xf32, #tpu.memory_space<vmem>> -> memref<1x128xf32, #tpu.memory_space<vmem>>
      %dma_start3A_174 = tpu.memref_squeeze %dma_start3A_173 : memref<1x128xf32, #tpu.memory_space<vmem>> -> memref<128xf32, #tpu.memory_space<vmem>>
      %dma_start3A_175 = tpu.memref_slice %arg17[%add3A_26] : memref<10240xf32, #tpu.memory_space<vmem_shared>> -> memref<128xf32, #tpu.memory_space<vmem_shared>>
      %dma_start3A_176 = tpu.memref_slice %arg17[%add3A_26] : memref<10240xf32, #tpu.memory_space<vmem_shared>> -> memref<128xf32, #tpu.memory_space<vmem_shared>>
      %dma_start3A_177 = arith.constant 0 : i32
      %dma_start3A_178 = tpu.memref_slice %arg16[%run_scoped3A_27, %dma_start3A_177] : memref<4x128xf32, #tpu.memory_space<vmem>> -> memref<1x128xf32, #tpu.memory_space<vmem>>
      %dma_start3A_179 = tpu.memref_squeeze %dma_start3A_178 : memref<1x128xf32, #tpu.memory_space<vmem>> -> memref<128xf32, #tpu.memory_space<vmem>>
      tpu.enqueue_dma source(%dma_start3A_179 : memref<128xf32, #tpu.memory_space<vmem>>) target(%dma_start3A_176 : memref<128xf32, #tpu.memory_space<vmem_shared>>) target_semaphore(%run_scoped3A_171 : memref<!tpu.dma_semaphore, #tpu.memory_space<semaphore_mem>>)
      %dma_wait3A_180 = arith.constant 0 : i32
      %dma_wait3A_181 = tpu.memref_slice %arg16[%run_scoped3A_27, %dma_wait3A_180] : memref<4x128xf32, #tpu.memory_space<vmem>> -> memref<1x128xf32, #tpu.memory_space<vmem>>
      %dma_wait3A_182 = tpu.memref_squeeze %dma_wait3A_181 : memref<1x128xf32, #tpu.memory_space<vmem>> -> memref<128xf32, #tpu.memory_space<vmem>>
      %dma_wait3A_183 = tpu.memref_slice %arg17[%add3A_26] : memref<10240xf32, #tpu.memory_space<vmem_shared>> -> memref<128xf32, #tpu.memory_space<vmem_shared>>
      %dma_wait3A_184 = tpu.memref_slice %arg17[%add3A_26] : memref<10240xf32, #tpu.memory_space<vmem_shared>> -> memref<128xf32, #tpu.memory_space<vmem_shared>>
      %dma_wait3A_185 = arith.constant 0 : i32
      %dma_wait3A_186 = tpu.memref_slice %arg16[%run_scoped3A_27, %dma_wait3A_185] : memref<4x128xf32, #tpu.memory_space<vmem>> -> memref<1x128xf32, #tpu.memory_space<vmem>>
      %dma_wait3A_187 = tpu.memref_squeeze %dma_wait3A_186 : memref<1x128xf32, #tpu.memory_space<vmem>> -> memref<128xf32, #tpu.memory_space<vmem>>
      tpu.wait_dma2 semaphore(%run_scoped3A_171 : memref<!tpu.dma_semaphore, #tpu.memory_space<semaphore_mem>>) src(%dma_wait3A_187 : memref<128xf32, #tpu.memory_space<vmem>>) dst(%dma_wait3A_184 : memref<128xf32, #tpu.memory_space<vmem_shared>>)
      tpu.yield
    }) : () -> ()
    %mul3A_28 = arith.constant 640 : i32
    %mul3A_29 = arith.muli %arg1, %mul3A_28 : i32
    %add3A_30 = arith.constant 256 : i32
    %add3A_31 = arith.addi %mul3A_29, %add3A_30 : i32
    "tpu.region"() ({
      %run_scoped3A_171 = tpu.sem_alloc : memref<!tpu.dma_semaphore, #tpu.memory_space<semaphore_mem>>
      %dma_start3A_172 = arith.constant 0 : i32
      %dma_start3A_173 = tpu.memref_slice %arg18[%add3A_31, %dma_start3A_172] : memref<10240x64xf32, #tpu.memory_space<vmem_shared>> -> memref<128x64xf32, #tpu.memory_space<vmem_shared>>
      %dma_start3A_174 = arith.constant 0 : i32
      %dma_start3A_175 = tpu.memref_slice %arg18[%add3A_31, %dma_start3A_174] : memref<10240x64xf32, #tpu.memory_space<vmem_shared>> -> memref<128x64xf32, #tpu.memory_space<vmem_shared>>
      tpu.enqueue_dma source(%arg13 : memref<128x64xf32, #tpu.memory_space<vmem>>) target(%dma_start3A_175 : memref<128x64xf32, #tpu.memory_space<vmem_shared>>) target_semaphore(%run_scoped3A_171 : memref<!tpu.dma_semaphore, #tpu.memory_space<semaphore_mem>>)
      %dma_wait3A_176 = arith.constant 0 : i32
      %dma_wait3A_177 = tpu.memref_slice %arg18[%add3A_31, %dma_wait3A_176] : memref<10240x64xf32, #tpu.memory_space<vmem_shared>> -> memref<128x64xf32, #tpu.memory_space<vmem_shared>>
      %dma_wait3A_178 = arith.constant 0 : i32
      %dma_wait3A_179 = tpu.memref_slice %arg18[%add3A_31, %dma_wait3A_178] : memref<10240x64xf32, #tpu.memory_space<vmem_shared>> -> memref<128x64xf32, #tpu.memory_space<vmem_shared>>
      tpu.wait_dma2 semaphore(%run_scoped3A_171 : memref<!tpu.dma_semaphore, #tpu.memory_space<semaphore_mem>>) src(%arg13 : memref<128x64xf32, #tpu.memory_space<vmem>>) dst(%dma_wait3A_179 : memref<128x64xf32, #tpu.memory_space<vmem_shared>>)
      tpu.yield
    }) : () -> ()
    %mul3A_32 = arith.constant 640 : i32
    %mul3A_33 = arith.muli %arg1, %mul3A_32 : i32
    %add3A_34 = arith.constant 384 : i32
    %add3A_35 = arith.addi %mul3A_33, %add3A_34 : i32
    %run_scoped3A_36 = arith.constant 0 : i32
    "tpu.region"() ({
      %run_scoped3A_171 = tpu.sem_alloc : memref<!tpu.dma_semaphore, #tpu.memory_space<semaphore_mem>>
      %dma_start3A_172 = arith.constant 0 : i32
      %dma_start3A_173 = tpu.memref_slice %arg16[%run_scoped3A_36, %dma_start3A_172] : memref<4x128xf32, #tpu.memory_space<vmem>> -> memref<1x128xf32, #tpu.memory_space<vmem>>
      %dma_start3A_174 = tpu.memref_squeeze %dma_start3A_173 : memref<1x128xf32, #tpu.memory_space<vmem>> -> memref<128xf32, #tpu.memory_space<vmem>>
      %dma_start3A_175 = tpu.memref_slice %arg17[%add3A_35] : memref<10240xf32, #tpu.memory_space<vmem_shared>> -> memref<128xf32, #tpu.memory_space<vmem_shared>>
      %dma_start3A_176 = tpu.memref_slice %arg17[%add3A_35] : memref<10240xf32, #tpu.memory_space<vmem_shared>> -> memref<128xf32, #tpu.memory_space<vmem_shared>>
      %dma_start3A_177 = arith.constant 0 : i32
      %dma_start3A_178 = tpu.memref_slice %arg16[%run_scoped3A_36, %dma_start3A_177] : memref<4x128xf32, #tpu.memory_space<vmem>> -> memref<1x128xf32, #tpu.memory_space<vmem>>
      %dma_start3A_179 = tpu.memref_squeeze %dma_start3A_178 : memref<1x128xf32, #tpu.memory_space<vmem>> -> memref<128xf32, #tpu.memory_space<vmem>>
      tpu.enqueue_dma source(%dma_start3A_179 : memref<128xf32, #tpu.memory_space<vmem>>) target(%dma_start3A_176 : memref<128xf32, #tpu.memory_space<vmem_shared>>) target_semaphore(%run_scoped3A_171 : memref<!tpu.dma_semaphore, #tpu.memory_space<semaphore_mem>>)
      %dma_wait3A_180 = arith.constant 0 : i32
      %dma_wait3A_181 = tpu.memref_slice %arg16[%run_scoped3A_36, %dma_wait3A_180] : memref<4x128xf32, #tpu.memory_space<vmem>> -> memref<1x128xf32, #tpu.memory_space<vmem>>
      %dma_wait3A_182 = tpu.memref_squeeze %dma_wait3A_181 : memref<1x128xf32, #tpu.memory_space<vmem>> -> memref<128xf32, #tpu.memory_space<vmem>>
      %dma_wait3A_183 = tpu.memref_slice %arg17[%add3A_35] : memref<10240xf32, #tpu.memory_space<vmem_shared>> -> memref<128xf32, #tpu.memory_space<vmem_shared>>
      %dma_wait3A_184 = tpu.memref_slice %arg17[%add3A_35] : memref<10240xf32, #tpu.memory_space<vmem_shared>> -> memref<128xf32, #tpu.memory_space<vmem_shared>>
      %dma_wait3A_185 = arith.constant 0 : i32
      %dma_wait3A_186 = tpu.memref_slice %arg16[%run_scoped3A_36, %dma_wait3A_185] : memref<4x128xf32, #tpu.memory_space<vmem>> -> memref<1x128xf32, #tpu.memory_space<vmem>>
      %dma_wait3A_187 = tpu.memref_squeeze %dma_wait3A_186 : memref<1x128xf32, #tpu.memory_space<vmem>> -> memref<128xf32, #tpu.memory_space<vmem>>
      tpu.wait_dma2 semaphore(%run_scoped3A_171 : memref<!tpu.dma_semaphore, #tpu.memory_space<semaphore_mem>>) src(%dma_wait3A_187 : memref<128xf32, #tpu.memory_space<vmem>>) dst(%dma_wait3A_184 : memref<128xf32, #tpu.memory_space<vmem_shared>>)
      tpu.yield
    }) : () -> ()
    %mul3A_37 = arith.constant 640 : i32
    %mul3A_38 = arith.muli %arg1, %mul3A_37 : i32
    %add3A_39 = arith.constant 384 : i32
    %add3A_40 = arith.addi %mul3A_38, %add3A_39 : i32
    "tpu.region"() ({
      %run_scoped3A_171 = tpu.sem_alloc : memref<!tpu.dma_semaphore, #tpu.memory_space<semaphore_mem>>
      %dma_start3A_172 = arith.constant 0 : i32
      %dma_start3A_173 = tpu.memref_slice %arg18[%add3A_40, %dma_start3A_172] : memref<10240x64xf32, #tpu.memory_space<vmem_shared>> -> memref<128x64xf32, #tpu.memory_space<vmem_shared>>
      %dma_start3A_174 = arith.constant 0 : i32
      %dma_start3A_175 = tpu.memref_slice %arg18[%add3A_40, %dma_start3A_174] : memref<10240x64xf32, #tpu.memory_space<vmem_shared>> -> memref<128x64xf32, #tpu.memory_space<vmem_shared>>
      tpu.enqueue_dma source(%arg13 : memref<128x64xf32, #tpu.memory_space<vmem>>) target(%dma_start3A_175 : memref<128x64xf32, #tpu.memory_space<vmem_shared>>) target_semaphore(%run_scoped3A_171 : memref<!tpu.dma_semaphore, #tpu.memory_space<semaphore_mem>>)
      %dma_wait3A_176 = arith.constant 0 : i32
      %dma_wait3A_177 = tpu.memref_slice %arg18[%add3A_40, %dma_wait3A_176] : memref<10240x64xf32, #tpu.memory_space<vmem_shared>> -> memref<128x64xf32, #tpu.memory_space<vmem_shared>>
      %dma_wait3A_178 = arith.constant 0 : i32
      %dma_wait3A_179 = tpu.memref_slice %arg18[%add3A_40, %dma_wait3A_178] : memref<10240x64xf32, #tpu.memory_space<vmem_shared>> -> memref<128x64xf32, #tpu.memory_space<vmem_shared>>
      tpu.wait_dma2 semaphore(%run_scoped3A_171 : memref<!tpu.dma_semaphore, #tpu.memory_space<semaphore_mem>>) src(%arg13 : memref<128x64xf32, #tpu.memory_space<vmem>>) dst(%dma_wait3A_179 : memref<128x64xf32, #tpu.memory_space<vmem_shared>>)
      tpu.yield
    }) : () -> ()
    %mul3A_41 = arith.constant 640 : i32
    %mul3A_42 = arith.muli %arg1, %mul3A_41 : i32
    %add3A_43 = arith.constant 512 : i32
    %add3A_44 = arith.addi %mul3A_42, %add3A_43 : i32
    %run_scoped3A_45 = arith.constant 0 : i32
    "tpu.region"() ({
      %run_scoped3A_171 = tpu.sem_alloc : memref<!tpu.dma_semaphore, #tpu.memory_space<semaphore_mem>>
      %dma_start3A_172 = arith.constant 0 : i32
      %dma_start3A_173 = tpu.memref_slice %arg16[%run_scoped3A_45, %dma_start3A_172] : memref<4x128xf32, #tpu.memory_space<vmem>> -> memref<1x128xf32, #tpu.memory_space<vmem>>
      %dma_start3A_174 = tpu.memref_squeeze %dma_start3A_173 : memref<1x128xf32, #tpu.memory_space<vmem>> -> memref<128xf32, #tpu.memory_space<vmem>>
      %dma_start3A_175 = tpu.memref_slice %arg17[%add3A_44] : memref<10240xf32, #tpu.memory_space<vmem_shared>> -> memref<128xf32, #tpu.memory_space<vmem_shared>>
      %dma_start3A_176 = tpu.memref_slice %arg17[%add3A_44] : memref<10240xf32, #tpu.memory_space<vmem_shared>> -> memref<128xf32, #tpu.memory_space<vmem_shared>>
      %dma_start3A_177 = arith.constant 0 : i32
      %dma_start3A_178 = tpu.memref_slice %arg16[%run_scoped3A_45, %dma_start3A_177] : memref<4x128xf32, #tpu.memory_space<vmem>> -> memref<1x128xf32, #tpu.memory_space<vmem>>
      %dma_start3A_179 = tpu.memref_squeeze %dma_start3A_178 : memref<1x128xf32, #tpu.memory_space<vmem>> -> memref<128xf32, #tpu.memory_space<vmem>>
      tpu.enqueue_dma source(%dma_start3A_179 : memref<128xf32, #tpu.memory_space<vmem>>) target(%dma_start3A_176 : memref<128xf32, #tpu.memory_space<vmem_shared>>) target_semaphore(%run_scoped3A_171 : memref<!tpu.dma_semaphore, #tpu.memory_space<semaphore_mem>>)
      %dma_wait3A_180 = arith.constant 0 : i32
      %dma_wait3A_181 = tpu.memref_slice %arg16[%run_scoped3A_45, %dma_wait3A_180] : memref<4x128xf32, #tpu.memory_space<vmem>> -> memref<1x128xf32, #tpu.memory_space<vmem>>
      %dma_wait3A_182 = tpu.memref_squeeze %dma_wait3A_181 : memref<1x128xf32, #tpu.memory_space<vmem>> -> memref<128xf32, #tpu.memory_space<vmem>>
      %dma_wait3A_183 = tpu.memref_slice %arg17[%add3A_44] : memref<10240xf32, #tpu.memory_space<vmem_shared>> -> memref<128xf32, #tpu.memory_space<vmem_shared>>
      %dma_wait3A_184 = tpu.memref_slice %arg17[%add3A_44] : memref<10240xf32, #tpu.memory_space<vmem_shared>> -> memref<128xf32, #tpu.memory_space<vmem_shared>>
      %dma_wait3A_185 = arith.constant 0 : i32
      %dma_wait3A_186 = tpu.memref_slice %arg16[%run_scoped3A_45, %dma_wait3A_185] : memref<4x128xf32, #tpu.memory_space<vmem>> -> memref<1x128xf32, #tpu.memory_space<vmem>>
      %dma_wait3A_187 = tpu.memref_squeeze %dma_wait3A_186 : memref<1x128xf32, #tpu.memory_space<vmem>> -> memref<128xf32, #tpu.memory_space<vmem>>
      tpu.wait_dma2 semaphore(%run_scoped3A_171 : memref<!tpu.dma_semaphore, #tpu.memory_space<semaphore_mem>>) src(%dma_wait3A_187 : memref<128xf32, #tpu.memory_space<vmem>>) dst(%dma_wait3A_184 : memref<128xf32, #tpu.memory_space<vmem_shared>>)
      tpu.yield
    }) : () -> ()
    %mul3A_46 = arith.constant 640 : i32
    %mul3A_47 = arith.muli %arg1, %mul3A_46 : i32
    %add3A_48 = arith.constant 512 : i32
    %add3A_49 = arith.addi %mul3A_47, %add3A_48 : i32
    "tpu.region"() ({
      %run_scoped3A_171 = tpu.sem_alloc : memref<!tpu.dma_semaphore, #tpu.memory_space<semaphore_mem>>
      %dma_start3A_172 = arith.constant 0 : i32
      %dma_start3A_173 = tpu.memref_slice %arg18[%add3A_49, %dma_start3A_172] : memref<10240x64xf32, #tpu.memory_space<vmem_shared>> -> memref<128x64xf32, #tpu.memory_space<vmem_shared>>
      %dma_start3A_174 = arith.constant 0 : i32
      %dma_start3A_175 = tpu.memref_slice %arg18[%add3A_49, %dma_start3A_174] : memref<10240x64xf32, #tpu.memory_space<vmem_shared>> -> memref<128x64xf32, #tpu.memory_space<vmem_shared>>
      tpu.enqueue_dma source(%arg13 : memref<128x64xf32, #tpu.memory_space<vmem>>) target(%dma_start3A_175 : memref<128x64xf32, #tpu.memory_space<vmem_shared>>) target_semaphore(%run_scoped3A_171 : memref<!tpu.dma_semaphore, #tpu.memory_space<semaphore_mem>>)
      %dma_wait3A_176 = arith.constant 0 : i32
      %dma_wait3A_177 = tpu.memref_slice %arg18[%add3A_49, %dma_wait3A_176] : memref<10240x64xf32, #tpu.memory_space<vmem_shared>> -> memref<128x64xf32, #tpu.memory_space<vmem_shared>>
      %dma_wait3A_178 = arith.constant 0 : i32
      %dma_wait3A_179 = tpu.memref_slice %arg18[%add3A_49, %dma_wait3A_178] : memref<10240x64xf32, #tpu.memory_space<vmem_shared>> -> memref<128x64xf32, #tpu.memory_space<vmem_shared>>
      tpu.wait_dma2 semaphore(%run_scoped3A_171 : memref<!tpu.dma_semaphore, #tpu.memory_space<semaphore_mem>>) src(%arg13 : memref<128x64xf32, #tpu.memory_space<vmem>>) dst(%dma_wait3A_179 : memref<128x64xf32, #tpu.memory_space<vmem_shared>>)
      tpu.yield
    }) : () -> ()
    %barrier3A = arith.constant 0 : index
    tpu.barrier barrier_id(%barrier3A)
    %get3A = arith.constant 0 : i32
    %get3A_50 = arith.index_cast %get3A : i32 to index
    %get3A_51 = arith.constant 0 : index
    %get3A_52 = tpu.vector_load %arg15[%get3A_50, %get3A_51] {strides = array<i32>} : memref<2x128xf32, #tpu.memory_space<vmem>>, vector<16xf32>,
    %scan3A_53 = arith.constant 1 : i32
    %scan3A_54 = arith.constant 7 : i32
    %scan3A_55 = arith.addi %scan3A_53, %scan3A_54 : i32
    %scan3A_56 = arith.constant 1 : i32
    %scan3A_57 = scf.for %scan3A_171 = %scan3A_53 to %scan3A_55 step %scan3A_56 iter_args(%scan3A_172 = %get3A_52) -> (vector<16xf32>)  : i32 {
      %mul3A_173 = arith.constant 16 : i32
      %mul3A_174 = arith.muli %scan3A_171, %mul3A_173 : i32
      %get3A_175 = arith.constant 0 : i32
      %get3A_176 = arith.index_cast %get3A_175 : i32 to index
      %get3A_177 = arith.index_cast %mul3A_174 : i32 to index
      %get3A_178 = tpu.vector_load %arg15[%get3A_176, %get3A_177] {strides = array<i32>} : memref<2x128xf32, #tpu.memory_space<vmem>>, vector<16xf32>,
      %max3A_179 = arith.maximumf %scan3A_172, %get3A_178 : vector<16xf32>
      scf.yield %max3A_179 : vector<16xf32>
    }
    %scan3A_58 = arith.constant 7 : i32
    %reduce_max3A = arith.constant true
    %reduce_max3A_59 = vector.broadcast %reduce_max3A : i1 to vector<16xi1>
    %reduce_max3A_60 = tpu.scan <max>, %scan3A_57 masked %reduce_max3A_59 : vector<16xf32>, vector<16xi1> -> vector<16xf32>
    %reduce_max3A_61 = vector.extract %reduce_max3A_60[15] : f32 from vector<16xf32>
    %get3A_62 = arith.constant 1 : i32
    %get3A_63 = arith.index_cast %get3A_62 : i32 to index
    %get3A_64 = arith.constant 0 : index
    %get3A_65 = tpu.vector_load %arg15[%get3A_63, %get3A_64] {strides = array<i32>} : memref<2x128xf32, #tpu.memory_space<vmem>>, vector<16xf32>,
    %scan3A_66 = arith.constant 1 : i32
    %scan3A_67 = arith.constant 7 : i32
    %scan3A_68 = arith.addi %scan3A_66, %scan3A_67 : i32
    %scan3A_69 = arith.constant 1 : i32
    %scan3A_70 = scf.for %scan3A_171 = %scan3A_66 to %scan3A_68 step %scan3A_69 iter_args(%scan3A_172 = %get3A_65) -> (vector<16xf32>)  : i32 {
      %mul3A_173 = arith.constant 16 : i32
      %mul3A_174 = arith.muli %scan3A_171, %mul3A_173 : i32
      %get3A_175 = arith.constant 1 : i32
      %get3A_176 = arith.index_cast %get3A_175 : i32 to index
      %get3A_177 = arith.index_cast %mul3A_174 : i32 to index
      %get3A_178 = tpu.vector_load %arg15[%get3A_176, %get3A_177] {strides = array<i32>} : memref<2x128xf32, #tpu.memory_space<vmem>>, vector<16xf32>,
      %max3A_179 = arith.maximumf %scan3A_172, %get3A_178 : vector<16xf32>
      scf.yield %max3A_179 : vector<16xf32>
    }
    %scan3A_71 = arith.constant 7 : i32
    %reduce_max3A_72 = arith.constant true
    %reduce_max3A_73 = vector.broadcast %reduce_max3A_72 : i1 to vector<16xi1>
    %reduce_max3A_74 = tpu.scan <max>, %scan3A_70 masked %reduce_max3A_73 : vector<16xf32>, vector<16xi1> -> vector<16xf32>
    %reduce_max3A_75 = vector.extract %reduce_max3A_74[15] : f32 from vector<16xf32>
    %add3A_76 = arith.addf %reduce_max3A_61, %reduce_max3A_75 : f32
    %max3A = arith.constant 0.000000e+00 : f32
    %max3A_77 = arith.maximumf %add3A_76, %max3A : f32
    %dma_start3A = arith.constant 0 : i32
    %dma_start3A_78 = arith.constant 0 : i32
    %dma_start3A_79 = arith.constant 0 : i32
    %dma_start3A_80 = tpu.memref_slice %arg12[%dma_start3A_78, %dma_start3A_79] : memref<158x128xf32, #tpu.memory_space<vmem>> -> memref<1x128xf32, #tpu.memory_space<vmem>>
    %dma_start3A_81 = tpu.memref_squeeze %dma_start3A_80 : memref<1x128xf32, #tpu.memory_space<vmem>> -> memref<128xf32, #tpu.memory_space<vmem>>
    %dma_start3A_82 = arith.constant 0 : i32
    %dma_start3A_83 = tpu.memref_slice %arg10[%dma_start3A, %dma_start3A_82] : memref<158x128xi32, #tpu.memory_space<vmem>> -> memref<1x128xi32, #tpu.memory_space<vmem>>
    %dma_start3A_84 = tpu.memref_squeeze %dma_start3A_83 : memref<1x128xi32, #tpu.memory_space<vmem>> -> memref<128xi32, #tpu.memory_space<vmem>>
    %dma_start3A_85 = arith.constant 0 : i32
    %dma_start3A_86 = tpu.memref_slice %arg2[%dma_start3A_85] : memref<10240xf32, #tpu.memory_space<hbm>> -> memref<10240xf32, #tpu.memory_space<hbm>>
    tpu.enqueue_indirect_dma source(%dma_start3A_86 : memref<10240xf32, #tpu.memory_space<hbm>>) target(%dma_start3A_81 : memref<128xf32, #tpu.memory_space<vmem>>) offsets(%dma_start3A_84 : memref<128xi32, #tpu.memory_space<vmem>>) semaphore(%arg23 : memref<!tpu.dma_semaphore, #tpu.memory_space<semaphore_mem>>)
    %dma_start3A_87 = arith.constant 0 : i32
    %dma_start3A_88 = arith.constant 0 : i32
    %dma_start3A_89 = arith.constant 0 : i32
    %dma_start3A_90 = tpu.memref_slice %arg16[%dma_start3A_88, %dma_start3A_89] : memref<4x128xf32, #tpu.memory_space<vmem>> -> memref<1x128xf32, #tpu.memory_space<vmem>>
    %dma_start3A_91 = tpu.memref_squeeze %dma_start3A_90 : memref<1x128xf32, #tpu.memory_space<vmem>> -> memref<128xf32, #tpu.memory_space<vmem>>
    %dma_start3A_92 = arith.constant 0 : i32
    %dma_start3A_93 = tpu.memref_slice %arg11[%dma_start3A_87, %dma_start3A_92] : memref<158x128xi32, #tpu.memory_space<vmem>> -> memref<1x128xi32, #tpu.memory_space<vmem>>
    %dma_start3A_94 = tpu.memref_squeeze %dma_start3A_93 : memref<1x128xi32, #tpu.memory_space<vmem>> -> memref<128xi32, #tpu.memory_space<vmem>>
    %dma_start3A_95 = arith.constant 0 : i32
    %dma_start3A_96 = tpu.memref_slice %arg3[%dma_start3A_95] : memref<10240xf32, #tpu.memory_space<hbm>> -> memref<10240xf32, #tpu.memory_space<hbm>>
    tpu.enqueue_indirect_dma source(%dma_start3A_96 : memref<10240xf32, #tpu.memory_space<hbm>>) target(%dma_start3A_91 : memref<128xf32, #tpu.memory_space<vmem>>) offsets(%dma_start3A_94 : memref<128xi32, #tpu.memory_space<vmem>>) semaphore(%arg24 : memref<!tpu.dma_semaphore, #tpu.memory_space<semaphore_mem>>)
    %dma_start3A_97 = arith.constant 1 : i32
    %dma_start3A_98 = arith.constant 1 : i32
    %dma_start3A_99 = arith.constant 0 : i32
    %dma_start3A_100 = tpu.memref_slice %arg12[%dma_start3A_98, %dma_start3A_99] : memref<158x128xf32, #tpu.memory_space<vmem>> -> memref<1x128xf32, #tpu.memory_space<vmem>>
    %dma_start3A_101 = tpu.memref_squeeze %dma_start3A_100 : memref<1x128xf32, #tpu.memory_space<vmem>> -> memref<128xf32, #tpu.memory_space<vmem>>
    %dma_start3A_102 = arith.constant 0 : i32
    %dma_start3A_103 = tpu.memref_slice %arg10[%dma_start3A_97, %dma_start3A_102] : memref<158x128xi32, #tpu.memory_space<vmem>> -> memref<1x128xi32, #tpu.memory_space<vmem>>
    %dma_start3A_104 = tpu.memref_squeeze %dma_start3A_103 : memref<1x128xi32, #tpu.memory_space<vmem>> -> memref<128xi32, #tpu.memory_space<vmem>>
    %dma_start3A_105 = arith.constant 0 : i32
    %dma_start3A_106 = tpu.memref_slice %arg2[%dma_start3A_105] : memref<10240xf32, #tpu.memory_space<hbm>> -> memref<10240xf32, #tpu.memory_space<hbm>>
    tpu.enqueue_indirect_dma source(%dma_start3A_106 : memref<10240xf32, #tpu.memory_space<hbm>>) target(%dma_start3A_101 : memref<128xf32, #tpu.memory_space<vmem>>) offsets(%dma_start3A_104 : memref<128xi32, #tpu.memory_space<vmem>>) semaphore(%arg23 : memref<!tpu.dma_semaphore, #tpu.memory_space<semaphore_mem>>)
    %dma_start3A_107 = arith.constant 1 : i32
    %dma_start3A_108 = arith.constant 1 : i32
    %dma_start3A_109 = arith.constant 0 : i32
    %dma_start3A_110 = tpu.memref_slice %arg16[%dma_start3A_108, %dma_start3A_109] : memref<4x128xf32, #tpu.memory_space<vmem>> -> memref<1x128xf32, #tpu.memory_space<vmem>>
    %dma_start3A_111 = tpu.memref_squeeze %dma_start3A_110 : memref<1x128xf32, #tpu.memory_space<vmem>> -> memref<128xf32, #tpu.memory_space<vmem>>
    %dma_start3A_112 = arith.constant 0 : i32
    %dma_start3A_113 = tpu.memref_slice %arg11[%dma_start3A_107, %dma_start3A_112] : memref<158x128xi32, #tpu.memory_space<vmem>> -> memref<1x128xi32, #tpu.memory_space<vmem>>
    %dma_start3A_114 = tpu.memref_squeeze %dma_start3A_113 : memref<1x128xi32, #tpu.memory_space<vmem>> -> memref<128xi32, #tpu.memory_space<vmem>>
    %dma_start3A_115 = arith.constant 0 : i32
    %dma_start3A_116 = tpu.memref_slice %arg3[%dma_start3A_115] : memref<10240xf32, #tpu.memory_space<hbm>> -> memref<10240xf32, #tpu.memory_space<hbm>>
    tpu.enqueue_indirect_dma source(%dma_start3A_116 : memref<10240xf32, #tpu.memory_space<hbm>>) target(%dma_start3A_111 : memref<128xf32, #tpu.memory_space<vmem>>) offsets(%dma_start3A_114 : memref<128xi32, #tpu.memory_space<vmem>>) semaphore(%arg25 : memref<!tpu.dma_semaphore, #tpu.memory_space<semaphore_mem>>)
    %scan3A_117 = arith.constant 0 : i32
    %scan3A_118 = arith.constant 0 : i32
    %scan3A_119 = arith.constant 79 : i32
    %scan3A_120 = arith.addi %scan3A_118, %scan3A_119 : i32
    %scan3A_121 = arith.constant 1 : i32
    %scan3A_122 = scf.for %scan3A_171 = %scan3A_118 to %scan3A_120 step %scan3A_121 iter_args(%scan3A_172 = %scan3A_117) -> (i32)  : i32 {
      %mul3A_173 = arith.constant 2 : i32
      %mul3A_174 = arith.muli %mul3A_173, %scan3A_171 : i32
      %dma_wait3A_175 = arith.constant 0 : i32
      %dma_wait3A_176 = arith.constant 0 : i32
      %dma_wait3A_177 = tpu.memref_slice %arg12[%dma_wait3A_175, %dma_wait3A_176] : memref<158x128xf32, #tpu.memory_space<vmem>> -> memref<1x128xf32, #tpu.memory_space<vmem>>
      %dma_wait3A_178 = tpu.memref_squeeze %dma_wait3A_177 : memref<1x128xf32, #tpu.memory_space<vmem>> -> memref<128xf32, #tpu.memory_space<vmem>>
      %dma_wait3A_179 = arith.constant 0 : i32
      %dma_wait3A_180 = tpu.memref_slice %arg2[%dma_wait3A_179] : memref<10240xf32, #tpu.memory_space<hbm>> -> memref<128xf32, #tpu.memory_space<hbm>>
      %dma_wait3A_181 = arith.constant 0 : i32
      %dma_wait3A_182 = tpu.memref_slice %arg12[%dma_wait3A_175, %dma_wait3A_181] : memref<158x128xf32, #tpu.memory_space<vmem>> -> memref<1x128xf32, #tpu.memory_space<vmem>>
      %dma_wait3A_183 = tpu.memref_squeeze %dma_wait3A_182 : memref<1x128xf32, #tpu.memory_space<vmem>> -> memref<128xf32, #tpu.memory_space<vmem>>
      %dma_wait3A_184 = arith.constant 0 : i32
      %dma_wait3A_185 = tpu.memref_slice %arg2[%dma_wait3A_184] : memref<10240xf32, #tpu.memory_space<hbm>> -> memref<128xf32, #tpu.memory_space<hbm>>
      tpu.wait_dma2 semaphore(%arg23 : memref<!tpu.dma_semaphore, #tpu.memory_space<semaphore_mem>>) src(%dma_wait3A_185 : memref<128xf32, #tpu.memory_space<hbm>>) dst(%dma_wait3A_183 : memref<128xf32, #tpu.memory_space<vmem>>)
      %dma_wait3A_186 = arith.constant 0 : i32
      %dma_wait3A_187 = arith.constant 0 : i32
      %dma_wait3A_188 = tpu.memref_slice %arg16[%dma_wait3A_186, %dma_wait3A_187] : memref<4x128xf32, #tpu.memory_space<vmem>> -> memref<1x128xf32, #tpu.memory_space<vmem>>
      %dma_wait3A_189 = tpu.memref_squeeze %dma_wait3A_188 : memref<1x128xf32, #tpu.memory_space<vmem>> -> memref<128xf32, #tpu.memory_space<vmem>>
      %dma_wait3A_190 = arith.constant 0 : i32
      %dma_wait3A_191 = tpu.memref_slice %arg3[%dma_wait3A_190] : memref<10240xf32, #tpu.memory_space<hbm>> -> memref<128xf32, #tpu.memory_space<hbm>>
      %dma_wait3A_192 = arith.constant 0 : i32
      %dma_wait3A_193 = tpu.memref_slice %arg16[%dma_wait3A_186, %dma_wait3A_192] : memref<4x128xf32, #tpu.memory_space<vmem>> -> memref<1x128xf32, #tpu.memory_space<vmem>>
      %dma_wait3A_194 = tpu.memref_squeeze %dma_wait3A_193 : memref<1x128xf32, #tpu.memory_space<vmem>> -> memref<128xf32, #tpu.memory_space<vmem>>
      %dma_wait3A_195 = arith.constant 0 : i32
      %dma_wait3A_196 = tpu.memref_slice %arg3[%dma_wait3A_195] : memref<10240xf32, #tpu.memory_space<hbm>> -> memref<128xf32, #tpu.memory_space<hbm>>
      tpu.wait_dma2 semaphore(%arg24 : memref<!tpu.dma_semaphore, #tpu.memory_space<semaphore_mem>>) src(%dma_wait3A_196 : memref<128xf32, #tpu.memory_space<hbm>>) dst(%dma_wait3A_194 : memref<128xf32, #tpu.memory_space<vmem>>)
      %get3A_197 = arith.index_cast %mul3A_174 : i32 to index
      %get3A_198 = arith.constant 0 : index
      %get3A_199 = tpu.vector_load %arg12[%get3A_197, %get3A_198] {strides = array<i32>} : memref<158x128xf32, #tpu.memory_space<vmem>>, vector<16xf32>,
      %get3A_200 = arith.constant 0 : i32
      %get3A_201 = arith.index_cast %get3A_200 : i32 to index
      %get3A_202 = arith.constant 0 : index
      %get3A_203 = tpu.vector_load %arg16[%get3A_201, %get3A_202] {strides = array<i32>} : memref<4x128xf32, #tpu.memory_space<vmem>>, vector<16xf32>,
      %add3A_204 = arith.addf %get3A_199, %get3A_203 : vector<16xf32>
      %gt3A = arith.constant 0.000000e+00 : f32
      %gt3A_205 = vector.broadcast %gt3A : f32 to vector<16xf32>
      %gt3A_206 = arith.cmpf ogt, %add3A_204, %gt3A_205 : vector<16xf32>
      %mul3A_207 = arith.constant 2.000000e-01 : f32
      %mul3A_208 = vector.broadcast %mul3A_207 : f32 to vector<16xf32>
      %mul3A_209 = arith.mulf %mul3A_208, %add3A_204 : vector<16xf32>
      %select_n3A = arith.select %gt3A_206, %add3A_204, %mul3A_209 : vector<16xi1>, vector<16xf32>
      %sub3A = vector.broadcast %max3A_77 : f32 to vector<16xf32>
      %sub3A_210 = arith.subf %select_n3A, %sub3A : vector<16xf32>
      %exp3A = math.exp %sub3A_210 : vector<16xf32>
      %swap3A = arith.index_cast %mul3A_174 : i32 to index
      %swap3A_211 = arith.constant 0 : index
      %swap3A_212 = tpu.vector_load %arg12[%swap3A, %swap3A_211] {strides = array<i32>} : memref<158x128xf32, #tpu.memory_space<vmem>>, vector<16xf32>,
      tpu.vector_store %arg12[%swap3A, %swap3A_211], %exp3A {strides = array<i32>} : memref<158x128xf32, #tpu.memory_space<vmem>>, vector<16xf32>,
      %get3A_213 = arith.index_cast %mul3A_174 : i32 to index
      %get3A_214 = arith.constant 16 : index
      %get3A_215 = tpu.vector_load %arg12[%get3A_213, %get3A_214] {strides = array<i32>} : memref<158x128xf32, #tpu.memory_space<vmem>>, vector<16xf32>,
      %get3A_216 = arith.constant 0 : i32
      %get3A_217 = arith.index_cast %get3A_216 : i32 to index
      %get3A_218 = arith.constant 16 : index
      %get3A_219 = tpu.vector_load %arg16[%get3A_217, %get3A_218] {strides = array<i32>} : memref<4x128xf32, #tpu.memory_space<vmem>>, vector<16xf32>,
      %add3A_220 = arith.addf %get3A_215, %get3A_219 : vector<16xf32>
      %gt3A_221 = arith.constant 0.000000e+00 : f32
      %gt3A_222 = vector.broadcast %gt3A_221 : f32 to vector<16xf32>
      %gt3A_223 = arith.cmpf ogt, %add3A_220, %gt3A_222 : vector<16xf32>
      %mul3A_224 = arith.constant 2.000000e-01 : f32
      %mul3A_225 = vector.broadcast %mul3A_224 : f32 to vector<16xf32>
      %mul3A_226 = arith.mulf %mul3A_225, %add3A_220 : vector<16xf32>
      %select_n3A_227 = arith.select %gt3A_223, %add3A_220, %mul3A_226 : vector<16xi1>, vector<16xf32>
      %sub3A_228 = vector.broadcast %max3A_77 : f32 to vector<16xf32>
      %sub3A_229 = arith.subf %select_n3A_227, %sub3A_228 : vector<16xf32>
      %exp3A_230 = math.exp %sub3A_229 : vector<16xf32>
      %swap3A_231 = arith.index_cast %mul3A_174 : i32 to index
      %swap3A_232 = arith.constant 16 : index
      %swap3A_233 = tpu.vector_load %arg12[%swap3A_231, %swap3A_232] {strides = array<i32>} : memref<158x128xf32, #tpu.memory_space<vmem>>, vector<16xf32>,
      tpu.vector_store %arg12[%swap3A_231, %swap3A_232], %exp3A_230 {strides = array<i32>} : memref<158x128xf32, #tpu.memory_space<vmem>>, vector<16xf32>,
      %get3A_234 = arith.index_cast %mul3A_174 : i32 to index
      %get3A_235 = arith.constant 32 : index
      %get3A_236 = tpu.vector_load %arg12[%get3A_234, %get3A_235] {strides = array<i32>} : memref<158x128xf32, #tpu.memory_space<vmem>>, vector<16xf32>,
      %get3A_237 = arith.constant 0 : i32
      %get3A_238 = arith.index_cast %get3A_237 : i32 to index
      %get3A_239 = arith.constant 32 : index
      %get3A_240 = tpu.vector_load %arg16[%get3A_238, %get3A_239] {strides = array<i32>} : memref<4x128xf32, #tpu.memory_space<vmem>>, vector<16xf32>,
      %add3A_241 = arith.addf %get3A_236, %get3A_240 : vector<16xf32>
      %gt3A_242 = arith.constant 0.000000e+00 : f32
      %gt3A_243 = vector.broadcast %gt3A_242 : f32 to vector<16xf32>
      %gt3A_244 = arith.cmpf ogt, %add3A_241, %gt3A_243 : vector<16xf32>
      %mul3A_245 = arith.constant 2.000000e-01 : f32
      %mul3A_246 = vector.broadcast %mul3A_245 : f32 to vector<16xf32>
      %mul3A_247 = arith.mulf %mul3A_246, %add3A_241 : vector<16xf32>
      %select_n3A_248 = arith.select %gt3A_244, %add3A_241, %mul3A_247 : vector<16xi1>, vector<16xf32>
      %sub3A_249 = vector.broadcast %max3A_77 : f32 to vector<16xf32>
      %sub3A_250 = arith.subf %select_n3A_248, %sub3A_249 : vector<16xf32>
      %exp3A_251 = math.exp %sub3A_250 : vector<16xf32>
      %swap3A_252 = arith.index_cast %mul3A_174 : i32 to index
      %swap3A_253 = arith.constant 32 : index
      %swap3A_254 = tpu.vector_load %arg12[%swap3A_252, %swap3A_253] {strides = array<i32>} : memref<158x128xf32, #tpu.memory_space<vmem>>, vector<16xf32>,
      tpu.vector_store %arg12[%swap3A_252, %swap3A_253], %exp3A_251 {strides = array<i32>} : memref<158x128xf32, #tpu.memory_space<vmem>>, vector<16xf32>,
      %get3A_255 = arith.index_cast %mul3A_174 : i32 to index
      %get3A_256 = arith.constant 48 : index
      %get3A_257 = tpu.vector_load %arg12[%get3A_255, %get3A_256] {strides = array<i32>} : memref<158x128xf32, #tpu.memory_space<vmem>>, vector<16xf32>,
      %get3A_258 = arith.constant 0 : i32
      %get3A_259 = arith.index_cast %get3A_258 : i32 to index
      %get3A_260 = arith.constant 48 : index
      %get3A_261 = tpu.vector_load %arg16[%get3A_259, %get3A_260] {strides = array<i32>} : memref<4x128xf32, #tpu.memory_space<vmem>>, vector<16xf32>,
      %add3A_262 = arith.addf %get3A_257, %get3A_261 : vector<16xf32>
      %gt3A_263 = arith.constant 0.000000e+00 : f32
      %gt3A_264 = vector.broadcast %gt3A_263 : f32 to vector<16xf32>
      %gt3A_265 = arith.cmpf ogt, %add3A_262, %gt3A_264 : vector<16xf32>
      %mul3A_266 = arith.constant 2.000000e-01 : f32
      %mul3A_267 = vector.broadcast %mul3A_266 : f32 to vector<16xf32>
      %mul3A_268 = arith.mulf %mul3A_267, %add3A_262 : vector<16xf32>
      %select_n3A_269 = arith.select %gt3A_265, %add3A_262, %mul3A_268 : vector<16xi1>, vector<16xf32>
      %sub3A_270 = vector.broadcast %max3A_77 : f32 to vector<16xf32>
      %sub3A_271 = arith.subf %select_n3A_269, %sub3A_270 : vector<16xf32>
      %exp3A_272 = math.exp %sub3A_271 : vector<16xf32>
      %swap3A_273 = arith.index_cast %mul3A_174 : i32 to index
      %swap3A_274 = arith.constant 48 : index
      %swap3A_275 = tpu.vector_load %arg12[%swap3A_273, %swap3A_274] {strides = array<i32>} : memref<158x128xf32, #tpu.memory_space<vmem>>, vector<16xf32>,
      tpu.vector_store %arg12[%swap3A_273, %swap3A_274], %exp3A_272 {strides = array<i32>} : memref<158x128xf32, #tpu.memory_space<vmem>>, vector<16xf32>,
      %get3A_276 = arith.index_cast %mul3A_174 : i32 to index
      %get3A_277 = arith.constant 64 : index
      %get3A_278 = tpu.vector_load %arg12[%get3A_276, %get3A_277] {strides = array<i32>} : memref<158x128xf32, #tpu.memory_space<vmem>>, vector<16xf32>,
      %get3A_279 = arith.constant 0 : i32
      %get3A_280 = arith.index_cast %get3A_279 : i32 to index
      %get3A_281 = arith.constant 64 : index
      %get3A_282 = tpu.vector_load %arg16[%get3A_280, %get3A_281] {strides = array<i32>} : memref<4x128xf32, #tpu.memory_space<vmem>>, vector<16xf32>,
      %add3A_283 = arith.addf %get3A_278, %get3A_282 : vector<16xf32>
      %gt3A_284 = arith.constant 0.000000e+00 : f32
      %gt3A_285 = vector.broadcast %gt3A_284 : f32 to vector<16xf32>
      %gt3A_286 = arith.cmpf ogt, %add3A_283, %gt3A_285 : vector<16xf32>
      %mul3A_287 = arith.constant 2.000000e-01 : f32
      %mul3A_288 = vector.broadcast %mul3A_287 : f32 to vector<16xf32>
      %mul3A_289 = arith.mulf %mul3A_288, %add3A_283 : vector<16xf32>
      %select_n3A_290 = arith.select %gt3A_286, %add3A_283, %mul3A_289 : vector<16xi1>, vector<16xf32>
      %sub3A_291 = vector.broadcast %max3A_77 : f32 to vector<16xf32>
      %sub3A_292 = arith.subf %select_n3A_290, %sub3A_291 : vector<16xf32>
      %exp3A_293 = math.exp %sub3A_292 : vector<16xf32>
      %swap3A_294 = arith.index_cast %mul3A_174 : i32 to index
      %swap3A_295 = arith.constant 64 : index
      %swap3A_296 = tpu.vector_load %arg12[%swap3A_294, %swap3A_295] {strides = array<i32>} : memref<158x128xf32, #tpu.memory_space<vmem>>, vector<16xf32>,
      tpu.vector_store %arg12[%swap3A_294, %swap3A_295], %exp3A_293 {strides = array<i32>} : memref<158x128xf32, #tpu.memory_space<vmem>>, vector<16xf32>,
      %get3A_297 = arith.index_cast %mul3A_174 : i32 to index
      %get3A_298 = arith.constant 80 : index
      %get3A_299 = tpu.vector_load %arg12[%get3A_297, %get3A_298] {strides = array<i32>} : memref<158x128xf32, #tpu.memory_space<vmem>>, vector<16xf32>,
      %get3A_300 = arith.constant 0 : i32
      %get3A_301 = arith.index_cast %get3A_300 : i32 to index
      %get3A_302 = arith.constant 80 : index
      %get3A_303 = tpu.vector_load %arg16[%get3A_301, %get3A_302] {strides = array<i32>} : memref<4x128xf32, #tpu.memory_space<vmem>>, vector<16xf32>,
      %add3A_304 = arith.addf %get3A_299, %get3A_303 : vector<16xf32>
      %gt3A_305 = arith.constant 0.000000e+00 : f32
      %gt3A_306 = vector.broadcast %gt3A_305 : f32 to vector<16xf32>
      %gt3A_307 = arith.cmpf ogt, %add3A_304, %gt3A_306 : vector<16xf32>
      %mul3A_308 = arith.constant 2.000000e-01 : f32
      %mul3A_309 = vector.broadcast %mul3A_308 : f32 to vector<16xf32>
      %mul3A_310 = arith.mulf %mul3A_309, %add3A_304 : vector<16xf32>
      %select_n3A_311 = arith.select %gt3A_307, %add3A_304, %mul3A_310 : vector<16xi1>, vector<16xf32>
      %sub3A_312 = vector.broadcast %max3A_77 : f32 to vector<16xf32>
      %sub3A_313 = arith.subf %select_n3A_311, %sub3A_312 : vector<16xf32>
      %exp3A_314 = math.exp %sub3A_313 : vector<16xf32>
      %swap3A_315 = arith.index_cast %mul3A_174 : i32 to index
      %swap3A_316 = arith.constant 80 : index
      %swap3A_317 = tpu.vector_load %arg12[%swap3A_315, %swap3A_316] {strides = array<i32>} : memref<158x128xf32, #tpu.memory_space<vmem>>, vector<16xf32>,
      tpu.vector_store %arg12[%swap3A_315, %swap3A_316], %exp3A_314 {strides = array<i32>} : memref<158x128xf32, #tpu.memory_space<vmem>>, vector<16xf32>,
      %get3A_318 = arith.index_cast %mul3A_174 : i32 to index
      %get3A_319 = arith.constant 96 : index
      %get3A_320 = tpu.vector_load %arg12[%get3A_318, %get3A_319] {strides = array<i32>} : memref<158x128xf32, #tpu.memory_space<vmem>>, vector<16xf32>,
      %get3A_321 = arith.constant 0 : i32
      %get3A_322 = arith.index_cast %get3A_321 : i32 to index
      %get3A_323 = arith.constant 96 : index
      %get3A_324 = tpu.vector_load %arg16[%get3A_322, %get3A_323] {strides = array<i32>} : memref<4x128xf32, #tpu.memory_space<vmem>>, vector<16xf32>,
      %add3A_325 = arith.addf %get3A_320, %get3A_324 : vector<16xf32>
      %gt3A_326 = arith.constant 0.000000e+00 : f32
      %gt3A_327 = vector.broadcast %gt3A_326 : f32 to vector<16xf32>
      %gt3A_328 = arith.cmpf ogt, %add3A_325, %gt3A_327 : vector<16xf32>
      %mul3A_329 = arith.constant 2.000000e-01 : f32
      %mul3A_330 = vector.broadcast %mul3A_329 : f32 to vector<16xf32>
      %mul3A_331 = arith.mulf %mul3A_330, %add3A_325 : vector<16xf32>
      %select_n3A_332 = arith.select %gt3A_328, %add3A_325, %mul3A_331 : vector<16xi1>, vector<16xf32>
      %sub3A_333 = vector.broadcast %max3A_77 : f32 to vector<16xf32>
      %sub3A_334 = arith.subf %select_n3A_332, %sub3A_333 : vector<16xf32>
      %exp3A_335 = math.exp %sub3A_334 : vector<16xf32>
      %swap3A_336 = arith.index_cast %mul3A_174 : i32 to index
      %swap3A_337 = arith.constant 96 : index
      %swap3A_338 = tpu.vector_load %arg12[%swap3A_336, %swap3A_337] {strides = array<i32>} : memref<158x128xf32, #tpu.memory_space<vmem>>, vector<16xf32>,
      tpu.vector_store %arg12[%swap3A_336, %swap3A_337], %exp3A_335 {strides = array<i32>} : memref<158x128xf32, #tpu.memory_space<vmem>>, vector<16xf32>,
      %get3A_339 = arith.index_cast %mul3A_174 : i32 to index
      %get3A_340 = arith.constant 112 : index
      %get3A_341 = tpu.vector_load %arg12[%get3A_339, %get3A_340] {strides = array<i32>} : memref<158x128xf32, #tpu.memory_space<vmem>>, vector<16xf32>,
      %get3A_342 = arith.constant 0 : i32
      %get3A_343 = arith.index_cast %get3A_342 : i32 to index
      %get3A_344 = arith.constant 112 : index
      %get3A_345 = tpu.vector_load %arg16[%get3A_343, %get3A_344] {strides = array<i32>} : memref<4x128xf32, #tpu.memory_space<vmem>>, vector<16xf32>,
      %add3A_346 = arith.addf %get3A_341, %get3A_345 : vector<16xf32>
      %gt3A_347 = arith.constant 0.000000e+00 : f32
      %gt3A_348 = vector.broadcast %gt3A_347 : f32 to vector<16xf32>
      %gt3A_349 = arith.cmpf ogt, %add3A_346, %gt3A_348 : vector<16xf32>
      %mul3A_350 = arith.constant 2.000000e-01 : f32
      %mul3A_351 = vector.broadcast %mul3A_350 : f32 to vector<16xf32>
      %mul3A_352 = arith.mulf %mul3A_351, %add3A_346 : vector<16xf32>
      %select_n3A_353 = arith.select %gt3A_349, %add3A_346, %mul3A_352 : vector<16xi1>, vector<16xf32>
      %sub3A_354 = vector.broadcast %max3A_77 : f32 to vector<16xf32>
      %sub3A_355 = arith.subf %select_n3A_353, %sub3A_354 : vector<16xf32>
      %exp3A_356 = math.exp %sub3A_355 : vector<16xf32>
      %swap3A_357 = arith.index_cast %mul3A_174 : i32 to index
      %swap3A_358 = arith.constant 112 : index
      %swap3A_359 = tpu.vector_load %arg12[%swap3A_357, %swap3A_358] {strides = array<i32>} : memref<158x128xf32, #tpu.memory_space<vmem>>, vector<16xf32>,
      tpu.vector_store %arg12[%swap3A_357, %swap3A_358], %exp3A_356 {strides = array<i32>} : memref<158x128xf32, #tpu.memory_space<vmem>>, vector<16xf32>,
      %dma_start3A_360 = arith.constant 0 : i32
      %dma_start3A_361 = tpu.memref_slice %arg12[%mul3A_174, %dma_start3A_360] : memref<158x128xf32, #tpu.memory_space<vmem>> -> memref<1x128xf32, #tpu.memory_space<vmem>>
      %dma_start3A_362 = tpu.memref_squeeze %dma_start3A_361 : memref<1x128xf32, #tpu.memory_space<vmem>> -> memref<128xf32, #tpu.memory_space<vmem>>
      %dma_start3A_363 = arith.constant 0 : i32
      %dma_start3A_364 = tpu.memref_slice %arg11[%mul3A_174, %dma_start3A_363] : memref<158x128xi32, #tpu.memory_space<vmem>> -> memref<1x128xi32, #tpu.memory_space<vmem>>
      %dma_start3A_365 = tpu.memref_squeeze %dma_start3A_364 : memref<1x128xi32, #tpu.memory_space<vmem>> -> memref<128xi32, #tpu.memory_space<vmem>>
      %dma_start3A_366 = arith.constant 0 : i32
      %dma_start3A_367 = tpu.memref_slice %arg17[%dma_start3A_366] : memref<10240xf32, #tpu.memory_space<vmem_shared>> -> memref<10240xf32, #tpu.memory_space<vmem_shared>>
      tpu.enqueue_indirect_dma source(%dma_start3A_362 : memref<128xf32, #tpu.memory_space<vmem>>) target(%dma_start3A_367 : memref<10240xf32, #tpu.memory_space<vmem_shared>>) offsets(%dma_start3A_365 : memref<128xi32, #tpu.memory_space<vmem>>) semaphore(%arg28 : memref<!tpu.dma_semaphore, #tpu.memory_space<semaphore_mem>>) {add = true}
      %lt3A = arith.constant 78 : i32
      %lt3A_368 = arith.cmpi slt, %scan3A_171, %lt3A : i32
      %convert_element_type3A = arith.extui %lt3A_368 : i1 to i32
      %cond3A = arith.constant 0 : i32
      %cond3A_369 = arith.cmpi ne, %convert_element_type3A, %cond3A : i32
      scf.if %cond3A_369 {
        %add3A_576 = arith.constant 2 : i32
        %add3A_577 = arith.addi %mul3A_174, %add3A_576 : i32
        %dma_start3A_578 = arith.constant 0 : i32
        %dma_start3A_579 = tpu.memref_slice %arg12[%add3A_577, %dma_start3A_578] : memref<158x128xf32, #tpu.memory_space<vmem>> -> memref<1x128xf32, #tpu.memory_space<vmem>>
        %dma_start3A_580 = tpu.memref_squeeze %dma_start3A_579 : memref<1x128xf32, #tpu.memory_space<vmem>> -> memref<128xf32, #tpu.memory_space<vmem>>
        %dma_start3A_581 = arith.constant 0 : i32
        %dma_start3A_582 = tpu.memref_slice %arg10[%add3A_577, %dma_start3A_581] : memref<158x128xi32, #tpu.memory_space<vmem>> -> memref<1x128xi32, #tpu.memory_space<vmem>>
        %dma_start3A_583 = tpu.memref_squeeze %dma_start3A_582 : memref<1x128xi32, #tpu.memory_space<vmem>> -> memref<128xi32, #tpu.memory_space<vmem>>
        %dma_start3A_584 = arith.constant 0 : i32
        %dma_start3A_585 = tpu.memref_slice %arg2[%dma_start3A_584] : memref<10240xf32, #tpu.memory_space<hbm>> -> memref<10240xf32, #tpu.memory_space<hbm>>
        tpu.enqueue_indirect_dma source(%dma_start3A_585 : memref<10240xf32, #tpu.memory_space<hbm>>) target(%dma_start3A_580 : memref<128xf32, #tpu.memory_space<vmem>>) offsets(%dma_start3A_583 : memref<128xi32, #tpu.memory_space<vmem>>) semaphore(%arg23 : memref<!tpu.dma_semaphore, #tpu.memory_space<semaphore_mem>>)
        %add3A_586 = arith.constant 2 : i32
        %add3A_587 = arith.addi %mul3A_174, %add3A_586 : i32
        %dma_start3A_588 = arith.constant 0 : i32
        %dma_start3A_589 = arith.constant 0 : i32
        %dma_start3A_590 = tpu.memref_slice %arg16[%dma_start3A_588, %dma_start3A_589] : memref<4x128xf32, #tpu.memory_space<vmem>> -> memref<1x128xf32, #tpu.memory_space<vmem>>
        %dma_start3A_591 = tpu.memref_squeeze %dma_start3A_590 : memref<1x128xf32, #tpu.memory_space<vmem>> -> memref<128xf32, #tpu.memory_space<vmem>>
        %dma_start3A_592 = arith.constant 0 : i32
        %dma_start3A_593 = tpu.memref_slice %arg11[%add3A_587, %dma_start3A_592] : memref<158x128xi32, #tpu.memory_space<vmem>> -> memref<1x128xi32, #tpu.memory_space<vmem>>
        %dma_start3A_594 = tpu.memref_squeeze %dma_start3A_593 : memref<1x128xi32, #tpu.memory_space<vmem>> -> memref<128xi32, #tpu.memory_space<vmem>>
        %dma_start3A_595 = arith.constant 0 : i32
        %dma_start3A_596 = tpu.memref_slice %arg3[%dma_start3A_595] : memref<10240xf32, #tpu.memory_space<hbm>> -> memref<10240xf32, #tpu.memory_space<hbm>>
        tpu.enqueue_indirect_dma source(%dma_start3A_596 : memref<10240xf32, #tpu.memory_space<hbm>>) target(%dma_start3A_591 : memref<128xf32, #tpu.memory_space<vmem>>) offsets(%dma_start3A_594 : memref<128xi32, #tpu.memory_space<vmem>>) semaphore(%arg24 : memref<!tpu.dma_semaphore, #tpu.memory_space<semaphore_mem>>)
      } else {
      }
      %add3A_370 = arith.constant 1 : i32
      %add3A_371 = arith.addi %mul3A_174, %add3A_370 : i32
      %dma_wait3A_372 = arith.constant 0 : i32
      %dma_wait3A_373 = arith.constant 0 : i32
      %dma_wait3A_374 = tpu.memref_slice %arg12[%dma_wait3A_372, %dma_wait3A_373] : memref<158x128xf32, #tpu.memory_space<vmem>> -> memref<1x128xf32, #tpu.memory_space<vmem>>
      %dma_wait3A_375 = tpu.memref_squeeze %dma_wait3A_374 : memref<1x128xf32, #tpu.memory_space<vmem>> -> memref<128xf32, #tpu.memory_space<vmem>>
      %dma_wait3A_376 = arith.constant 0 : i32
      %dma_wait3A_377 = tpu.memref_slice %arg2[%dma_wait3A_376] : memref<10240xf32, #tpu.memory_space<hbm>> -> memref<128xf32, #tpu.memory_space<hbm>>
      %dma_wait3A_378 = arith.constant 0 : i32
      %dma_wait3A_379 = tpu.memref_slice %arg12[%dma_wait3A_372, %dma_wait3A_378] : memref<158x128xf32, #tpu.memory_space<vmem>> -> memref<1x128xf32, #tpu.memory_space<vmem>>
      %dma_wait3A_380 = tpu.memref_squeeze %dma_wait3A_379 : memref<1x128xf32, #tpu.memory_space<vmem>> -> memref<128xf32, #tpu.memory_space<vmem>>
      %dma_wait3A_381 = arith.constant 0 : i32
      %dma_wait3A_382 = tpu.memref_slice %arg2[%dma_wait3A_381] : memref<10240xf32, #tpu.memory_space<hbm>> -> memref<128xf32, #tpu.memory_space<hbm>>
      tpu.wait_dma2 semaphore(%arg23 : memref<!tpu.dma_semaphore, #tpu.memory_space<semaphore_mem>>) src(%dma_wait3A_382 : memref<128xf32, #tpu.memory_space<hbm>>) dst(%dma_wait3A_380 : memref<128xf32, #tpu.memory_space<vmem>>)
      %dma_wait3A_383 = arith.constant 1 : i32
      %dma_wait3A_384 = arith.constant 0 : i32
      %dma_wait3A_385 = tpu.memref_slice %arg16[%dma_wait3A_383, %dma_wait3A_384] : memref<4x128xf32, #tpu.memory_space<vmem>> -> memref<1x128xf32, #tpu.memory_space<vmem>>
      %dma_wait3A_386 = tpu.memref_squeeze %dma_wait3A_385 : memref<1x128xf32, #tpu.memory_space<vmem>> -> memref<128xf32, #tpu.memory_space<vmem>>
      %dma_wait3A_387 = arith.constant 0 : i32
      %dma_wait3A_388 = tpu.memref_slice %arg3[%dma_wait3A_387] : memref<10240xf32, #tpu.memory_space<hbm>> -> memref<128xf32, #tpu.memory_space<hbm>>
      %dma_wait3A_389 = arith.constant 0 : i32
      %dma_wait3A_390 = tpu.memref_slice %arg16[%dma_wait3A_383, %dma_wait3A_389] : memref<4x128xf32, #tpu.memory_space<vmem>> -> memref<1x128xf32, #tpu.memory_space<vmem>>
      %dma_wait3A_391 = tpu.memref_squeeze %dma_wait3A_390 : memref<1x128xf32, #tpu.memory_space<vmem>> -> memref<128xf32, #tpu.memory_space<vmem>>
      %dma_wait3A_392 = arith.constant 0 : i32
      %dma_wait3A_393 = tpu.memref_slice %arg3[%dma_wait3A_392] : memref<10240xf32, #tpu.memory_space<hbm>> -> memref<128xf32, #tpu.memory_space<hbm>>
      tpu.wait_dma2 semaphore(%arg25 : memref<!tpu.dma_semaphore, #tpu.memory_space<semaphore_mem>>) src(%dma_wait3A_393 : memref<128xf32, #tpu.memory_space<hbm>>) dst(%dma_wait3A_391 : memref<128xf32, #tpu.memory_space<vmem>>)
      %get3A_394 = arith.index_cast %add3A_371 : i32 to index
      %get3A_395 = arith.constant 0 : index
      %get3A_396 = tpu.vector_load %arg12[%get3A_394, %get3A_395] {strides = array<i32>} : memref<158x128xf32, #tpu.memory_space<vmem>>, vector<16xf32>,
      %get3A_397 = arith.constant 1 : i32
      %get3A_398 = arith.index_cast %get3A_397 : i32 to index
      %get3A_399 = arith.constant 0 : index
      %get3A_400 = tpu.vector_load %arg16[%get3A_398, %get3A_399] {strides = array<i32>} : memref<4x128xf32, #tpu.memory_space<vmem>>, vector<16xf32>,
      %add3A_401 = arith.addf %get3A_396, %get3A_400 : vector<16xf32>
      %gt3A_402 = arith.constant 0.000000e+00 : f32
      %gt3A_403 = vector.broadcast %gt3A_402 : f32 to vector<16xf32>
      %gt3A_404 = arith.cmpf ogt, %add3A_401, %gt3A_403 : vector<16xf32>
      %mul3A_405 = arith.constant 2.000000e-01 : f32
      %mul3A_406 = vector.broadcast %mul3A_405 : f32 to vector<16xf32>
      %mul3A_407 = arith.mulf %mul3A_406, %add3A_401 : vector<16xf32>
      %select_n3A_408 = arith.select %gt3A_404, %add3A_401, %mul3A_407 : vector<16xi1>, vector<16xf32>
      %sub3A_409 = vector.broadcast %max3A_77 : f32 to vector<16xf32>
      %sub3A_410 = arith.subf %select_n3A_408, %sub3A_409 : vector<16xf32>
      %exp3A_411 = math.exp %sub3A_410 : vector<16xf32>
      %swap3A_412 = arith.index_cast %add3A_371 : i32 to index
      %swap3A_413 = arith.constant 0 : index
      %swap3A_414 = tpu.vector_load %arg12[%swap3A_412, %swap3A_413] {strides = array<i32>} : memref<158x128xf32, #tpu.memory_space<vmem>>, vector<16xf32>,
      tpu.vector_store %arg12[%swap3A_412, %swap3A_413], %exp3A_411 {strides = array<i32>} : memref<158x128xf32, #tpu.memory_space<vmem>>, vector<16xf32>,
      %get3A_415 = arith.index_cast %add3A_371 : i32 to index
      %get3A_416 = arith.constant 16 : index
      %get3A_417 = tpu.vector_load %arg12[%get3A_415, %get3A_416] {strides = array<i32>} : memref<158x128xf32, #tpu.memory_space<vmem>>, vector<16xf32>,
      %get3A_418 = arith.constant 1 : i32
      %get3A_419 = arith.index_cast %get3A_418 : i32 to index
      %get3A_420 = arith.constant 16 : index
      %get3A_421 = tpu.vector_load %arg16[%get3A_419, %get3A_420] {strides = array<i32>} : memref<4x128xf32, #tpu.memory_space<vmem>>, vector<16xf32>,
      %add3A_422 = arith.addf %get3A_417, %get3A_421 : vector<16xf32>
      %gt3A_423 = arith.constant 0.000000e+00 : f32
      %gt3A_424 = vector.broadcast %gt3A_423 : f32 to vector<16xf32>
      %gt3A_425 = arith.cmpf ogt, %add3A_422, %gt3A_424 : vector<16xf32>
      %mul3A_426 = arith.constant 2.000000e-01 : f32
      %mul3A_427 = vector.broadcast %mul3A_426 : f32 to vector<16xf32>
      %mul3A_428 = arith.mulf %mul3A_427, %add3A_422 : vector<16xf32>
      %select_n3A_429 = arith.select %gt3A_425, %add3A_422, %mul3A_428 : vector<16xi1>, vector<16xf32>
      %sub3A_430 = vector.broadcast %max3A_77 : f32 to vector<16xf32>
      %sub3A_431 = arith.subf %select_n3A_429, %sub3A_430 : vector<16xf32>
      %exp3A_432 = math.exp %sub3A_431 : vector<16xf32>
      %swap3A_433 = arith.index_cast %add3A_371 : i32 to index
      %swap3A_434 = arith.constant 16 : index
      %swap3A_435 = tpu.vector_load %arg12[%swap3A_433, %swap3A_434] {strides = array<i32>} : memref<158x128xf32, #tpu.memory_space<vmem>>, vector<16xf32>,
      tpu.vector_store %arg12[%swap3A_433, %swap3A_434], %exp3A_432 {strides = array<i32>} : memref<158x128xf32, #tpu.memory_space<vmem>>, vector<16xf32>,
      %get3A_436 = arith.index_cast %add3A_371 : i32 to index
      %get3A_437 = arith.constant 32 : index
      %get3A_438 = tpu.vector_load %arg12[%get3A_436, %get3A_437] {strides = array<i32>} : memref<158x128xf32, #tpu.memory_space<vmem>>, vector<16xf32>,
      %get3A_439 = arith.constant 1 : i32
      %get3A_440 = arith.index_cast %get3A_439 : i32 to index
      %get3A_441 = arith.constant 32 : index
      %get3A_442 = tpu.vector_load %arg16[%get3A_440, %get3A_441] {strides = array<i32>} : memref<4x128xf32, #tpu.memory_space<vmem>>, vector<16xf32>,
      %add3A_443 = arith.addf %get3A_438, %get3A_442 : vector<16xf32>
      %gt3A_444 = arith.constant 0.000000e+00 : f32
      %gt3A_445 = vector.broadcast %gt3A_444 : f32 to vector<16xf32>
      %gt3A_446 = arith.cmpf ogt, %add3A_443, %gt3A_445 : vector<16xf32>
      %mul3A_447 = arith.constant 2.000000e-01 : f32
      %mul3A_448 = vector.broadcast %mul3A_447 : f32 to vector<16xf32>
      %mul3A_449 = arith.mulf %mul3A_448, %add3A_443 : vector<16xf32>
      %select_n3A_450 = arith.select %gt3A_446, %add3A_443, %mul3A_449 : vector<16xi1>, vector<16xf32>
      %sub3A_451 = vector.broadcast %max3A_77 : f32 to vector<16xf32>
      %sub3A_452 = arith.subf %select_n3A_450, %sub3A_451 : vector<16xf32>
      %exp3A_453 = math.exp %sub3A_452 : vector<16xf32>
      %swap3A_454 = arith.index_cast %add3A_371 : i32 to index
      %swap3A_455 = arith.constant 32 : index
      %swap3A_456 = tpu.vector_load %arg12[%swap3A_454, %swap3A_455] {strides = array<i32>} : memref<158x128xf32, #tpu.memory_space<vmem>>, vector<16xf32>,
      tpu.vector_store %arg12[%swap3A_454, %swap3A_455], %exp3A_453 {strides = array<i32>} : memref<158x128xf32, #tpu.memory_space<vmem>>, vector<16xf32>,
      %get3A_457 = arith.index_cast %add3A_371 : i32 to index
      %get3A_458 = arith.constant 48 : index
      %get3A_459 = tpu.vector_load %arg12[%get3A_457, %get3A_458] {strides = array<i32>} : memref<158x128xf32, #tpu.memory_space<vmem>>, vector<16xf32>,
      %get3A_460 = arith.constant 1 : i32
      %get3A_461 = arith.index_cast %get3A_460 : i32 to index
      %get3A_462 = arith.constant 48 : index
      %get3A_463 = tpu.vector_load %arg16[%get3A_461, %get3A_462] {strides = array<i32>} : memref<4x128xf32, #tpu.memory_space<vmem>>, vector<16xf32>,
      %add3A_464 = arith.addf %get3A_459, %get3A_463 : vector<16xf32>
      %gt3A_465 = arith.constant 0.000000e+00 : f32
      %gt3A_466 = vector.broadcast %gt3A_465 : f32 to vector<16xf32>
      %gt3A_467 = arith.cmpf ogt, %add3A_464, %gt3A_466 : vector<16xf32>
      %mul3A_468 = arith.constant 2.000000e-01 : f32
      %mul3A_469 = vector.broadcast %mul3A_468 : f32 to vector<16xf32>
      %mul3A_470 = arith.mulf %mul3A_469, %add3A_464 : vector<16xf32>
      %select_n3A_471 = arith.select %gt3A_467, %add3A_464, %mul3A_470 : vector<16xi1>, vector<16xf32>
      %sub3A_472 = vector.broadcast %max3A_77 : f32 to vector<16xf32>
      %sub3A_473 = arith.subf %select_n3A_471, %sub3A_472 : vector<16xf32>
      %exp3A_474 = math.exp %sub3A_473 : vector<16xf32>
      %swap3A_475 = arith.index_cast %add3A_371 : i32 to index
      %swap3A_476 = arith.constant 48 : index
      %swap3A_477 = tpu.vector_load %arg12[%swap3A_475, %swap3A_476] {strides = array<i32>} : memref<158x128xf32, #tpu.memory_space<vmem>>, vector<16xf32>,
      tpu.vector_store %arg12[%swap3A_475, %swap3A_476], %exp3A_474 {strides = array<i32>} : memref<158x128xf32, #tpu.memory_space<vmem>>, vector<16xf32>,
      %get3A_478 = arith.index_cast %add3A_371 : i32 to index
      %get3A_479 = arith.constant 64 : index
      %get3A_480 = tpu.vector_load %arg12[%get3A_478, %get3A_479] {strides = array<i32>} : memref<158x128xf32, #tpu.memory_space<vmem>>, vector<16xf32>,
      %get3A_481 = arith.constant 1 : i32
      %get3A_482 = arith.index_cast %get3A_481 : i32 to index
      %get3A_483 = arith.constant 64 : index
      %get3A_484 = tpu.vector_load %arg16[%get3A_482, %get3A_483] {strides = array<i32>} : memref<4x128xf32, #tpu.memory_space<vmem>>, vector<16xf32>,
      %add3A_485 = arith.addf %get3A_480, %get3A_484 : vector<16xf32>
      %gt3A_486 = arith.constant 0.000000e+00 : f32
      %gt3A_487 = vector.broadcast %gt3A_486 : f32 to vector<16xf32>
      %gt3A_488 = arith.cmpf ogt, %add3A_485, %gt3A_487 : vector<16xf32>
      %mul3A_489 = arith.constant 2.000000e-01 : f32
      %mul3A_490 = vector.broadcast %mul3A_489 : f32 to vector<16xf32>
      %mul3A_491 = arith.mulf %mul3A_490, %add3A_485 : vector<16xf32>
      %select_n3A_492 = arith.select %gt3A_488, %add3A_485, %mul3A_491 : vector<16xi1>, vector<16xf32>
      %sub3A_493 = vector.broadcast %max3A_77 : f32 to vector<16xf32>
      %sub3A_494 = arith.subf %select_n3A_492, %sub3A_493 : vector<16xf32>
      %exp3A_495 = math.exp %sub3A_494 : vector<16xf32>
      %swap3A_496 = arith.index_cast %add3A_371 : i32 to index
      %swap3A_497 = arith.constant 64 : index
      %swap3A_498 = tpu.vector_load %arg12[%swap3A_496, %swap3A_497] {strides = array<i32>} : memref<158x128xf32, #tpu.memory_space<vmem>>, vector<16xf32>,
      tpu.vector_store %arg12[%swap3A_496, %swap3A_497], %exp3A_495 {strides = array<i32>} : memref<158x128xf32, #tpu.memory_space<vmem>>, vector<16xf32>,
      %get3A_499 = arith.index_cast %add3A_371 : i32 to index
      %get3A_500 = arith.constant 80 : index
      %get3A_501 = tpu.vector_load %arg12[%get3A_499, %get3A_500] {strides = array<i32>} : memref<158x128xf32, #tpu.memory_space<vmem>>, vector<16xf32>,
      %get3A_502 = arith.constant 1 : i32
      %get3A_503 = arith.index_cast %get3A_502 : i32 to index
      %get3A_504 = arith.constant 80 : index
      %get3A_505 = tpu.vector_load %arg16[%get3A_503, %get3A_504] {strides = array<i32>} : memref<4x128xf32, #tpu.memory_space<vmem>>, vector<16xf32>,
      %add3A_506 = arith.addf %get3A_501, %get3A_505 : vector<16xf32>
      %gt3A_507 = arith.constant 0.000000e+00 : f32
      %gt3A_508 = vector.broadcast %gt3A_507 : f32 to vector<16xf32>
      %gt3A_509 = arith.cmpf ogt, %add3A_506, %gt3A_508 : vector<16xf32>
      %mul3A_510 = arith.constant 2.000000e-01 : f32
      %mul3A_511 = vector.broadcast %mul3A_510 : f32 to vector<16xf32>
      %mul3A_512 = arith.mulf %mul3A_511, %add3A_506 : vector<16xf32>
      %select_n3A_513 = arith.select %gt3A_509, %add3A_506, %mul3A_512 : vector<16xi1>, vector<16xf32>
      %sub3A_514 = vector.broadcast %max3A_77 : f32 to vector<16xf32>
      %sub3A_515 = arith.subf %select_n3A_513, %sub3A_514 : vector<16xf32>
      %exp3A_516 = math.exp %sub3A_515 : vector<16xf32>
      %swap3A_517 = arith.index_cast %add3A_371 : i32 to index
      %swap3A_518 = arith.constant 80 : index
      %swap3A_519 = tpu.vector_load %arg12[%swap3A_517, %swap3A_518] {strides = array<i32>} : memref<158x128xf32, #tpu.memory_space<vmem>>, vector<16xf32>,
      tpu.vector_store %arg12[%swap3A_517, %swap3A_518], %exp3A_516 {strides = array<i32>} : memref<158x128xf32, #tpu.memory_space<vmem>>, vector<16xf32>,
      %get3A_520 = arith.index_cast %add3A_371 : i32 to index
      %get3A_521 = arith.constant 96 : index
      %get3A_522 = tpu.vector_load %arg12[%get3A_520, %get3A_521] {strides = array<i32>} : memref<158x128xf32, #tpu.memory_space<vmem>>, vector<16xf32>,
      %get3A_523 = arith.constant 1 : i32
      %get3A_524 = arith.index_cast %get3A_523 : i32 to index
      %get3A_525 = arith.constant 96 : index
      %get3A_526 = tpu.vector_load %arg16[%get3A_524, %get3A_525] {strides = array<i32>} : memref<4x128xf32, #tpu.memory_space<vmem>>, vector<16xf32>,
      %add3A_527 = arith.addf %get3A_522, %get3A_526 : vector<16xf32>
      %gt3A_528 = arith.constant 0.000000e+00 : f32
      %gt3A_529 = vector.broadcast %gt3A_528 : f32 to vector<16xf32>
      %gt3A_530 = arith.cmpf ogt, %add3A_527, %gt3A_529 : vector<16xf32>
      %mul3A_531 = arith.constant 2.000000e-01 : f32
      %mul3A_532 = vector.broadcast %mul3A_531 : f32 to vector<16xf32>
      %mul3A_533 = arith.mulf %mul3A_532, %add3A_527 : vector<16xf32>
      %select_n3A_534 = arith.select %gt3A_530, %add3A_527, %mul3A_533 : vector<16xi1>, vector<16xf32>
      %sub3A_535 = vector.broadcast %max3A_77 : f32 to vector<16xf32>
      %sub3A_536 = arith.subf %select_n3A_534, %sub3A_535 : vector<16xf32>
      %exp3A_537 = math.exp %sub3A_536 : vector<16xf32>
      %swap3A_538 = arith.index_cast %add3A_371 : i32 to index
      %swap3A_539 = arith.constant 96 : index
      %swap3A_540 = tpu.vector_load %arg12[%swap3A_538, %swap3A_539] {strides = array<i32>} : memref<158x128xf32, #tpu.memory_space<vmem>>, vector<16xf32>,
      tpu.vector_store %arg12[%swap3A_538, %swap3A_539], %exp3A_537 {strides = array<i32>} : memref<158x128xf32, #tpu.memory_space<vmem>>, vector<16xf32>,
      %get3A_541 = arith.index_cast %add3A_371 : i32 to index
      %get3A_542 = arith.constant 112 : index
      %get3A_543 = tpu.vector_load %arg12[%get3A_541, %get3A_542] {strides = array<i32>} : memref<158x128xf32, #tpu.memory_space<vmem>>, vector<16xf32>,
      %get3A_544 = arith.constant 1 : i32
      %get3A_545 = arith.index_cast %get3A_544 : i32 to index
      %get3A_546 = arith.constant 112 : index
      %get3A_547 = tpu.vector_load %arg16[%get3A_545, %get3A_546] {strides = array<i32>} : memref<4x128xf32, #tpu.memory_space<vmem>>, vector<16xf32>,
      %add3A_548 = arith.addf %get3A_543, %get3A_547 : vector<16xf32>
      %gt3A_549 = arith.constant 0.000000e+00 : f32
      %gt3A_550 = vector.broadcast %gt3A_549 : f32 to vector<16xf32>
      %gt3A_551 = arith.cmpf ogt, %add3A_548, %gt3A_550 : vector<16xf32>
      %mul3A_552 = arith.constant 2.000000e-01 : f32
      %mul3A_553 = vector.broadcast %mul3A_552 : f32 to vector<16xf32>
      %mul3A_554 = arith.mulf %mul3A_553, %add3A_548 : vector<16xf32>
      %select_n3A_555 = arith.select %gt3A_551, %add3A_548, %mul3A_554 : vector<16xi1>, vector<16xf32>
      %sub3A_556 = vector.broadcast %max3A_77 : f32 to vector<16xf32>
      %sub3A_557 = arith.subf %select_n3A_555, %sub3A_556 : vector<16xf32>
      %exp3A_558 = math.exp %sub3A_557 : vector<16xf32>
      %swap3A_559 = arith.index_cast %add3A_371 : i32 to index
      %swap3A_560 = arith.constant 112 : index
      %swap3A_561 = tpu.vector_load %arg12[%swap3A_559, %swap3A_560] {strides = array<i32>} : memref<158x128xf32, #tpu.memory_space<vmem>>, vector<16xf32>,
      tpu.vector_store %arg12[%swap3A_559, %swap3A_560], %exp3A_558 {strides = array<i32>} : memref<158x128xf32, #tpu.memory_space<vmem>>, vector<16xf32>,
      %dma_start3A_562 = arith.constant 0 : i32
      %dma_start3A_563 = tpu.memref_slice %arg12[%add3A_371, %dma_start3A_562] : memref<158x128xf32, #tpu.memory_space<vmem>> -> memref<1x128xf32, #tpu.memory_space<vmem>>
      %dma_start3A_564 = tpu.memref_squeeze %dma_start3A_563 : memref<1x128xf32, #tpu.memory_space<vmem>> -> memref<128xf32, #tpu.memory_space<vmem>>
      %dma_start3A_565 = arith.constant 0 : i32
      %dma_start3A_566 = tpu.memref_slice %arg11[%add3A_371, %dma_start3A_565] : memref<158x128xi32, #tpu.memory_space<vmem>> -> memref<1x128xi32, #tpu.memory_space<vmem>>
      %dma_start3A_567 = tpu.memref_squeeze %dma_start3A_566 : memref<1x128xi32, #tpu.memory_space<vmem>> -> memref<128xi32, #tpu.memory_space<vmem>>
      %dma_start3A_568 = arith.constant 0 : i32
      %dma_start3A_569 = tpu.memref_slice %arg17[%dma_start3A_568] : memref<10240xf32, #tpu.memory_space<vmem_shared>> -> memref<10240xf32, #tpu.memory_space<vmem_shared>>
      tpu.enqueue_indirect_dma source(%dma_start3A_564 : memref<128xf32, #tpu.memory_space<vmem>>) target(%dma_start3A_569 : memref<10240xf32, #tpu.memory_space<vmem_shared>>) offsets(%dma_start3A_567 : memref<128xi32, #tpu.memory_space<vmem>>) semaphore(%arg28 : memref<!tpu.dma_semaphore, #tpu.memory_space<semaphore_mem>>) {add = true}
      %lt3A_570 = arith.constant 78 : i32
      %lt3A_571 = arith.cmpi slt, %scan3A_171, %lt3A_570 : i32
      %convert_element_type3A_572 = arith.extui %lt3A_571 : i1 to i32
      %cond3A_573 = arith.constant 0 : i32
      %cond3A_574 = arith.cmpi ne, %convert_element_type3A_572, %cond3A_573 : i32
      scf.if %cond3A_574 {
        %add3A_576 = arith.constant 3 : i32
        %add3A_577 = arith.addi %mul3A_174, %add3A_576 : i32
        %dma_start3A_578 = arith.constant 0 : i32
        %dma_start3A_579 = tpu.memref_slice %arg12[%add3A_577, %dma_start3A_578] : memref<158x128xf32, #tpu.memory_space<vmem>> -> memref<1x128xf32, #tpu.memory_space<vmem>>
        %dma_start3A_580 = tpu.memref_squeeze %dma_start3A_579 : memref<1x128xf32, #tpu.memory_space<vmem>> -> memref<128xf32, #tpu.memory_space<vmem>>
        %dma_start3A_581 = arith.constant 0 : i32
        %dma_start3A_582 = tpu.memref_slice %arg10[%add3A_577, %dma_start3A_581] : memref<158x128xi32, #tpu.memory_space<vmem>> -> memref<1x128xi32, #tpu.memory_space<vmem>>
        %dma_start3A_583 = tpu.memref_squeeze %dma_start3A_582 : memref<1x128xi32, #tpu.memory_space<vmem>> -> memref<128xi32, #tpu.memory_space<vmem>>
        %dma_start3A_584 = arith.constant 0 : i32
        %dma_start3A_585 = tpu.memref_slice %arg2[%dma_start3A_584] : memref<10240xf32, #tpu.memory_space<hbm>> -> memref<10240xf32, #tpu.memory_space<hbm>>
        tpu.enqueue_indirect_dma source(%dma_start3A_585 : memref<10240xf32, #tpu.memory_space<hbm>>) target(%dma_start3A_580 : memref<128xf32, #tpu.memory_space<vmem>>) offsets(%dma_start3A_583 : memref<128xi32, #tpu.memory_space<vmem>>) semaphore(%arg23 : memref<!tpu.dma_semaphore, #tpu.memory_space<semaphore_mem>>)
        %add3A_586 = arith.constant 3 : i32
        %add3A_587 = arith.addi %mul3A_174, %add3A_586 : i32
        %dma_start3A_588 = arith.constant 1 : i32
        %dma_start3A_589 = arith.constant 0 : i32
        %dma_start3A_590 = tpu.memref_slice %arg16[%dma_start3A_588, %dma_start3A_589] : memref<4x128xf32, #tpu.memory_space<vmem>> -> memref<1x128xf32, #tpu.memory_space<vmem>>
        %dma_start3A_591 = tpu.memref_squeeze %dma_start3A_590 : memref<1x128xf32, #tpu.memory_space<vmem>> -> memref<128xf32, #tpu.memory_space<vmem>>
        %dma_start3A_592 = arith.constant 0 : i32
        %dma_start3A_593 = tpu.memref_slice %arg11[%add3A_587, %dma_start3A_592] : memref<158x128xi32, #tpu.memory_space<vmem>> -> memref<1x128xi32, #tpu.memory_space<vmem>>
        %dma_start3A_594 = tpu.memref_squeeze %dma_start3A_593 : memref<1x128xi32, #tpu.memory_space<vmem>> -> memref<128xi32, #tpu.memory_space<vmem>>
        %dma_start3A_595 = arith.constant 0 : i32
        %dma_start3A_596 = tpu.memref_slice %arg3[%dma_start3A_595] : memref<10240xf32, #tpu.memory_space<hbm>> -> memref<10240xf32, #tpu.memory_space<hbm>>
        tpu.enqueue_indirect_dma source(%dma_start3A_596 : memref<10240xf32, #tpu.memory_space<hbm>>) target(%dma_start3A_591 : memref<128xf32, #tpu.memory_space<vmem>>) offsets(%dma_start3A_594 : memref<128xi32, #tpu.memory_space<vmem>>) semaphore(%arg25 : memref<!tpu.dma_semaphore, #tpu.memory_space<semaphore_mem>>)
      } else {
      }
      %scan3A_575 = arith.constant 0 : i32
      scf.yield %scan3A_575 : i32
    }
    %scan3A_123 = arith.constant 79 : i32
    %parallel_loop3A_124 = arith.constant 0 : i32
    %parallel_loop3A_125 = arith.constant 1264 : i32
    %parallel_loop3A_126 = arith.constant 1 : i32
    scf.for %parallel_loop3A_171 = %parallel_loop3A_124 to %parallel_loop3A_125 step %parallel_loop3A_126  : i32 {
      %parallel_loop3A_172 = arith.constant 8 : i32
      %parallel_loop3A_173 = arith.divsi %parallel_loop3A_171, %parallel_loop3A_172 : i32
      %parallel_loop3A_174 = arith.constant 0 : i32
      %parallel_loop3A_175 = arith.cmpi sgt, %parallel_loop3A_171, %parallel_loop3A_174 : i32
      %parallel_loop3A_176 = arith.extui %parallel_loop3A_175 : i1 to i32
      %parallel_loop3A_177 = arith.constant 0 : i32
      %parallel_loop3A_178 = arith.cmpi slt, %parallel_loop3A_171, %parallel_loop3A_177 : i32
      %parallel_loop3A_179 = arith.extui %parallel_loop3A_178 : i1 to i32
      %parallel_loop3A_180 = arith.subi %parallel_loop3A_176, %parallel_loop3A_179 : i32
      %parallel_loop3A_181 = arith.constant 0 : i32
      %parallel_loop3A_182 = arith.cmpi sgt, %parallel_loop3A_172, %parallel_loop3A_181 : i32
      %parallel_loop3A_183 = arith.extui %parallel_loop3A_182 : i1 to i32
      %parallel_loop3A_184 = arith.constant 0 : i32
      %parallel_loop3A_185 = arith.cmpi slt, %parallel_loop3A_172, %parallel_loop3A_184 : i32
      %parallel_loop3A_186 = arith.extui %parallel_loop3A_185 : i1 to i32
      %parallel_loop3A_187 = arith.subi %parallel_loop3A_183, %parallel_loop3A_186 : i32
      %parallel_loop3A_188 = arith.cmpi ne, %parallel_loop3A_180, %parallel_loop3A_187 : i32
      %parallel_loop3A_189 = arith.remsi %parallel_loop3A_171, %parallel_loop3A_172 : i32
      %parallel_loop3A_190 = arith.constant 0 : i32
      %parallel_loop3A_191 = arith.cmpi ne, %parallel_loop3A_189, %parallel_loop3A_190 : i32
      %parallel_loop3A_192 = arith.andi %parallel_loop3A_188, %parallel_loop3A_191 : i1
      %parallel_loop3A_193 = arith.constant 1 : i32
      %parallel_loop3A_194 = arith.subi %parallel_loop3A_173, %parallel_loop3A_193 : i32
      %parallel_loop3A_195 = arith.select %parallel_loop3A_192, %parallel_loop3A_194, %parallel_loop3A_173 : i32
      %parallel_loop3A_196 = arith.constant 8 : i32
      %parallel_loop3A_197 = arith.remsi %parallel_loop3A_171, %parallel_loop3A_196 : i32
      %parallel_loop3A_198 = arith.constant 16 : i32
      %parallel_loop3A_199 = arith.muli %parallel_loop3A_197, %parallel_loop3A_198 : i32
      %parallel_loop3A_200 = arith.index_cast %parallel_loop3A_195 : i32 to index
      %parallel_loop3A_201 = arith.index_cast %parallel_loop3A_199 : i32 to index
      %parallel_loop3A_202 = tpu.vector_load %arg10[%parallel_loop3A_200, %parallel_loop3A_201] {strides = array<i32>} : memref<158x128xi32, #tpu.memory_space<vmem>>, vector<16xi32>,
      %parallel_loop3A_203 = arith.constant 2 : i32
      %parallel_loop3A_204 = vector.broadcast %parallel_loop3A_203 : i32 to vector<16xi32>
      %parallel_loop3A_205 = arith.muli %parallel_loop3A_202, %parallel_loop3A_204 : vector<16xi32>
      %parallel_loop3A_206 = vector.broadcast %arg0 : i32 to vector<16xi32>
      %parallel_loop3A_207 = arith.addi %parallel_loop3A_205, %parallel_loop3A_206 : vector<16xi32>
      %parallel_loop3A_208 = arith.index_cast %parallel_loop3A_195 : i32 to index
      %parallel_loop3A_209 = arith.index_cast %parallel_loop3A_199 : i32 to index
      %parallel_loop3A_210 = tpu.vector_load %arg10[%parallel_loop3A_208, %parallel_loop3A_209] {strides = array<i32>} : memref<158x128xi32, #tpu.memory_space<vmem>>, vector<16xi32>,
      tpu.vector_store %arg10[%parallel_loop3A_208, %parallel_loop3A_209], %parallel_loop3A_207 {strides = array<i32>} : memref<158x128xi32, #tpu.memory_space<vmem>>, vector<16xi32>,
    } {sc.loop_unroll_factor = 4 : i64, sc.parallel_access}
    %dma_start3A_127 = arith.constant 0 : i32
    %dma_start3A_128 = arith.constant 0 : i32
    %dma_start3A_129 = tpu.memref_slice %arg10[%dma_start3A_127, %dma_start3A_128] : memref<158x128xi32, #tpu.memory_space<vmem>> -> memref<1x128xi32, #tpu.memory_space<vmem>>
    %dma_start3A_130 = tpu.memref_squeeze %dma_start3A_129 : memref<1x128xi32, #tpu.memory_space<vmem>> -> memref<128xi32, #tpu.memory_space<vmem>>
    %dma_start3A_131 = arith.constant 0 : i32
    %dma_start3A_132 = arith.constant 0 : i32
    %dma_start3A_133 = tpu.memref_slice %arg6[%dma_start3A_131, %dma_start3A_132] : memref<20480x64xf32, #tpu.memory_space<hbm>> -> memref<20480x64xf32, #tpu.memory_space<hbm>>
    tpu.enqueue_indirect_dma source(%dma_start3A_133 : memref<20480x64xf32, #tpu.memory_space<hbm>>) target(%arg13 : memref<128x64xf32, #tpu.memory_space<vmem>>) offsets(%dma_start3A_130 : memref<128xi32, #tpu.memory_space<vmem>>) semaphore(%arg19 : memref<!tpu.dma_semaphore, #tpu.memory_space<semaphore_mem>>)
    %dma_start3A_134 = arith.constant 1 : i32
    %dma_start3A_135 = arith.constant 0 : i32
    %dma_start3A_136 = tpu.memref_slice %arg10[%dma_start3A_134, %dma_start3A_135] : memref<158x128xi32, #tpu.memory_space<vmem>> -> memref<1x128xi32, #tpu.memory_space<vmem>>
    %dma_start3A_137 = tpu.memref_squeeze %dma_start3A_136 : memref<1x128xi32, #tpu.memory_space<vmem>> -> memref<128xi32, #tpu.memory_space<vmem>>
    %dma_start3A_138 = arith.constant 0 : i32
    %dma_start3A_139 = arith.constant 0 : i32
    %dma_start3A_140 = tpu.memref_slice %arg6[%dma_start3A_138, %dma_start3A_139] : memref<20480x64xf32, #tpu.memory_space<hbm>> -> memref<20480x64xf32, #tpu.memory_space<hbm>>
    tpu.enqueue_indirect_dma source(%dma_start3A_140 : memref<20480x64xf32, #tpu.memory_space<hbm>>) target(%arg14 : memref<128x64xf32, #tpu.memory_space<vmem>>) offsets(%dma_start3A_137 : memref<128xi32, #tpu.memory_space<vmem>>) semaphore(%arg20 : memref<!tpu.dma_semaphore, #tpu.memory_space<semaphore_mem>>)
    %scan3A_141 = arith.constant 0 : i32
    %scan3A_142 = arith.constant 0 : i32
    %scan3A_143 = arith.constant 79 : i32
    %scan3A_144 = arith.addi %scan3A_142, %scan3A_143 : i32
    %scan3A_145 = arith.constant 1 : i32
    %scan3A_146 = scf.for %scan3A_171 = %scan3A_142 to %scan3A_144 step %scan3A_145 iter_args(%scan3A_172 = %scan3A_141) -> (i32)  : i32 {
      %mul3A_173 = arith.constant 2 : i32
      %mul3A_174 = arith.muli %mul3A_173, %scan3A_171 : i32
      %dma_wait3A_175 = arith.constant 0 : i32
      %dma_wait3A_176 = arith.constant 0 : i32
      %dma_wait3A_177 = tpu.memref_slice %arg6[%dma_wait3A_175, %dma_wait3A_176] : memref<20480x64xf32, #tpu.memory_space<hbm>> -> memref<128x64xf32, #tpu.memory_space<hbm>>
      %dma_wait3A_178 = arith.constant 0 : i32
      %dma_wait3A_179 = arith.constant 0 : i32
      %dma_wait3A_180 = tpu.memref_slice %arg6[%dma_wait3A_178, %dma_wait3A_179] : memref<20480x64xf32, #tpu.memory_space<hbm>> -> memref<128x64xf32, #tpu.memory_space<hbm>>
      tpu.wait_dma2 semaphore(%arg19 : memref<!tpu.dma_semaphore, #tpu.memory_space<semaphore_mem>>) src(%dma_wait3A_180 : memref<128x64xf32, #tpu.memory_space<hbm>>) dst(%arg13 : memref<128x64xf32, #tpu.memory_space<vmem>>)
      %parallel_loop3A_181 = arith.constant 0 : i32
      %parallel_loop3A_182 = arith.constant 128 : i32
      %parallel_loop3A_183 = arith.constant 1 : i32
      scf.for %parallel_loop3A_212 = %parallel_loop3A_181 to %parallel_loop3A_182 step %parallel_loop3A_183  : i32 {
        %parallel_loop3A_213 = vector.broadcast %mul3A_174 : i32 to vector<16xi32>
        %parallel_loop3A_214 = vector.broadcast %parallel_loop3A_212 : i32 to vector<16xi32>
        %parallel_loop3A_215 = tpu.vector_load_idx %arg12[%parallel_loop3A_213, %parallel_loop3A_214] : memref<158x128xf32, #tpu.memory_space<vmem>>[vector<16xi32>, vector<16xi32>], vector<16xf32>,
        %parallel_loop3A_216 = arith.index_cast %parallel_loop3A_212 : i32 to index
        %parallel_loop3A_217 = arith.constant 0 : index
        %parallel_loop3A_218 = tpu.vector_load %arg13[%parallel_loop3A_216, %parallel_loop3A_217] {strides = array<i32>} : memref<128x64xf32, #tpu.memory_space<vmem>>, vector<16xf32>,
        %parallel_loop3A_219 = arith.mulf %parallel_loop3A_218, %parallel_loop3A_215 : vector<16xf32>
        %parallel_loop3A_220 = arith.index_cast %parallel_loop3A_212 : i32 to index
        %parallel_loop3A_221 = arith.constant 0 : index
        %parallel_loop3A_222 = tpu.vector_load %arg13[%parallel_loop3A_220, %parallel_loop3A_221] {strides = array<i32>} : memref<128x64xf32, #tpu.memory_space<vmem>>, vector<16xf32>,
        tpu.vector_store %arg13[%parallel_loop3A_220, %parallel_loop3A_221], %parallel_loop3A_219 {strides = array<i32>} : memref<128x64xf32, #tpu.memory_space<vmem>>, vector<16xf32>,
        %parallel_loop3A_223 = arith.index_cast %parallel_loop3A_212 : i32 to index
        %parallel_loop3A_224 = arith.constant 16 : index
        %parallel_loop3A_225 = tpu.vector_load %arg13[%parallel_loop3A_223, %parallel_loop3A_224] {strides = array<i32>} : memref<128x64xf32, #tpu.memory_space<vmem>>, vector<16xf32>,
        %parallel_loop3A_226 = arith.mulf %parallel_loop3A_225, %parallel_loop3A_215 : vector<16xf32>
        %parallel_loop3A_227 = arith.index_cast %parallel_loop3A_212 : i32 to index
        %parallel_loop3A_228 = arith.constant 16 : index
        %parallel_loop3A_229 = tpu.vector_load %arg13[%parallel_loop3A_227, %parallel_loop3A_228] {strides = array<i32>} : memref<128x64xf32, #tpu.memory_space<vmem>>, vector<16xf32>,
        tpu.vector_store %arg13[%parallel_loop3A_227, %parallel_loop3A_228], %parallel_loop3A_226 {strides = array<i32>} : memref<128x64xf32, #tpu.memory_space<vmem>>, vector<16xf32>,
        %parallel_loop3A_230 = arith.index_cast %parallel_loop3A_212 : i32 to index
        %parallel_loop3A_231 = arith.constant 32 : index
        %parallel_loop3A_232 = tpu.vector_load %arg13[%parallel_loop3A_230, %parallel_loop3A_231] {strides = array<i32>} : memref<128x64xf32, #tpu.memory_space<vmem>>, vector<16xf32>,
        %parallel_loop3A_233 = arith.mulf %parallel_loop3A_232, %parallel_loop3A_215 : vector<16xf32>
        %parallel_loop3A_234 = arith.index_cast %parallel_loop3A_212 : i32 to index
        %parallel_loop3A_235 = arith.constant 32 : index
        %parallel_loop3A_236 = tpu.vector_load %arg13[%parallel_loop3A_234, %parallel_loop3A_235] {strides = array<i32>} : memref<128x64xf32, #tpu.memory_space<vmem>>, vector<16xf32>,
        tpu.vector_store %arg13[%parallel_loop3A_234, %parallel_loop3A_235], %parallel_loop3A_233 {strides = array<i32>} : memref<128x64xf32, #tpu.memory_space<vmem>>, vector<16xf32>,
        %parallel_loop3A_237 = arith.index_cast %parallel_loop3A_212 : i32 to index
        %parallel_loop3A_238 = arith.constant 48 : index
        %parallel_loop3A_239 = tpu.vector_load %arg13[%parallel_loop3A_237, %parallel_loop3A_238] {strides = array<i32>} : memref<128x64xf32, #tpu.memory_space<vmem>>, vector<16xf32>,
        %parallel_loop3A_240 = arith.mulf %parallel_loop3A_239, %parallel_loop3A_215 : vector<16xf32>
        %parallel_loop3A_241 = arith.index_cast %parallel_loop3A_212 : i32 to index
        %parallel_loop3A_242 = arith.constant 48 : index
        %parallel_loop3A_243 = tpu.vector_load %arg13[%parallel_loop3A_241, %parallel_loop3A_242] {strides = array<i32>} : memref<128x64xf32, #tpu.memory_space<vmem>>, vector<16xf32>,
        tpu.vector_store %arg13[%parallel_loop3A_241, %parallel_loop3A_242], %parallel_loop3A_240 {strides = array<i32>} : memref<128x64xf32, #tpu.memory_space<vmem>>, vector<16xf32>,
      } {sc.loop_unroll_factor = 16 : i64, sc.parallel_access}
      %dma_start3A_184 = arith.constant 0 : i32
      %dma_start3A_185 = tpu.memref_slice %arg11[%mul3A_174, %dma_start3A_184] : memref<158x128xi32, #tpu.memory_space<vmem>> -> memref<1x128xi32, #tpu.memory_space<vmem>>
      %dma_start3A_186 = tpu.memref_squeeze %dma_start3A_185 : memref<1x128xi32, #tpu.memory_space<vmem>> -> memref<128xi32, #tpu.memory_space<vmem>>
      %dma_start3A_187 = arith.constant 0 : i32
      %dma_start3A_188 = arith.constant 0 : i32
      %dma_start3A_189 = tpu.memref_slice %arg18[%dma_start3A_187, %dma_start3A_188] : memref<10240x64xf32, #tpu.memory_space<vmem_shared>> -> memref<10240x64xf32, #tpu.memory_space<vmem_shared>>
      tpu.enqueue_indirect_dma source(%arg13 : memref<128x64xf32, #tpu.memory_space<vmem>>) target(%dma_start3A_189 : memref<10240x64xf32, #tpu.memory_space<vmem_shared>>) offsets(%dma_start3A_186 : memref<128xi32, #tpu.memory_space<vmem>>) semaphore(%arg21 : memref<!tpu.dma_semaphore, #tpu.memory_space<semaphore_mem>>) {add = true}
      %dma_wait3A_190 = arith.constant 0 : i32
      %dma_wait3A_191 = arith.constant 0 : i32
      %dma_wait3A_192 = tpu.memref_slice %arg6[%dma_wait3A_190, %dma_wait3A_191] : memref<20480x64xf32, #tpu.memory_space<hbm>> -> memref<128x64xf32, #tpu.memory_space<hbm>>
      %dma_wait3A_193 = arith.constant 0 : i32
      %dma_wait3A_194 = arith.constant 0 : i32
      %dma_wait3A_195 = tpu.memref_slice %arg6[%dma_wait3A_193, %dma_wait3A_194] : memref<20480x64xf32, #tpu.memory_space<hbm>> -> memref<128x64xf32, #tpu.memory_space<hbm>>
      tpu.wait_dma2 semaphore(%arg20 : memref<!tpu.dma_semaphore, #tpu.memory_space<semaphore_mem>>) src(%dma_wait3A_195 : memref<128x64xf32, #tpu.memory_space<hbm>>) dst(%arg14 : memref<128x64xf32, #tpu.memory_space<vmem>>)
      %add3A_196 = arith.constant 1 : i32
      %add3A_197 = arith.addi %mul3A_174, %add3A_196 : i32
      %parallel_loop3A_198 = arith.constant 0 : i32
      %parallel_loop3A_199 = arith.constant 128 : i32
      %parallel_loop3A_200 = arith.constant 1 : i32
      scf.for %parallel_loop3A_212 = %parallel_loop3A_198 to %parallel_loop3A_199 step %parallel_loop3A_200  : i32 {
        %parallel_loop3A_213 = vector.broadcast %add3A_197 : i32 to vector<16xi32>
        %parallel_loop3A_214 = vector.broadcast %parallel_loop3A_212 : i32 to vector<16xi32>
        %parallel_loop3A_215 = tpu.vector_load_idx %arg12[%parallel_loop3A_213, %parallel_loop3A_214] : memref<158x128xf32, #tpu.memory_space<vmem>>[vector<16xi32>, vector<16xi32>], vector<16xf32>,
        %parallel_loop3A_216 = arith.index_cast %parallel_loop3A_212 : i32 to index
        %parallel_loop3A_217 = arith.constant 0 : index
        %parallel_loop3A_218 = tpu.vector_load %arg14[%parallel_loop3A_216, %parallel_loop3A_217] {strides = array<i32>} : memref<128x64xf32, #tpu.memory_space<vmem>>, vector<16xf32>,
        %parallel_loop3A_219 = arith.mulf %parallel_loop3A_218, %parallel_loop3A_215 : vector<16xf32>
        %parallel_loop3A_220 = arith.index_cast %parallel_loop3A_212 : i32 to index
        %parallel_loop3A_221 = arith.constant 0 : index
        %parallel_loop3A_222 = tpu.vector_load %arg14[%parallel_loop3A_220, %parallel_loop3A_221] {strides = array<i32>} : memref<128x64xf32, #tpu.memory_space<vmem>>, vector<16xf32>,
        tpu.vector_store %arg14[%parallel_loop3A_220, %parallel_loop3A_221], %parallel_loop3A_219 {strides = array<i32>} : memref<128x64xf32, #tpu.memory_space<vmem>>, vector<16xf32>,
        %parallel_loop3A_223 = arith.index_cast %parallel_loop3A_212 : i32 to index
        %parallel_loop3A_224 = arith.constant 16 : index
        %parallel_loop3A_225 = tpu.vector_load %arg14[%parallel_loop3A_223, %parallel_loop3A_224] {strides = array<i32>} : memref<128x64xf32, #tpu.memory_space<vmem>>, vector<16xf32>,
        %parallel_loop3A_226 = arith.mulf %parallel_loop3A_225, %parallel_loop3A_215 : vector<16xf32>
        %parallel_loop3A_227 = arith.index_cast %parallel_loop3A_212 : i32 to index
        %parallel_loop3A_228 = arith.constant 16 : index
        %parallel_loop3A_229 = tpu.vector_load %arg14[%parallel_loop3A_227, %parallel_loop3A_228] {strides = array<i32>} : memref<128x64xf32, #tpu.memory_space<vmem>>, vector<16xf32>,
        tpu.vector_store %arg14[%parallel_loop3A_227, %parallel_loop3A_228], %parallel_loop3A_226 {strides = array<i32>} : memref<128x64xf32, #tpu.memory_space<vmem>>, vector<16xf32>,
        %parallel_loop3A_230 = arith.index_cast %parallel_loop3A_212 : i32 to index
        %parallel_loop3A_231 = arith.constant 32 : index
        %parallel_loop3A_232 = tpu.vector_load %arg14[%parallel_loop3A_230, %parallel_loop3A_231] {strides = array<i32>} : memref<128x64xf32, #tpu.memory_space<vmem>>, vector<16xf32>,
        %parallel_loop3A_233 = arith.mulf %parallel_loop3A_232, %parallel_loop3A_215 : vector<16xf32>
        %parallel_loop3A_234 = arith.index_cast %parallel_loop3A_212 : i32 to index
        %parallel_loop3A_235 = arith.constant 32 : index
        %parallel_loop3A_236 = tpu.vector_load %arg14[%parallel_loop3A_234, %parallel_loop3A_235] {strides = array<i32>} : memref<128x64xf32, #tpu.memory_space<vmem>>, vector<16xf32>,
        tpu.vector_store %arg14[%parallel_loop3A_234, %parallel_loop3A_235], %parallel_loop3A_233 {strides = array<i32>} : memref<128x64xf32, #tpu.memory_space<vmem>>, vector<16xf32>,
        %parallel_loop3A_237 = arith.index_cast %parallel_loop3A_212 : i32 to index
        %parallel_loop3A_238 = arith.constant 48 : index
        %parallel_loop3A_239 = tpu.vector_load %arg14[%parallel_loop3A_237, %parallel_loop3A_238] {strides = array<i32>} : memref<128x64xf32, #tpu.memory_space<vmem>>, vector<16xf32>,
        %parallel_loop3A_240 = arith.mulf %parallel_loop3A_239, %parallel_loop3A_215 : vector<16xf32>
        %parallel_loop3A_241 = arith.index_cast %parallel_loop3A_212 : i32 to index
        %parallel_loop3A_242 = arith.constant 48 : index
        %parallel_loop3A_243 = tpu.vector_load %arg14[%parallel_loop3A_241, %parallel_loop3A_242] {strides = array<i32>} : memref<128x64xf32, #tpu.memory_space<vmem>>, vector<16xf32>,
        tpu.vector_store %arg14[%parallel_loop3A_241, %parallel_loop3A_242], %parallel_loop3A_240 {strides = array<i32>} : memref<128x64xf32, #tpu.memory_space<vmem>>, vector<16xf32>,
      } {sc.loop_unroll_factor = 16 : i64, sc.parallel_access}
      %add3A_201 = arith.constant 1 : i32
      %add3A_202 = arith.addi %mul3A_174, %add3A_201 : i32
      %dma_start3A_203 = arith.constant 0 : i32
      %dma_start3A_204 = tpu.memref_slice %arg11[%add3A_202, %dma_start3A_203] : memref<158x128xi32, #tpu.memory_space<vmem>> -> memref<1x128xi32, #tpu.memory_space<vmem>>
      %dma_start3A_205 = tpu.memref_squeeze %dma_start3A_204 : memref<1x128xi32, #tpu.memory_space<vmem>> -> memref<128xi32, #tpu.memory_space<vmem>>
      %dma_start3A_206 = arith.constant 0 : i32
      %dma_start3A_207 = arith.constant 0 : i32
      %dma_start3A_208 = tpu.memref_slice %arg18[%dma_start3A_206, %dma_start3A_207] : memref<10240x64xf32, #tpu.memory_space<vmem_shared>> -> memref<10240x64xf32, #tpu.memory_space<vmem_shared>>
      tpu.enqueue_indirect_dma source(%arg14 : memref<128x64xf32, #tpu.memory_space<vmem>>) target(%dma_start3A_208 : memref<10240x64xf32, #tpu.memory_space<vmem_shared>>) offsets(%dma_start3A_205 : memref<128xi32, #tpu.memory_space<vmem>>) semaphore(%arg22 : memref<!tpu.dma_semaphore, #tpu.memory_space<semaphore_mem>>) {add = true}
      %lt3A = arith.constant 78 : i32
      %lt3A_209 = arith.cmpi slt, %scan3A_171, %lt3A : i32
      %convert_element_type3A = arith.extui %lt3A_209 : i1 to i32
      %cond3A = arith.constant 0 : i32
      %cond3A_210 = arith.cmpi ne, %convert_element_type3A, %cond3A : i32
      scf.if %cond3A_210 {
        %dma_wait3A_212 = arith.constant 0 : i32
        %dma_wait3A_213 = arith.constant 0 : i32
        %dma_wait3A_214 = tpu.memref_slice %arg18[%dma_wait3A_212, %dma_wait3A_213] : memref<10240x64xf32, #tpu.memory_space<vmem_shared>> -> memref<128x64xf32, #tpu.memory_space<vmem_shared>>
        %dma_wait3A_215 = arith.constant 0 : i32
        %dma_wait3A_216 = arith.constant 0 : i32
        %dma_wait3A_217 = tpu.memref_slice %arg18[%dma_wait3A_215, %dma_wait3A_216] : memref<10240x64xf32, #tpu.memory_space<vmem_shared>> -> memref<128x64xf32, #tpu.memory_space<vmem_shared>>
        tpu.wait_dma2 semaphore(%arg21 : memref<!tpu.dma_semaphore, #tpu.memory_space<semaphore_mem>>) src(%arg13 : memref<128x64xf32, #tpu.memory_space<vmem>>) dst(%dma_wait3A_217 : memref<128x64xf32, #tpu.memory_space<vmem_shared>>)
        %add3A_218 = arith.constant 2 : i32
        %add3A_219 = arith.addi %mul3A_174, %add3A_218 : i32
        %dma_start3A_220 = arith.constant 0 : i32
        %dma_start3A_221 = tpu.memref_slice %arg10[%add3A_219, %dma_start3A_220] : memref<158x128xi32, #tpu.memory_space<vmem>> -> memref<1x128xi32, #tpu.memory_space<vmem>>
        %dma_start3A_222 = tpu.memref_squeeze %dma_start3A_221 : memref<1x128xi32, #tpu.memory_space<vmem>> -> memref<128xi32, #tpu.memory_space<vmem>>
        %dma_start3A_223 = arith.constant 0 : i32
        %dma_start3A_224 = arith.constant 0 : i32
        %dma_start3A_225 = tpu.memref_slice %arg6[%dma_start3A_223, %dma_start3A_224] : memref<20480x64xf32, #tpu.memory_space<hbm>> -> memref<20480x64xf32, #tpu.memory_space<hbm>>
        tpu.enqueue_indirect_dma source(%dma_start3A_225 : memref<20480x64xf32, #tpu.memory_space<hbm>>) target(%arg13 : memref<128x64xf32, #tpu.memory_space<vmem>>) offsets(%dma_start3A_222 : memref<128xi32, #tpu.memory_space<vmem>>) semaphore(%arg19 : memref<!tpu.dma_semaphore, #tpu.memory_space<semaphore_mem>>)
        %dma_wait3A_226 = arith.constant 0 : i32
        %dma_wait3A_227 = arith.constant 0 : i32
        %dma_wait3A_228 = tpu.memref_slice %arg18[%dma_wait3A_226, %dma_wait3A_227] : memref<10240x64xf32, #tpu.memory_space<vmem_shared>> -> memref<128x64xf32, #tpu.memory_space<vmem_shared>>
        %dma_wait3A_229 = arith.constant 0 : i32
        %dma_wait3A_230 = arith.constant 0 : i32
        %dma_wait3A_231 = tpu.memref_slice %arg18[%dma_wait3A_229, %dma_wait3A_230] : memref<10240x64xf32, #tpu.memory_space<vmem_shared>> -> memref<128x64xf32, #tpu.memory_space<vmem_shared>>
        tpu.wait_dma2 semaphore(%arg22 : memref<!tpu.dma_semaphore, #tpu.memory_space<semaphore_mem>>) src(%arg14 : memref<128x64xf32, #tpu.memory_space<vmem>>) dst(%dma_wait3A_231 : memref<128x64xf32, #tpu.memory_space<vmem_shared>>)
        %add3A_232 = arith.constant 3 : i32
        %add3A_233 = arith.addi %mul3A_174, %add3A_232 : i32
        %dma_start3A_234 = arith.constant 0 : i32
        %dma_start3A_235 = tpu.memref_slice %arg10[%add3A_233, %dma_start3A_234] : memref<158x128xi32, #tpu.memory_space<vmem>> -> memref<1x128xi32, #tpu.memory_space<vmem>>
        %dma_start3A_236 = tpu.memref_squeeze %dma_start3A_235 : memref<1x128xi32, #tpu.memory_space<vmem>> -> memref<128xi32, #tpu.memory_space<vmem>>
        %dma_start3A_237 = arith.constant 0 : i32
        %dma_start3A_238 = arith.constant 0 : i32
        %dma_start3A_239 = tpu.memref_slice %arg6[%dma_start3A_237, %dma_start3A_238] : memref<20480x64xf32, #tpu.memory_space<hbm>> -> memref<20480x64xf32, #tpu.memory_space<hbm>>
        tpu.enqueue_indirect_dma source(%dma_start3A_239 : memref<20480x64xf32, #tpu.memory_space<hbm>>) target(%arg14 : memref<128x64xf32, #tpu.memory_space<vmem>>) offsets(%dma_start3A_236 : memref<128xi32, #tpu.memory_space<vmem>>) semaphore(%arg20 : memref<!tpu.dma_semaphore, #tpu.memory_space<semaphore_mem>>)
      } else {
      }
      %scan3A_211 = arith.constant 0 : i32
      scf.yield %scan3A_211 : i32
    }
    %scan3A_147 = arith.constant 79 : i32
    %dma_wait3A = arith.constant 0 : i32
    %dma_wait3A_148 = arith.constant 0 : i32
    %dma_wait3A_149 = tpu.memref_slice %arg18[%dma_wait3A, %dma_wait3A_148] : memref<10240x64xf32, #tpu.memory_space<vmem_shared>> -> memref<128x64xf32, #tpu.memory_space<vmem_shared>>
    %dma_wait3A_150 = arith.constant 0 : i32
    %dma_wait3A_151 = arith.constant 0 : i32
    %dma_wait3A_152 = tpu.memref_slice %arg18[%dma_wait3A_150, %dma_wait3A_151] : memref<10240x64xf32, #tpu.memory_space<vmem_shared>> -> memref<128x64xf32, #tpu.memory_space<vmem_shared>>
    tpu.wait_dma2 semaphore(%arg21 : memref<!tpu.dma_semaphore, #tpu.memory_space<semaphore_mem>>) src(%arg13 : memref<128x64xf32, #tpu.memory_space<vmem>>) dst(%dma_wait3A_152 : memref<128x64xf32, #tpu.memory_space<vmem_shared>>)
    %dma_wait3A_153 = arith.constant 0 : i32
    %dma_wait3A_154 = arith.constant 0 : i32
    %dma_wait3A_155 = tpu.memref_slice %arg18[%dma_wait3A_153, %dma_wait3A_154] : memref<10240x64xf32, #tpu.memory_space<vmem_shared>> -> memref<128x64xf32, #tpu.memory_space<vmem_shared>>
    %dma_wait3A_156 = arith.constant 0 : i32
    %dma_wait3A_157 = arith.constant 0 : i32
    %dma_wait3A_158 = tpu.memref_slice %arg18[%dma_wait3A_156, %dma_wait3A_157] : memref<10240x64xf32, #tpu.memory_space<vmem_shared>> -> memref<128x64xf32, #tpu.memory_space<vmem_shared>>
    tpu.wait_dma2 semaphore(%arg22 : memref<!tpu.dma_semaphore, #tpu.memory_space<semaphore_mem>>) src(%arg14 : memref<128x64xf32, #tpu.memory_space<vmem>>) dst(%dma_wait3A_158 : memref<128x64xf32, #tpu.memory_space<vmem_shared>>)
    %scan3A_159 = arith.constant 0 : i32
    %scan3A_160 = arith.constant 0 : i32
    %scan3A_161 = arith.constant 158 : i32
    %scan3A_162 = arith.addi %scan3A_160, %scan3A_161 : i32
    %scan3A_163 = arith.constant 1 : i32
    %scan3A_164 = scf.for %scan3A_171 = %scan3A_160 to %scan3A_162 step %scan3A_163 iter_args(%scan3A_172 = %scan3A_159) -> (i32)  : i32 {
      %dma_wait3A_173 = arith.constant 0 : i32
      %dma_wait3A_174 = arith.constant 0 : i32
      %dma_wait3A_175 = tpu.memref_slice %arg12[%dma_wait3A_173, %dma_wait3A_174] : memref<158x128xf32, #tpu.memory_space<vmem>> -> memref<1x128xf32, #tpu.memory_space<vmem>>
      %dma_wait3A_176 = tpu.memref_squeeze %dma_wait3A_175 : memref<1x128xf32, #tpu.memory_space<vmem>> -> memref<128xf32, #tpu.memory_space<vmem>>
      %dma_wait3A_177 = arith.constant 0 : i32
      %dma_wait3A_178 = tpu.memref_slice %arg17[%dma_wait3A_177] : memref<10240xf32, #tpu.memory_space<vmem_shared>> -> memref<128xf32, #tpu.memory_space<vmem_shared>>
      %dma_wait3A_179 = arith.constant 0 : i32
      %dma_wait3A_180 = tpu.memref_slice %arg17[%dma_wait3A_179] : memref<10240xf32, #tpu.memory_space<vmem_shared>> -> memref<128xf32, #tpu.memory_space<vmem_shared>>
      %dma_wait3A_181 = arith.constant 0 : i32
      %dma_wait3A_182 = tpu.memref_slice %arg12[%dma_wait3A_173, %dma_wait3A_181] : memref<158x128xf32, #tpu.memory_space<vmem>> -> memref<1x128xf32, #tpu.memory_space<vmem>>
      %dma_wait3A_183 = tpu.memref_squeeze %dma_wait3A_182 : memref<1x128xf32, #tpu.memory_space<vmem>> -> memref<128xf32, #tpu.memory_space<vmem>>
      tpu.wait_dma2 semaphore(%arg28 : memref<!tpu.dma_semaphore, #tpu.memory_space<semaphore_mem>>) src(%dma_wait3A_183 : memref<128xf32, #tpu.memory_space<vmem>>) dst(%dma_wait3A_180 : memref<128xf32, #tpu.memory_space<vmem_shared>>)
      %scan3A_184 = arith.constant 0 : i32
      scf.yield %scan3A_184 : i32
    }
    %scan3A_165 = arith.constant 158 : i32
    %barrier3A_166 = arith.constant 0 : index
    tpu.barrier barrier_id(%barrier3A_166)
    %mul3A_167 = arith.constant 640 : i32
    %mul3A_168 = arith.muli %arg1, %mul3A_167 : i32
    "tpu.region"() ({
      %run_scoped3A_171 = tpu.sem_alloc : memref<!tpu.dma_semaphore, #tpu.memory_space<semaphore_mem>>
      %dma_start3A_172 = arith.constant 0 : i32
      %dma_start3A_173 = tpu.memref_slice %arg8[%arg0, %arg1, %dma_start3A_172] : memref<2x16x640xf32, #tpu.memory_space<hbm>> -> memref<1x1x640xf32, #tpu.memory_space<hbm>>
      %dma_start3A_174 = tpu.memref_squeeze %dma_start3A_173 : memref<1x1x640xf32, #tpu.memory_space<hbm>> -> memref<640xf32, #tpu.memory_space<hbm>>
      %dma_start3A_175 = tpu.memref_slice %arg17[%mul3A_168] : memref<10240xf32, #tpu.memory_space<vmem_shared>> -> memref<640xf32, #tpu.memory_space<vmem_shared>>
      tpu.enqueue_dma source(%dma_start3A_175 : memref<640xf32, #tpu.memory_space<vmem_shared>>) target(%dma_start3A_174 : memref<640xf32, #tpu.memory_space<hbm>>) target_semaphore(%run_scoped3A_171 : memref<!tpu.dma_semaphore, #tpu.memory_space<semaphore_mem>>)
      %dma_wait3A_176 = arith.constant 0 : i32
      %dma_wait3A_177 = tpu.memref_slice %arg8[%arg0, %arg1, %dma_wait3A_176] : memref<2x16x640xf32, #tpu.memory_space<hbm>> -> memref<1x1x640xf32, #tpu.memory_space<hbm>>
      %dma_wait3A_178 = tpu.memref_squeeze %dma_wait3A_177 : memref<1x1x640xf32, #tpu.memory_space<hbm>> -> memref<640xf32, #tpu.memory_space<hbm>>
      %dma_wait3A_179 = tpu.memref_slice %arg17[%mul3A_168] : memref<10240xf32, #tpu.memory_space<vmem_shared>> -> memref<640xf32, #tpu.memory_space<vmem_shared>>
      tpu.wait_dma2 semaphore(%run_scoped3A_171 : memref<!tpu.dma_semaphore, #tpu.memory_space<semaphore_mem>>) src(%dma_wait3A_179 : memref<640xf32, #tpu.memory_space<vmem_shared>>) dst(%dma_wait3A_178 : memref<640xf32, #tpu.memory_space<hbm>>)
      tpu.yield
    }) : () -> ()
    %mul3A_169 = arith.constant 640 : i32
    %mul3A_170 = arith.muli %arg1, %mul3A_169 : i32
    "tpu.region"() ({
      %run_scoped3A_171 = tpu.sem_alloc : memref<!tpu.dma_semaphore, #tpu.memory_space<semaphore_mem>>
      %dma_start3A_172 = arith.constant 0 : i32
      %dma_start3A_173 = arith.constant 0 : i32
      %dma_start3A_174 = tpu.memref_slice %arg9[%arg0, %arg1, %dma_start3A_172, %dma_start3A_173] : memref<2x16x640x64xf32, #tpu.memory_space<hbm>> -> memref<1x1x640x64xf32, #tpu.memory_space<hbm>>
      %dma_start3A_175 = tpu.memref_squeeze %dma_start3A_174 : memref<1x1x640x64xf32, #tpu.memory_space<hbm>> -> memref<640x64xf32, #tpu.memory_space<hbm>>
      %dma_start3A_176 = arith.constant 0 : i32
      %dma_start3A_177 = tpu.memref_slice %arg18[%mul3A_170, %dma_start3A_176] : memref<10240x64xf32, #tpu.memory_space<vmem_shared>> -> memref<640x64xf32, #tpu.memory_space<vmem_shared>>
      tpu.enqueue_dma source(%dma_start3A_177 : memref<640x64xf32, #tpu.memory_space<vmem_shared>>) target(%dma_start3A_175 : memref<640x64xf32, #tpu.memory_space<hbm>>) target_semaphore(%run_scoped3A_171 : memref<!tpu.dma_semaphore, #tpu.memory_space<semaphore_mem>>)
      %dma_wait3A_178 = arith.constant 0 : i32
      %dma_wait3A_179 = arith.constant 0 : i32
      %dma_wait3A_180 = tpu.memref_slice %arg9[%arg0, %arg1, %dma_wait3A_178, %dma_wait3A_179] : memref<2x16x640x64xf32, #tpu.memory_space<hbm>> -> memref<1x1x640x64xf32, #tpu.memory_space<hbm>>
      %dma_wait3A_181 = tpu.memref_squeeze %dma_wait3A_180 : memref<1x1x640x64xf32, #tpu.memory_space<hbm>> -> memref<640x64xf32, #tpu.memory_space<hbm>>
      %dma_wait3A_182 = arith.constant 0 : i32
      %dma_wait3A_183 = tpu.memref_slice %arg18[%mul3A_170, %dma_wait3A_182] : memref<10240x64xf32, #tpu.memory_space<vmem_shared>> -> memref<640x64xf32, #tpu.memory_space<vmem_shared>>
      tpu.wait_dma2 semaphore(%run_scoped3A_171 : memref<!tpu.dma_semaphore, #tpu.memory_space<semaphore_mem>>) src(%dma_wait3A_183 : memref<640x64xf32, #tpu.memory_space<vmem_shared>>) dst(%dma_wait3A_181 : memref<640x64xf32, #tpu.memory_space<hbm>>)
      tpu.yield
    }) : () -> ()
    return
  }
}

module attributes {stable_mosaic.version = 14 : i64} {
  func.func @_prep_body(%arg0: i32, %arg1: memref<1024x128xf32, #tpu.memory_space<vmem>>, %arg2: memref<128x128xf32, #tpu.memory_space<vmem>>, %arg3: memref<128x1xf32, #tpu.memory_space<vmem>>, %arg4: memref<128x1xf32, #tpu.memory_space<vmem>>, %arg5: memref<1024x128xf32, #tpu.memory_space<vmem>>, %arg6: memref<1024x1xf32, #tpu.memory_space<vmem>>, %arg7: memref<1024x1xf32, #tpu.memory_space<vmem>>, %arg8: memref<2x128xf32, #tpu.memory_space<vmem>>) attributes {dimension_semantics = [#tpu.dimension_semantics<arbitrary>], iteration_bounds = array<i64: 10>, scalar_prefetch = 0 : i64, scratch_operands = 0 : i64, tpu.core_type = #tpu.core_type<tc>, window_params = [{transform_indices = @transform_0, window_bounds = array<i64: 1024, 128>}, {pipeline_mode = #tpu.pipeline_mode<synchronous>, transform_indices = @transform_1, window_bounds = array<i64: 128, 128>}, {pipeline_mode = #tpu.pipeline_mode<synchronous>, transform_indices = @transform_2, window_bounds = array<i64: 128, 1>}, {pipeline_mode = #tpu.pipeline_mode<synchronous>, transform_indices = @transform_3, window_bounds = array<i64: 128, 1>}, {transform_indices = @transform_4, window_bounds = array<i64: 1024, 128>}, {transform_indices = @transform_5, window_bounds = array<i64: 1024, 1>}, {transform_indices = @transform_6, window_bounds = array<i64: 1024, 1>}, {pipeline_mode = #tpu.pipeline_mode<synchronous>, transform_indices = @transform_7, window_bounds = array<i64: 2, 128>}]} {
    %get3A = arith.constant 0 : index
    %get3A_0 = arith.constant 0 : index
    %get3A_1 = vector.load %arg1[%get3A, %get3A_0] : memref<1024x128xf32, #tpu.memory_space<vmem>>, vector<1024x128xf32>
    %get3A_2 = arith.constant 0 : index
    %get3A_3 = arith.constant 0 : index
    %get3A_4 = vector.load %arg2[%get3A_2, %get3A_3] : memref<128x128xf32, #tpu.memory_space<vmem>>, vector<128x128xf32>
    %dot_general3A = arith.constant dense<0.000000e+00> : vector<1024x128xf32>
    %dot_general3A_5 = tpu.matmul %get3A_1, %get3A_4, %dot_general3A {dimension_numbers = #tpu.dot_dimension_numbers<[1], [0], [0], [1], [0, 0, 1, 1], [], []>, transpose_lhs_hint = false} : vector<1024x128xf32>, vector<128x128xf32>, vector<1024x128xf32> -> vector<1024x128xf32>
    %swap3A = arith.constant 0 : index
    %swap3A_6 = arith.constant 0 : index
    %swap3A_7 = vector.load %arg5[%swap3A, %swap3A_6] : memref<1024x128xf32, #tpu.memory_space<vmem>>, vector<1024x128xf32>
    tpu.vector_store %arg5[%swap3A, %swap3A_6], %dot_general3A_5 {strides = array<i32>} : memref<1024x128xf32, #tpu.memory_space<vmem>>, vector<1024x128xf32>,
    %get3A_8 = arith.constant 0 : index
    %get3A_9 = arith.constant 0 : index
    %get3A_10 = vector.load %arg3[%get3A_8, %get3A_9] : memref<128x1xf32, #tpu.memory_space<vmem>>, vector<128x1xf32>
    %dot_general3A_11 = arith.constant dense<0.000000e+00> : vector<1024x1xf32>
    %dot_general3A_12 = tpu.matmul %dot_general3A_5, %get3A_10, %dot_general3A_11 {dimension_numbers = #tpu.dot_dimension_numbers<[1], [0], [0], [1], [0, 0, 1, 1], [], []>, transpose_lhs_hint = false} : vector<1024x128xf32>, vector<128x1xf32>, vector<1024x1xf32> -> vector<1024x1xf32>
    %get3A_13 = arith.constant 0 : index
    %get3A_14 = arith.constant 0 : index
    %get3A_15 = vector.load %arg4[%get3A_13, %get3A_14] : memref<128x1xf32, #tpu.memory_space<vmem>>, vector<128x1xf32>
    %dot_general3A_16 = arith.constant dense<0.000000e+00> : vector<1024x1xf32>
    %dot_general3A_17 = tpu.matmul %dot_general3A_5, %get3A_15, %dot_general3A_16 {dimension_numbers = #tpu.dot_dimension_numbers<[1], [0], [0], [1], [0, 0, 1, 1], [], []>, transpose_lhs_hint = false} : vector<1024x128xf32>, vector<128x1xf32>, vector<1024x1xf32> -> vector<1024x1xf32>
    %swap3A_18 = arith.constant 0 : index
    %swap3A_19 = arith.constant 0 : index
    %swap3A_20 = vector.load %arg6[%swap3A_18, %swap3A_19] : memref<1024x1xf32, #tpu.memory_space<vmem>>, vector<1024x1xf32>
    tpu.vector_store %arg6[%swap3A_18, %swap3A_19], %dot_general3A_12 {strides = array<i32>} : memref<1024x1xf32, #tpu.memory_space<vmem>>, vector<1024x1xf32>,
    %swap3A_21 = arith.constant 0 : index
    %swap3A_22 = arith.constant 0 : index
    %swap3A_23 = vector.load %arg7[%swap3A_21, %swap3A_22] : memref<1024x1xf32, #tpu.memory_space<vmem>>, vector<1024x1xf32>
    tpu.vector_store %arg7[%swap3A_21, %swap3A_22], %dot_general3A_17 {strides = array<i32>} : memref<1024x1xf32, #tpu.memory_space<vmem>>, vector<1024x1xf32>,
    %reduce_max3A = vector.shape_cast %dot_general3A_12 : vector<1024x1xf32> to vector<1x1024x1xf32>
    %reduce_max3A_24 = arith.constant dense<0xFF800000> : vector<1xf32>
    %reduce_max3A_25 = vector.multi_reduction <maximumf>, %reduce_max3A, %reduce_max3A_24 [1, 2] : vector<1x1024x1xf32> to vector<1xf32>
    %reduce_max3A_26 = vector.shape_cast %reduce_max3A_25 : vector<1xf32> to vector<1x1x1xf32>
    %reduce_max3A_27 = vector.extract %reduce_max3A_26[0, 0, 0] : f32 from vector<1x1x1xf32>
    %broadcast_in_dim3A = vector.broadcast %reduce_max3A_27 : f32 to vector<1x128xf32>
    %reduce_max3A_28 = vector.shape_cast %dot_general3A_17 : vector<1024x1xf32> to vector<1x1024x1xf32>
    %reduce_max3A_29 = arith.constant dense<0xFF800000> : vector<1xf32>
    %reduce_max3A_30 = vector.multi_reduction <maximumf>, %reduce_max3A_28, %reduce_max3A_29 [1, 2] : vector<1x1024x1xf32> to vector<1xf32>
    %reduce_max3A_31 = vector.shape_cast %reduce_max3A_30 : vector<1xf32> to vector<1x1x1xf32>
    %reduce_max3A_32 = vector.extract %reduce_max3A_31[0, 0, 0] : f32 from vector<1x1x1xf32>
    %broadcast_in_dim3A_33 = vector.broadcast %reduce_max3A_32 : f32 to vector<1x128xf32>
    %concatenate3A = tpu.concatenate %broadcast_in_dim3A, %broadcast_in_dim3A_33 in 0 : vector<1x128xf32>, vector<1x128xf32> -> vector<2x128xf32>
    %eq3A = arith.constant 0 : i32
    %eq3A_34 = arith.cmpi eq, %arg0, %eq3A : i32
    %convert_element_type3A = arith.extui %eq3A_34 : i1 to i32
    %cond3A = arith.constant 0 : i32
    %cond3A_35 = arith.cmpi ne, %convert_element_type3A, %cond3A : i32
    scf.if %cond3A_35 {
      %swap3A_40 = arith.constant 0 : index
      %swap3A_41 = arith.constant 0 : index
      %swap3A_42 = vector.load %arg8[%swap3A_40, %swap3A_41] : memref<2x128xf32, #tpu.memory_space<vmem>>, vector<2x128xf32>
      tpu.vector_store %arg8[%swap3A_40, %swap3A_41], %concatenate3A {strides = array<i32>} : memref<2x128xf32, #tpu.memory_space<vmem>>, vector<2x128xf32>,
    } else {
    }
    %gt3A = arith.constant 0 : i32
    %gt3A_36 = arith.cmpi sgt, %arg0, %gt3A : i32
    %convert_element_type3A_37 = arith.extui %gt3A_36 : i1 to i32
    %cond3A_38 = arith.constant 0 : i32
    %cond3A_39 = arith.cmpi ne, %convert_element_type3A_37, %cond3A_38 : i32
    scf.if %cond3A_39 {
      %get3A_40 = arith.constant 0 : index
      %get3A_41 = arith.constant 0 : index
      %get3A_42 = vector.load %arg8[%get3A_40, %get3A_41] : memref<2x128xf32, #tpu.memory_space<vmem>>, vector<2x128xf32>
      %max3A = arith.maximumf %get3A_42, %concatenate3A : vector<2x128xf32>
      %swap3A_43 = arith.constant 0 : index
      %swap3A_44 = arith.constant 0 : index
      %swap3A_45 = vector.load %arg8[%swap3A_43, %swap3A_44] : memref<2x128xf32, #tpu.memory_space<vmem>>, vector<2x128xf32>
      tpu.vector_store %arg8[%swap3A_43, %swap3A_44], %max3A {strides = array<i32>} : memref<2x128xf32, #tpu.memory_space<vmem>>, vector<2x128xf32>,
    } else {
    }
    return
  }
  func.func @transform_0(%arg0: i32) -> (i32, i32) {
    %c0_i32 = arith.constant 0 : i32
    %c0_i32_0 = arith.constant 0 : i32
    return %arg0, %c0_i32 : i32, i32
  }
  func.func @transform_1(%arg0: i32) -> (i32, i32) {
    %c0_i32 = arith.constant 0 : i32
    %c0_i32_0 = arith.constant 0 : i32
    %c0_i32_1 = arith.constant 0 : i32
    return %c0_i32, %c0_i32_0 : i32, i32
  }
  func.func @transform_2(%arg0: i32) -> (i32, i32) {
    %c0_i32 = arith.constant 0 : i32
    %c0_i32_0 = arith.constant 0 : i32
    %c0_i32_1 = arith.constant 0 : i32
    return %c0_i32, %c0_i32_0 : i32, i32
  }
  func.func @transform_3(%arg0: i32) -> (i32, i32) {
    %c0_i32 = arith.constant 0 : i32
    %c0_i32_0 = arith.constant 0 : i32
    %c0_i32_1 = arith.constant 0 : i32
    return %c0_i32, %c0_i32_0 : i32, i32
  }
  func.func @transform_4(%arg0: i32) -> (i32, i32) {
    %c0_i32 = arith.constant 0 : i32
    %c0_i32_0 = arith.constant 0 : i32
    return %arg0, %c0_i32 : i32, i32
  }
  func.func @transform_5(%arg0: i32) -> (i32, i32) {
    %c0_i32 = arith.constant 0 : i32
    %c0_i32_0 = arith.constant 0 : i32
    return %arg0, %c0_i32 : i32, i32
  }
  func.func @transform_6(%arg0: i32) -> (i32, i32) {
    %c0_i32 = arith.constant 0 : i32
    %c0_i32_0 = arith.constant 0 : i32
    return %arg0, %c0_i32 : i32, i32
  }
  func.func @transform_7(%arg0: i32) -> (i32, i32) {
    %c0_i32 = arith.constant 0 : i32
    %c0_i32_0 = arith.constant 0 : i32
    %c0_i32_1 = arith.constant 0 : i32
    return %c0_i32, %c0_i32_0 : i32, i32
  }
}

module attributes {stable_mosaic.version = 14 : i64} {
  func.func @_post_body(%arg0: i32, %arg1: memref<2x1024x64xf32, #tpu.memory_space<vmem>>, %arg2: memref<1024x1xf32, #tpu.memory_space<vmem>>, %arg3: memref<1024x128xf32, #tpu.memory_space<vmem>>) attributes {dimension_semantics = [#tpu.dimension_semantics<arbitrary>], iteration_bounds = array<i64: 10>, scalar_prefetch = 0 : i64, scratch_operands = 0 : i64, tpu.core_type = #tpu.core_type<tc>, window_params = [{transform_indices = @transform_0, window_bounds = array<i64: 2, 1024, 64>}, {transform_indices = @transform_1, window_bounds = array<i64: 1024, 1>}, {transform_indices = @transform_2, window_bounds = array<i64: 1024, 128>}]} {
    %get3A = arith.constant 0 : index
    %get3A_0 = arith.constant 0 : index
    %get3A_1 = vector.load %arg2[%get3A, %get3A_0] : memref<1024x1xf32, #tpu.memory_space<vmem>>, vector<1024x1xf32>
    %gt3A = arith.constant 0.000000e+00 : f32
    %gt3A_2 = vector.broadcast %gt3A : f32 to vector<1024x1xf32>
    %gt3A_3 = arith.cmpf ogt, %get3A_1, %gt3A_2 : vector<1024x1xf32>
    %div3A = arith.constant 1.000000e+00 : f32
    %div3A_4 = vector.broadcast %div3A : f32 to vector<1024x1xf32>
    %div3A_5 = arith.divf %div3A_4, %get3A_1 : vector<1024x1xf32>
    %jit3A = arith.constant 0.000000e+00 : f32
    %broadcast_in_dim3A = vector.broadcast %jit3A : f32 to vector<1024x1xf32>
    %select_n3A = arith.select %gt3A_3, %div3A_5, %broadcast_in_dim3A : vector<1024x1xi1>, vector<1024x1xf32>
    %get3A_6 = arith.constant 0 : index
    %get3A_7 = arith.constant 0 : index
    %get3A_8 = arith.constant 0 : index
    %get3A_9 = vector.load %arg1[%get3A_6, %get3A_7, %get3A_8] : memref<2x1024x64xf32, #tpu.memory_space<vmem>>, vector<1x1024x64xf32>
    %get3A_10 = vector.shape_cast %get3A_9 : vector<1x1024x64xf32> to vector<1024x64xf32>
    %mul3A = vector.broadcast %select_n3A : vector<1024x1xf32> to vector<1024x64xf32>
    %mul3A_11 = arith.mulf %get3A_10, %mul3A : vector<1024x64xf32>
    %get3A_12 = arith.constant 1 : index
    %get3A_13 = arith.constant 0 : index
    %get3A_14 = arith.constant 0 : index
    %get3A_15 = vector.load %arg1[%get3A_12, %get3A_13, %get3A_14] : memref<2x1024x64xf32, #tpu.memory_space<vmem>>, vector<1x1024x64xf32>
    %get3A_16 = vector.shape_cast %get3A_15 : vector<1x1024x64xf32> to vector<1024x64xf32>
    %mul3A_17 = vector.broadcast %select_n3A : vector<1024x1xf32> to vector<1024x64xf32>
    %mul3A_18 = arith.mulf %get3A_16, %mul3A_17 : vector<1024x64xf32>
    %concatenate3A = tpu.concatenate %mul3A_11, %mul3A_18 in 1 : vector<1024x64xf32>, vector<1024x64xf32> -> vector<1024x128xf32>
    %swap3A = arith.constant 0 : index
    %swap3A_19 = arith.constant 0 : index
    %swap3A_20 = vector.load %arg3[%swap3A, %swap3A_19] : memref<1024x128xf32, #tpu.memory_space<vmem>>, vector<1024x128xf32>
    tpu.vector_store %arg3[%swap3A, %swap3A_19], %concatenate3A {strides = array<i32>} : memref<1024x128xf32, #tpu.memory_space<vmem>>, vector<1024x128xf32>,
    return
  }
  func.func @transform_0(%arg0: i32) -> (i32, i32, i32) {
    %c0_i32 = arith.constant 0 : i32
    %c0_i32_0 = arith.constant 0 : i32
    %c0_i32_1 = arith.constant 0 : i32
    return %c0_i32, %arg0, %c0_i32_0 : i32, i32, i32
  }
  func.func @transform_1(%arg0: i32) -> (i32, i32) {
    %c0_i32 = arith.constant 0 : i32
    %c0_i32_0 = arith.constant 0 : i32
    return %arg0, %c0_i32 : i32, i32
  }
  func.func @transform_2(%arg0: i32) -> (i32, i32) {
    %c0_i32 = arith.constant 0 : i32
    %c0_i32_0 = arith.constant 0 : i32
    return %arg0, %c0_i32 : i32, i32
  }
}

</mosaic_0001>

<sc_bundles>
// kernel: kernel.5.cloned.1.call-start
scs
__scs_entry_jumppad:
0x0: {  	(pc) =	sbr.rel $0x88, $3  }
0x1: {  	(tag) =	ssettag $0x0;
	lr =	simm.s32 $0x1  }
0x2: {  	[smem:$0x3F9C] =	sst lr;
	_ =	strace $0xD0000000  }
0x3: {  	_ = 	snop  }
0x4: {  	_ = 	snop  }
0x5: {  	_ = 	snop  }
0x6: {  	_ = 	snop  }
0x7: {  	_ = 	snop  }
__scs_overlays_trampoline_lowered:
0x8: {  	[smem:$0x3FAB] =	sst s0  }
0x9: {  	[smem:$0x3FAC] =	sst s1  }
0xa: {  	[smem:$0x3FAD] =	sst s2  }
0xb: {  	[smem:$0x3FAE] =	sst s3  }
0xc: {  	[smem:$0x3FAF] =	sst s4  }
0xd: {  	[smem:$0x3FB0] =	sst s5  }
0xe: {  	[smem:$0x3FB1] =	sst s6  }
0xf: {  	[smem:$0x3FB2] =	sst s7  }
0x10: {  	[smem:$0x3FB3] =	sst s8  }
0x11: {  	[smem:$0x3FB4] =	sst s9;
	s0 =	simm.s32 @!p0 $0x0  }
0x12: {  	s1 =	sld [smem:$0x3F9A];
	s0 =	simm.s32 @p0 $0x1  }
0x13: {  	[smem:$0x3FB5] =	sst s0;
	s0 =	simm.s32 @!p1 $0x0  }
0x14: {  	s2 =	sld [smem:$0x3F99];
	s0 =	simm.s32 @p1 $0x1  }
0x15: {  	[smem:$0x3FB6] =	sst s0;
	s0 =	simm.s32 @!p2 $0x0  }
0x16: {  	s3 =	sld [smem:$0x3FDB];
	s0 =	simm.s32 @p2 $0x1  }
0x17: {  	s4 =	simm.s32 $0x1BF5;
	[smem:$0x3FB8] =	sst s0  }
0x18: {  	s0 =	sld [smem:$0x3F9B];
	_ =	swait.ge [sflag:s4], $0x0  }
0x19: {  	s7 =	sld [smem:$0x3F9C]  }
0x1a: {  	s8 =	sadd.s32 $0xFFFFE003, lr  }
0x1b: {  	s9 =	sadd.s32 $0xFFFFFEF7, lr;
	s5 =	simm.s32 $0xFFFFFFFF;
	p2 =	slt.u32 s8, $0xFFFFF086  }
0x1c: {  	p1 =	slt.u32 s9, $0xF7A;
	s5 =	simm.s32 @!p2 $0x0  }
0x1d: {  	s5 =	simm.s32 @p1 $0x1;
	p0 =	seq.s32 s7, s2  }
0x1e: {  	s7 =	smul.u32 @!p0 $0xF7A, s2;
	p2 =	seq.s32 @!p0 s5, $0x0  }
0x1f: {  	s9 =	smul.u32 $0xF7A, s1;
	s8 =	simm.s32 @!p0 $0x1BF5;
	p2 =	por !p2, p0  }
0x20: {  	[sflag:s8] =	ssyncset.s32 @!p0 $0xFFFFF086;
	s6 =	sadd.s32 @!p0 s3, s7;
	s7 =	simm.s32 @!p0 $0x108  }
0x21: {  	s3 =	sadd.s32 s3, s9;
	s6 =	sadd.s32 @!p0 $0x88, s6;
	s7 =	simm.s32 @p2 $0x1082  }
0x22: {  	[simem:s7], [sflag:s8] =	dma.local @!p0 [hbm:s6], $0xF7A  }
0x23: {  	s9 =	sor.u32 $0xD0000000, s2;
	s6 =	simm.s32 $0x108;
	_ =	swait.ge @!p0 [sflag:s8], $0x0  }
0x24: {  	s3 =	sadd.s32 $0x88, s3;
	s6 =	simm.s32 @!p1 $0x1082;
	[sflag:s4] =	ssyncset.s32 $0xFFFFF086  }
0x25: {  	[simem:s6], [sflag:s4] =	dma.local [hbm:s3], $0xF7A  }
0x26: {  	[smem:$0x3F9C] =	sst s1;
	(tag) =	ssettag s2;
	_ =	strace s9  }
0x27: {  	s1 =	sld [smem:$0x3FAC]  }
0x28: {  	s2 =	sld [smem:$0x3FAD]  }
0x29: {  	s4 =	sld [smem:$0x3FAF]  }
0x2a: {  	p0 =	seq.s32 s5, $0x0;
	s5 =	sld [smem:$0x3FB0]  }
0x2b: {  	s6 =	sld [smem:$0x3FB1]  }
0x2c: {  	s7 =	sld [smem:$0x3FB2]  }
0x2d: {  	s3 =	simm.s32 $0x108;
	s8 =	sld [smem:$0x3FB3]  }
0x2e: {  	s3 =	simm.s32 @!p0 $0x1082;
	s9 =	sld [smem:$0x3FB4]  }
0x2f: {  	lr =	sadd.s32 s0, s3;
	s0 =	sld [smem:$0x3FAB]  }
0x30: {  	s3 =	sld [smem:$0x3FAE]  }
0x31: {  	[smem:$0x3FB7] =	sst s10  }
0x32: {  	s10 =	sld [smem:$0x3FB5];
	_ =	sdelay $0x3  }
0x33: {  	p0 =	seq.s32 s10, $0x1;
	s10 =	sld [smem:$0x3FB7];
	_ =	sdelay $0x3  }
0x34: {  	[smem:$0x3FB7] =	sst s10  }
0x35: {  	s10 =	sld [smem:$0x3FB6];
	_ =	sdelay $0x3  }
0x36: {  	p1 =	seq.s32 s10, $0x1;
	s10 =	sld [smem:$0x3FB7];
	_ =	sdelay $0x3  }
0x37: {  	[smem:$0x3FB7] =	sst s10  }
0x38: {  	s10 =	sld [smem:$0x3FB8]  }
0x39: {  	_ = 	snop;
	(pc) =	sbr.ind lr, $3  }
0x3a: {  	_ = 	snop  }
0x3b: {  	_ = 	snop  }
0x3c: {  	p2 =	seq.s32 s10, $0x1;
	s10 =	sld [smem:$0x3FB7]  }
0x3d: {  	_ =	shalt  }
0x3e: {  	_ =	shalt  }
0x3f: {  	_ =	shalt  }
0x40: {  	_ =	shalt  }
0x41: {  	_ =	shalt  }
0x42: {  	_ =	shalt  }
0x43: {  	_ =	shalt  }
0x44: {  	_ =	shalt  }
0x45: {  	_ =	shalt  }
0x46: {  	_ =	shalt  }
0x47: {  	_ =	shalt  }
0x48: {  	_ =	shalt  }
0x49: {  	_ =	shalt  }
0x4a: {  	_ =	shalt  }
0x4b: {  	_ =	shalt  }
0x4c: {  	_ =	shalt  }
0x4d: {  	_ =	shalt  }
0x4e: {  	_ =	shalt  }
0x4f: {  	_ =	shalt  }
0x50: {  	_ =	shalt  }
0x51: {  	_ =	shalt  }
0x52: {  	_ =	shalt  }
0x53: {  	_ =	shalt  }
0x54: {  	_ =	shalt  }
0x55: {  	_ =	shalt  }
0x56: {  	_ =	shalt  }
0x57: {  	_ =	shalt  }
0x58: {  	_ =	shalt  }
0x59: {  	_ =	shalt  }
0x5a: {  	_ =	shalt  }
0x5b: {  	_ =	shalt  }
0x5c: {  	_ =	shalt  }
0x5d: {  	_ =	shalt  }
0x5e: {  	_ =	shalt  }
0x5f: {  	_ =	shalt  }
0x60: {  	_ =	shalt  }
0x61: {  	_ =	shalt  }
0x62: {  	_ =	shalt  }
0x63: {  	_ =	shalt  }
0x64: {  	_ =	shalt  }
0x65: {  	_ =	shalt  }
0x66: {  	_ =	shalt  }
0x67: {  	_ =	shalt  }
0x68: {  	_ =	shalt  }
0x69: {  	_ =	shalt  }
0x6a: {  	_ =	shalt  }
0x6b: {  	_ =	shalt  }
0x6c: {  	_ =	shalt  }
0x6d: {  	_ =	shalt  }
0x6e: {  	_ =	shalt  }
0x6f: {  	_ =	shalt  }
0x70: {  	_ =	shalt  }
0x71: {  	_ =	shalt  }
0x72: {  	_ =	shalt  }
0x73: {  	_ =	shalt  }
0x74: {  	_ =	shalt  }
0x75: {  	_ =	shalt  }
0x76: {  	_ =	shalt  }
0x77: {  	_ =	shalt  }
0x78: {  	_ =	shalt  }
0x79: {  	_ =	shalt  }
0x7a: {  	_ =	shalt  }
0x7b: {  	_ =	shalt  }
0x7c: {  	_ =	shalt  }
0x7d: {  	_ =	shalt  }
0x7e: {  	_ =	shalt  }
0x7f: {  	_ =	shalt  }
0x80: {  	_ =	shalt  }
0x81: {  	_ =	shalt  }
0x82: {  	_ =	shalt  }
0x83: {  	_ =	shalt  }
0x84: {  	_ =	shalt  }
0x85: {  	_ =	shalt  }
0x86: {  	_ =	shalt  }
0x87: {  	_ =	shalt  }
.Lfunc_end0:
.L_simem_size_0:
called_computation_lowered:
.L_overlay_start_0:
0x88: {  	s2 =	sld [smem:$0x3FD9]  }
0x89: {  	s3 =	sld [smem:$0x3FFE];
	_ =	sdelay $0x1  }
0x8a: {  	s1 =	srdreg.scid  }
0x8b: {  	s0 =	sand.u32 $0x1, s1  }
0x8c: {  	s17 =	sshll.u32 s0, $0xA;
	s2 =	sadd.s32 s3, s2  }
0x8d: {  	s2 =	sadd.s32 s2, s17  }
0x8e: {  	[smem:$0x3FC3] =	sst s2  }
0x8f: {  	_ = 	snop  }
0x90: {  	s2 =	sld [smem:$0x3FD0];
	(tm) =	ssettm $0x1  }
0x91: {  	s18 =	sld [smem:$0x3FFB];
	_ =	sdelay $0x3  }
0x92: {  	_ =	strace s18  }
0x93: {  	s3 =	sld [smem:$0x3FFC];
	_ =	sdelay $0x3  }
0x94: {  	_ =	strace s3  }
0x95: {  	s3 =	sld [smem:$0x3FFD];
	_ =	sdelay $0x3  }
0x96: {  	_ =	strace s3  }
0x97: {  	_ =	strace $0x8FFFFFFF  }
0x98: {  	s19 =	sld [smem:$0x3FDB];
	_ =	sdelay $0x1  }
0x99: {  	s4 =	simm.s32 $_scs_section_size  }
0x9a: {  	s5 =	simm.s32 $_size__tile_overlayer_lowered;
	s6 =	simm.s32 $_tile_overlayer_lowered  }
0x9b: {  	s22 =	simm.s32 $0x1BFF;
	s21 =	sshll.u32 s6, $0x1;
	s3 =	sadd.s32 s4, s19  }
0x9c: {  	s7 =	simm.s32 $0x0;
	s20 =	sshll.u32 s5, $0x1;
	s5 =	sadd.s32 s21, s3  }
0x9d: {  	[timem:s7], [sflag:s22] =	dma.local [hbm:s5], s20  }
0x9e: {  	_ =	swait.ge [sflag:s22], s20  }
0x9f: {  	s4 =	ssub.s32 $0x0, s20;
	[sflag:s22] =	ssyncset.done $0x0  }
0xa0: {  	[sflag:s22] =	ssyncadd.s32 s4;
	_ =	sdelay $0x1  }
0xa1: {  	s23 =	simm.s32 $0x1B8B  }
0xa2: {  	_ =	swait.ge [sflag:s23], $0x1  }
0xa3: {  	[sflag:s23] =	ssyncset.done $0x0  }
0xa4: {  	s25 =	simm.s32 $0x1B8E;
	s24 =	sld [smem:$0x3FFE];
	[sflag:s23] =	ssyncadd.s32 $0xFFFFFFFF  }
0xa5: {  	s26 =	simm.s32 $execute0_lowered;
	[smem:$0x3FD2] =	sst s25  }
0xa6: {  	s5 =	sshll.u32 s26, $0x1;
	_ =	strace $0x80000046;
	[dreg:$0x1] =	wrdreg $0xFFFFFFFF  }
0xa7: {  	s28 =	simm.s32 $_size_execute0_lowered;
	s3 =	sadd.s32 s3, s5;
	[dreg:$0x0] =	wrdreg $0x0  }
0xa8: {  	s5 =	sshll.u32 s28, $0x1;
	[dreg:$0x2] =	wrdreg s3  }
0xa9: {  	[dreg:$0x3] =	wrdreg s5  }
0xaa: {  	[dreg:$0x4] =	wrdreg $0xC0  }
0xab: {  	_ =	task [dreg:s7], $0x5FFFF  }
0xac: {  	[dreg:$0x1] =	wrdreg $0xFFFFFFFF  }
0xad: {  	[dreg:$0x0] =	wrdreg $0x60  }
0xae: {  	[dreg:$0x2] =	wrdreg s24  }
0xaf: {  	[dreg:$0x3] =	wrdreg s2  }
0xb0: {  	[dreg:$0x4] =	wrdreg $0x130000  }
0xb1: {  	[dreg:$0x5] =	wrdreg $0x132800  }
0xb2: {  	[dreg:$0x6] =	wrdreg $0x9  }
0xb3: {  	_ =	task.clear_ibuf [dreg:s7], $0x7FFFF;
	_ =	strace $0x90000046  }
0xb4: {  	s29 =	simm.s32 $0x9;
	_ =	strace $0x80000048  }
0xb5: {  	_ =	swait.ge [sflag:s29], $0x1  }
0xb6: {  	[sflag:s29] =	ssyncadd.s32 $0xFFFFFFFF  }
0xb7: {  	_ =	strace $0x90000048  }
0xb8: {  	_ =	sfence  }
0xb9: {  	s30 =	sld [smem:$0x0];
	_ =	sdelay $0x2  }
0xba: {  	s31 =	sshll.u32 s1, $0xD;
	s1 =	sshrl.u32 s1, $0x2  }
0xbb: {  	s3 =	sand.u32 $0x4000, s31;
	s1 =	sadd.s32 s1, s30  }
0xbc: {  	s0 =	sor.u32 s3, s0;
	s1 =	sshll.u32 s1, $0x11  }
0xbd: {  	s0 =	sor.u32 s1, s0  }
0xbe: {  	s0 =	sadd.s32 $0x8F2B, s0  }
0xbf: {  	[sflag:s0] =	ssyncadd.remote.s32 $0x1  }
0xc0: {  	_ =	sfence.sel $0xFFFF  }
0xc1: {  	[dreg:$0x0] =	wrdreg $0xFFFFFFFF;
	(pc) =	sbr.abs _section_cstart, $3  }
0xc2: {  	[dreg:$0x1] =	wrdreg $0xFFFFFFFF  }
0xc3: {  	_ =	task.clear_ibuf [dreg:s7], $0x2FFFF;
	_ =	strace $0x9FFFFFFF  }
0xc4: {  	(tm) =	ssettm $0x7FFFFFFF  }
0xc5: {  	_ =	shalt  }
tec
execute0_lowered:
.L_overlay_start_1:
0x0: {  	(tag) =	ssettag $0x1  }
0x1: {  	s1 =	rddreg [dreg:$0x0]  }
0x2: {  	s0 =	rddreg [dreg:$0x1]  }
0x3: {  	s2 =	rddreg [dreg:$0x2];
	s15 =	stileid.u32  }
0x4: {  	s5 =	srdreg.scid;
	s4 =	rddreg [dreg:$0x3]  }
0x5: {  	s23 =	simm.s32 $0x0;
	s28 =	simm.s32 $0x12E00;
	s3 =	smul.u32 $0x9E0, s15  }
0x6: {  	s29 =	simm.s32 $0xED00;
	s30 =	simm.s32 $0x80;
	s8 =	smul.u32 $0x280, s15  }
0x7: {  	s31 =	simm.s32 $0x9E00;
	s14 =	sand.u32 $0x1, s5;
	s11 =	smul.u32 $0xA000, s15  }
0x8: {  	[smem:$0x7FF] =	sst s23;
	s6 =	sadd.s32 $0x28800, s1;
	s15 =	smul.u32 $0x28000, s15  }
0x9: {  	s7 =	sadd.s32 $0x28200, s1;
	s24 =	sadd.s32 $0x28000, s1;
	s9 =	smul.u32 $0x2800, s14  }
0xa: {  	s10 =	smul.u32 $0xA0000, s14;
	_ =	strace $0x80000047;
	[dreg:$0x5] =	wrdreg s24  }
0xb: {  	s25 =	ssub.s32 $0x2, s14;
	v0 =	vmov s14;
	s14 =	simm.s32 $0x4;
	s12 =	sadd.s32 s3, s1  }
0xc: {  	s13 =	sshrl.u32 s25, $0x1;
	s0 =	sadd.s32 s0, s3;
	s3 =	sshrl.u32 s15, $0x2  }
0xd: {  	s5 =	sadd.s32 $0x80, s8;
	s16 =	sadd.s32 $0x100, s8;
	s19 =	sadd.s32 $0x180, s8  }
0xe: {  	s21 =	sadd.s32 $0x200, s8;
	s9 =	sadd.s32 s8, s9;
	s10 =	sadd.s32 s11, s10  }
0xf: {  	s13 =	ssub.s32 s25, s13;
	[dreg:$0x6] =	wrdreg s0;
	s26 =	sadd.s32 $0x28E00, s12  }
0x10: {  	s11 =	sadd.s32 s8, s2;
	s12 =	sadd.s32 s3, s4;
	s15 =	sshll.u32 s5, $0x6  }
0x11: {  	s3 =	sadd.s32 s5, s2;
	s17 =	sshll.u32 s16, $0x6;
	s18 =	sadd.s32 s16, s2  }
0x12: {  	s20 =	sadd.s32 s19, s2;
	s22 =	sadd.s32 s21, s2;
	[dreg:$0x7] =	wrdreg s26  }
0x13: {  	s23 =	sshll.u32 s21, $0x6;
	s8 =	simm.s32 $0x10D00;
	[dreg:$0x8] =	wrdreg s3  }
0x14: {  	s16 =	simm.s32 $0x0;
	s9 =	sshrl.u32 s9, $0x3;
	[dreg:$0xa] =	wrdreg s18  }
0x15: {  	s10 =	sshrl.u32 s10, $0x3;
	s0 =	sadd.s32 s15, s4;
	[dreg:$0xc] =	wrdreg s20  }
0x16: {  	[dreg:$0xe] =	wrdreg s22;
	s26 =	smax.u32 s13, $0x1;
	s3 =	simm.s32 $0x12E80  }
0x17: {  	s13 =	simm.s32 $0x3;
	s15 =	simm.s32 $0x8;
	[dreg:$0x9] =	wrdreg s0  }
0x18: {  	s9 =	sadd.s32 s9, s1;
	s0 =	sadd.s32 s17, s4;
	[dreg:$0x12] =	wrdreg s26  }
0x19: {  	s10 =	sadd.s32 s10, s1;
	s26 =	simm.s32 $0x5;
	[dreg:$0xb] =	wrdreg s0  }
0x1a: {  	s0 =	sshll.u32 s19, $0x6;
	s24 =	sadd.s32 $0x5AC00, s9;
	s25 =	sadd.s32 $0x32C00, s10  }
0x1b: {  	s19 =	simm.s32 $0x4F00;
	s9 =	simm.s32 $0x1;
	[dreg:$0x10] =	wrdreg s24  }
0x1c: {  	s10 =	simm.s32 $0x2;
	s0 =	sadd.s32 s0, s4;
	[dreg:$0x11] =	wrdreg s25  }
0x1d: {  	v2 =	vimm.s32 $0x0;
	vm0 =	vcmask $0x300;
	s24 =	simm.s32 $0x9;
	[dreg:$0xd] =	wrdreg s0;
	s0 =	sadd.s32 s23, s4  }
0x1e: {  	v1 =	vimm.f32 $0.0e+00;
	v2 =	vsel vm0, $0x3, v2;
	s25 =	simm.s32 $0x7;
	[dreg:$0xf] =	wrdreg s0;
	s0 =	simm.s32 $0x6  }
.LBB2_1:
0x1f: {  	s5 =	simm.s32 $0x0;
	s17 =	rddreg [dreg:$0x6]  }
0x20: {  	[tilespmem:s5], [sflag:$0x9] =	stream.linear.gather [hbm4b:s17+s5], $0x4F00, $0x38;
	[tilespmem:$0x1D280] =	vst v63  }
0x21: {  	_ =	swait.ge [sflag:s24], $0x4F00  }
0x22: {  	[sflag:s24] =	ssyncset.done $0x0  }
0x23: {  	s22 =	rddreg [dreg:$0x7];
	[sflag:s24] =	ssyncadd.s32 $0xFFFFB100  }
0x24: {  	[tilespmem:s19], [sflag:$0x9] =	stream.linear.gather [hbm4b:s22+s5], $0x4F00, $0x38;
	[tilespmem:$0x1D280] =	vst v63  }
0x25: {  	_ =	swait.ge [sflag:s24], $0x4F00  }
0x26: {  	[sflag:s24] =	ssyncset.done $0x0  }
0x27: {  	s18 =	simm.s32 $0x12D00;
	s23 =	rddreg [dreg:$0x5];
	[sflag:s24] =	ssyncadd.s32 $0xFFFFB100  }
0x28: {  	[tilespmem:s18], [sflag:$0x9] =	stream.linear.gather [hbm4b:s23+s5], $0x100, $0x38;
	[tilespmem:$0x1D280] =	vst v63  }
0x29: {  	_ =	swait.ge [sflag:s24], $0x100  }
0x2a: {  	[sflag:s24] =	ssyncset.done $0x0  }
0x2b: {  	[sflag:s24] =	ssyncadd.s32 $0xFFFFFF00  }
0x2c: {  	[tilespmem:$0x12E00] =	vst v1  }
0x2d: {  	[tilespmem:$0x12E10] =	vst v1  }
0x2e: {  	[tilespmem:$0x12E20] =	vst v1  }
0x2f: {  	[tilespmem:$0x12E30] =	vst v1  }
0x30: {  	[tilespmem:$0x12E40] =	vst v1  }
0x31: {  	[tilespmem:$0x12E50] =	vst v1  }
0x32: {  	[tilespmem:$0x12E60] =	vst v1  }
0x33: {  	s17 =	simm.s32 $0xED20;
	[tilespmem:$0x12E70] =	vst v1  }
0x34: {  	[tilespmem:s17+$0xFFFFFFE0] =	vst v1  }
0x35: {  	[tilespmem:s17+$0x10] =	vst v1  }
0x36: {  	s18 =	simm.s32 $0x0;
	[tilespmem:s17+$0x0] =	vst v1  }
.LBB2_2:
0x37: {  	s18 =	sadd.s32 $0x4, s18  }
0x38: {  	[tilespmem:s17+$0xFFFFFFF0] =	vst v1;
	s17 =	sadd.s32 $0x40, s17;
	p0 =	slt.u32 s18, $0x1FC  }
.Ltmp0:
0x39: {  	[tilespmem:s17+$0xFFFFFFE0] =	vst v1;
	(pc) =	sbr.rel @p0 .LBB2_2-.Ltmp0, $3  }
0x3a: {  	_ =	sdelay $0x1  }
0x3b: {  	[tilespmem:s17+$0x10] =	vst v1  }
0x3c: {  	[tilespmem:s17+$0x0] =	vst v1  }
0x3d: {  	[tilespmem:s17+$0xFFFFFFF0] =	vst v1  }
0x3e: {  	[spmem:s11] =	stream.linear.scatter [tilespmem:s28], [sflag:$0x9], $0x80, $0x38;
	[tilespmem:$0x1D280] =	vst v63  }
0x3f: {  	_ =	swait.ge [sflag:s24], $0x80  }
0x40: {  	[sflag:s24] =	ssyncset.done $0x0  }
0x41: {  	[sflag:s24] =	ssyncadd.s32 $0xFFFFFF80  }
0x42: {  	[spmem:s12] =	stream.linear.scatter [tilespmem:s29], [sflag:$0x9], $0x2000, $0x38;
	[tilespmem:$0x1D280] =	vst v63  }
0x43: {  	_ =	swait.ge [sflag:s24], $0x2000  }
0x44: {  	[sflag:s24] =	ssyncset.done $0x0  }
0x45: {  	s5 =	rddreg [dreg:$0x8];
	[sflag:s24] =	ssyncadd.s32 $0xFFFFE000  }
0x46: {  	[spmem:s5] =	stream.linear.scatter [tilespmem:s28], [sflag:$0x9], $0x80, $0x38;
	[tilespmem:$0x1D280] =	vst v63  }
0x47: {  	_ =	swait.ge [sflag:s24], $0x80  }
0x48: {  	[sflag:s24] =	ssyncset.done $0x0  }
0x49: {  	s20 =	rddreg [dreg:$0x9];
	[sflag:s24] =	ssyncadd.s32 $0xFFFFFF80  }
0x4a: {  	[spmem:s20] =	stream.linear.scatter [tilespmem:s29], [sflag:$0x9], $0x2000, $0x38;
	[tilespmem:$0x1D280] =	vst v63  }
0x4b: {  	_ =	swait.ge [sflag:s24], $0x2000  }
0x4c: {  	[sflag:s24] =	ssyncset.done $0x0  }
0x4d: {  	s21 =	rddreg [dreg:$0xa];
	[sflag:s24] =	ssyncadd.s32 $0xFFFFE000  }
0x4e: {  	[spmem:s21] =	stream.linear.scatter [tilespmem:s28], [sflag:$0x9], $0x80, $0x38;
	[tilespmem:$0x1D280] =	vst v63  }
0x4f: {  	_ =	swait.ge [sflag:s24], $0x80  }
0x50: {  	[sflag:s24] =	ssyncset.done $0x0  }
0x51: {  	s22 =	rddreg [dreg:$0xb];
	[sflag:s24] =	ssyncadd.s32 $0xFFFFFF80  }
0x52: {  	[spmem:s22] =	stream.linear.scatter [tilespmem:s29], [sflag:$0x9], $0x2000, $0x38;
	[tilespmem:$0x1D280] =	vst v63  }
0x53: {  	_ =	swait.ge [sflag:s24], $0x2000  }
0x54: {  	[sflag:s24] =	ssyncset.done $0x0  }
0x55: {  	s23 =	rddreg [dreg:$0xc];
	[sflag:s24] =	ssyncadd.s32 $0xFFFFE000  }
0x56: {  	[spmem:s23] =	stream.linear.scatter [tilespmem:s28], [sflag:$0x9], $0x80, $0x38;
	[tilespmem:$0x1D280] =	vst v63  }
0x57: {  	_ =	swait.ge [sflag:s24], $0x80  }
0x58: {  	[sflag:s24] =	ssyncset.done $0x0  }
0x59: {  	s17 =	rddreg [dreg:$0xd];
	[sflag:s24] =	ssyncadd.s32 $0xFFFFFF80  }
0x5a: {  	[spmem:s17] =	stream.linear.scatter [tilespmem:s29], [sflag:$0x9], $0x2000, $0x38;
	[tilespmem:$0x1D280] =	vst v63  }
0x5b: {  	_ =	swait.ge [sflag:s24], $0x2000  }
0x5c: {  	[sflag:s24] =	ssyncset.done $0x0  }
0x5d: {  	s18 =	rddreg [dreg:$0xe];
	[sflag:s24] =	ssyncadd.s32 $0xFFFFE000  }
0x5e: {  	[spmem:s18] =	stream.linear.scatter [tilespmem:s28], [sflag:$0x9], $0x80, $0x38;
	[tilespmem:$0x1D280] =	vst v63  }
0x5f: {  	_ =	swait.ge [sflag:s24], $0x80  }
0x60: {  	[sflag:s24] =	ssyncset.done $0x0  }
0x61: {  	s20 =	rddreg [dreg:$0xf];
	[sflag:s24] =	ssyncadd.s32 $0xFFFFFF80  }
0x62: {  	[spmem:s20] =	stream.linear.scatter [tilespmem:s29], [sflag:$0x9], $0x2000, $0x38;
	[tilespmem:$0x1D280] =	vst v63  }
0x63: {  	_ =	swait.ge [sflag:s24], $0x2000  }
0x64: {  	[sflag:s24] =	ssyncset.done $0x0  }
0x65: {  	[sflag:s24] =	ssyncadd.s32 $0xFFFFE000  }
0x66: {  	[bflag:$0x0] =	sbarrier.arrive $0xFFFF  }
0x67: {  	v3 =	vld [tilespmem:$0x12D00]  }
0x68: {  	v4 =	vld [tilespmem:$0x12D10]  }
0x69: {  	v5 =	vld [tilespmem:$0x12D20]  }
0x6a: {  	v6 =	vld [tilespmem:$0x12D30]  }
0x6b: {  	v7 =	vld [tilespmem:$0x12D40]  }
0x6c: {  	v8 =	vld [tilespmem:$0x12D50]  }
0x6d: {  	v9 =	vld [tilespmem:$0x12D60]  }
0x6e: {  	v10 =	vld [tilespmem:$0x12D70]  }
0x6f: {  	v11 =	vld [tilespmem:$0x12D80]  }
0x70: {  	v12 =	vld [tilespmem:$0x12D90]  }
0x71: {  	v13 =	vld [tilespmem:$0x12DA0]  }
0x72: {  	v14 =	vld [tilespmem:$0x12DB0]  }
0x73: {  	v3 =	vmax.f32 v3, v4;
	v4 =	vld [tilespmem:$0x12DC0]  }
0x74: {  	v3 =	vmax.f32 v3, v5;
	v5 =	vld [tilespmem:$0x12DD0]  }
0x75: {  	v62 =	vld [tilespmem:$0x12DE0];
	v11 =	vmax.f32 v11, v12  }
0x76: {  	v63 =	vld [tilespmem:$0x12DF0];
	v11 =	vmax.f32 v11, v13;
	v3 =	vmax.f32 v3, v6  }
0x77: {  	v11 =	vmax.f32 v11, v14;
	v3 =	vmax.f32 v3, v7  }
0x78: {  	v3 =	vmax.f32 v3, v8;
	v4 =	vmax.f32 v11, v4  }
0x79: {  	v3 =	vmax.f32 v3, v9;
	v4 =	vmax.f32 v4, v5  }
0x7a: {  	v3 =	vmax.f32 v3, v10;
	v4 =	vmax.f32 v4, v62  }
0x7b: {  	(xrf0) =	vmax.scan.msk.f32 $0xffff, v3;
	v3 =	vmax.f32 v4, v63  }
0x7c: {  	(xrf0) =	vmax.scan.msk.f32 $0xffff, v3;
	_ =	sdelay $0x4  }
0x7d: {  	v3, _, _ =	vpop (xrf0)  }
0x7e: {  	(v2sf) =	vpush v3, $0xF;
	v3, _, _ =	vpop (xrf0)  }
0x7f: {  	(v2sf) =	vpush v3, $0xF;
	_ =	sdelay $0x9  }
0x80: {  	s17 =	simm.s32 $0x0  }
0x81: {  	[tilespmem:s31], [sflag:$0x5] =	stream.indirect.gather [hbm4b:s6+s30], $0x1, s17, s30, $0xb8;
	[tilespmem:$0x1D280] =	vst v63  }
0x82: {  	_ = 	snop  }
0x83: {  	[tilespmem:s28], [sflag:$0x6] =	stream.indirect.gather [hbm4b:s7+s30], $0x1, s19, s30, $0xb8;
	[tilespmem:$0x1D280] =	vst v63  }
0x84: {  	s18 =	spop (v2sf)  }
0x85: {  	s21 =	spop (v2sf)  }
0x86: {  	s22 =	simm.s32 $0x9E80;
	s18 =	sadd.f32 s21, s18  }
0x87: {  	[tilespmem:s22], [sflag:$0x5] =	stream.indirect.gather [hbm4b:s6+s30], $0x1, s30, s30, $0xb8;
	[tilespmem:$0x1D280] =	vst v63  }
0x88: {  	s23 =	simm.s32 $0x4F80;
	s18 =	smax.f32 s18, $0.0e+00  }
0x89: {  	[tilespmem:s3], [sflag:$0x7] =	stream.indirect.gather [hbm4b:s7+s30], $0x1, s23, s30, $0xb8;
	v3 =	vmov s18;
	[tilespmem:$0x1D280] =	vst v63  }
.LBB2_4:
0x8a: {  	_ =	swait.ge [sflag:s26], $0x80  }
0x8b: {  	[sflag:s26] =	ssyncset.done $0x0  }
0x8c: {  	[sflag:s26] =	ssyncadd.s32 $0xFFFFFF80  }
0x8d: {  	_ =	swait.ge [sflag:s0], $0x80  }
0x8e: {  	[sflag:s0] =	ssyncset.done $0x0  }
0x8f: {  	s18 =	sshra.s32 s17, $0x2;
	[sflag:s0] =	ssyncadd.s32 $0xFFFFFF80  }
0x90: {  	v4 =	vld [tilespmem:s18+$0x9E00]  }
0x91: {  	v5 =	vld [tilespmem:$0x12E00];
	_ =	sdelay $0x4  }
0x92: {  	v4 =	vadd.f32 v5, v4;
	_ =	sdelay $0x1  }
0x93: {  	v5 =	vmul.f32 $2.000000030e-01, v4  }
0x94: {  	vm0 =	vgt.f32 v4, $0.0e+00  }
0x95: {  	v4 =	vsel vm0, v4, v5  }
0x96: {  	v4 =	vsub.f32 v4, v3;
	_ =	sdelay $0x1  }
0x97: {  	v4 =	vmul.f32 $1.442695020e+00, v4;
	_ =	sdelay $0x1  }
0x98: {  	(erf) = vpow2.f32 v4;
	_ =	sdelay $0x8  }
0x99: {  	v4 =	vpop (erf)  }
0x9a: {  	[tilespmem:s18+$0x9E00] =	vst v4;
	v4 =	vld [tilespmem:s18+$0x9E10]  }
0x9b: {  	v5 =	vld [tilespmem:$0x12E10];
	_ =	sdelay $0x4  }
0x9c: {  	v4 =	vadd.f32 v5, v4;
	_ =	sdelay $0x1  }
0x9d: {  	v5 =	vmul.f32 $2.000000030e-01, v4  }
0x9e: {  	vm13 =	vgt.f32 v4, $0.0e+00  }
0x9f: {  	v4 =	vsel vm13, v4, v5  }
0xa0: {  	v4 =	vsub.f32 v4, v3;
	_ =	sdelay $0x1  }
0xa1: {  	v4 =	vmul.f32 $1.442695020e+00, v4;
	_ =	sdelay $0x1  }
0xa2: {  	(erf) = vpow2.f32 v4;
	_ =	sdelay $0x8  }
0xa3: {  	v4 =	vpop (erf)  }
0xa4: {  	[tilespmem:s18+$0x9E10] =	vst v4;
	v4 =	vld [tilespmem:s18+$0x9E20]  }
0xa5: {  	v5 =	vld [tilespmem:$0x12E20];
	_ =	sdelay $0x4  }
0xa6: {  	v4 =	vadd.f32 v5, v4;
	_ =	sdelay $0x1  }
0xa7: {  	v5 =	vmul.f32 $2.000000030e-01, v4  }
0xa8: {  	vm14 =	vgt.f32 v4, $0.0e+00  }
0xa9: {  	v4 =	vsel vm14, v4, v5  }
0xaa: {  	v4 =	vsub.f32 v4, v3;
	_ =	sdelay $0x1  }
0xab: {  	v4 =	vmul.f32 $1.442695020e+00, v4;
	_ =	sdelay $0x1  }
0xac: {  	(erf) = vpow2.f32 v4;
	_ =	sdelay $0x8  }
0xad: {  	v4 =	vpop (erf)  }
0xae: {  	[tilespmem:s18+$0x9E20] =	vst v4;
	v4 =	vld [tilespmem:s18+$0x9E30]  }
0xaf: {  	v5 =	vld [tilespmem:$0x12E30];
	_ =	sdelay $0x4  }
0xb0: {  	v4 =	vadd.f32 v5, v4;
	_ =	sdelay $0x1  }
0xb1: {  	v5 =	vmul.f32 $2.000000030e-01, v4  }
0xb2: {  	vm15 =	vgt.f32 v4, $0.0e+00  }
0xb3: {  	v4 =	vsel vm15, v4, v5  }
0xb4: {  	v4 =	vsub.f32 v4, v3;
	_ =	sdelay $0x1  }
0xb5: {  	v4 =	vmul.f32 $1.442695020e+00, v4;
	_ =	sdelay $0x1  }
0xb6: {  	(erf) = vpow2.f32 v4;
	_ =	sdelay $0x8  }
0xb7: {  	v4 =	vpop (erf)  }
0xb8: {  	[tilespmem:s18+$0x9E30] =	vst v4;
	v4 =	vld [tilespmem:s18+$0x9E40]  }
0xb9: {  	v5 =	vld [tilespmem:$0x12E40];
	_ =	sdelay $0x4  }
0xba: {  	v4 =	vadd.f32 v5, v4;
	_ =	sdelay $0x1  }
0xbb: {  	v5 =	vmul.f32 $2.000000030e-01, v4  }
0xbc: {  	vm4 =	vgt.f32 v4, $0.0e+00  }
0xbd: {  	v4 =	vsel vm4, v4, v5  }
0xbe: {  	v4 =	vsub.f32 v4, v3;
	_ =	sdelay $0x1  }
0xbf: {  	v4 =	vmul.f32 $1.442695020e+00, v4;
	_ =	sdelay $0x1  }
0xc0: {  	(erf) = vpow2.f32 v4;
	_ =	sdelay $0x8  }
0xc1: {  	v4 =	vpop (erf)  }
0xc2: {  	[tilespmem:s18+$0x9E40] =	vst v4;
	v4 =	vld [tilespmem:s18+$0x9E50]  }
0xc3: {  	v5 =	vld [tilespmem:$0x12E50];
	_ =	sdelay $0x4  }
0xc4: {  	v4 =	vadd.f32 v5, v4;
	_ =	sdelay $0x1  }
0xc5: {  	v5 =	vmul.f32 $2.000000030e-01, v4  }
0xc6: {  	vm5 =	vgt.f32 v4, $0.0e+00  }
0xc7: {  	v4 =	vsel vm5, v4, v5  }
0xc8: {  	v4 =	vsub.f32 v4, v3;
	_ =	sdelay $0x1  }
0xc9: {  	v4 =	vmul.f32 $1.442695020e+00, v4;
	_ =	sdelay $0x1  }
0xca: {  	(erf) = vpow2.f32 v4;
	_ =	sdelay $0x8  }
0xcb: {  	v4 =	vpop (erf)  }
0xcc: {  	[tilespmem:s18+$0x9E50] =	vst v4;
	v4 =	vld [tilespmem:s18+$0x9E60]  }
0xcd: {  	v5 =	vld [tilespmem:$0x12E60];
	_ =	sdelay $0x4  }
0xce: {  	v4 =	vadd.f32 v5, v4;
	_ =	sdelay $0x1  }
0xcf: {  	v5 =	vmul.f32 $2.000000030e-01, v4  }
0xd0: {  	vm6 =	vgt.f32 v4, $0.0e+00  }
0xd1: {  	v4 =	vsel vm6, v4, v5  }
0xd2: {  	v4 =	vsub.f32 v4, v3;
	_ =	sdelay $0x1  }
0xd3: {  	v4 =	vmul.f32 $1.442695020e+00, v4;
	_ =	sdelay $0x1  }
0xd4: {  	(erf) = vpow2.f32 v4;
	_ =	sdelay $0x8  }
0xd5: {  	v4 =	vpop (erf)  }
0xd6: {  	[tilespmem:s18+$0x9E60] =	vst v4;
	v4 =	vld [tilespmem:s18+$0x9E70]  }
0xd7: {  	v5 =	vld [tilespmem:$0x12E70];
	_ =	sdelay $0x4  }
0xd8: {  	v4 =	vadd.f32 v5, v4;
	_ =	sdelay $0x1  }
0xd9: {  	v5 =	vmul.f32 $2.000000030e-01, v4  }
0xda: {  	vm7 =	vgt.f32 v4, $0.0e+00  }
0xdb: {  	v4 =	vsel vm7, v4, v5  }
0xdc: {  	v4 =	vsub.f32 v4, v3;
	_ =	sdelay $0x1  }
0xdd: {  	v4 =	vmul.f32 $1.442695020e+00, v4;
	_ =	sdelay $0x1  }
0xde: {  	(erf) = vpow2.f32 v4;
	_ =	sdelay $0x8  }
0xdf: {  	v4 =	vpop (erf)  }
0xe0: {  	p0 =	seq.s32 s17, $0x13800;
	s19 =	sadd.s32 $0x9E00, s18;
	s20 =	sadd.s32 $0x4F00, s18;
	[tilespmem:s18+$0x9E70] =	vst v4  }
0xe1: {  	[spmem:s2] =	stream.indirect.scatter.add.f32 [tilespmem:s19], [sflag:$0x8], $0x1, s20, s30, $0xb8;
	[tilespmem:$0x1D280] =	vst v63  }
0xe2: {  	s19 =	sshra.s32 @!p0 s17, $0x2  }
0xe3: {  	s22 =	simm.s32 @!p0 $0x80;
	s20 =	sadd.s32 @!p0 $0x9F00, s19;
	s21 =	sadd.s32 @!p0 $0x100, s19  }
0xe4: {  	[tilespmem:s20], [sflag:$0x5] =	stream.indirect.gather @!p0 [hbm4b:s6+s22], $0x1, s21, s22, $0xb8;
	[tilespmem:$0x1D280] =	vst v63  }
0xe5: {  	s19 =	sadd.s32 @!p0 $0x5000, s19;
	s20 =	simm.s32 @!p0 $0x12E00  }
0xe6: {  	[tilespmem:s20], [sflag:$0x6] =	stream.indirect.gather @!p0 [hbm4b:s7+s22], $0x1, s19, s22, $0xb8;
	[tilespmem:$0x1D280] =	vst v63  }
0xe7: {  	_ =	swait.ge [sflag:s26], $0x80  }
0xe8: {  	[sflag:s26] =	ssyncset.done $0x0  }
0xe9: {  	[sflag:s26] =	ssyncadd.s32 $0xFFFFFF80  }
0xea: {  	_ =	swait.ge [sflag:s25], $0x80  }
0xeb: {  	[sflag:s25] =	ssyncset.done $0x0  }
0xec: {  	[sflag:s25] =	ssyncadd.s32 $0xFFFFFF80  }
0xed: {  	v4 =	vld [tilespmem:s18+$0x9E80]  }
0xee: {  	v5 =	vld [tilespmem:$0x12E80];
	_ =	sdelay $0x4  }
0xef: {  	v4 =	vadd.f32 v5, v4;
	_ =	sdelay $0x1  }
0xf0: {  	v5 =	vmul.f32 $2.000000030e-01, v4  }
0xf1: {  	vm8 =	vgt.f32 v4, $0.0e+00  }
0xf2: {  	v4 =	vsel vm8, v4, v5  }
0xf3: {  	v4 =	vsub.f32 v4, v3;
	_ =	sdelay $0x1  }
0xf4: {  	v4 =	vmul.f32 $1.442695020e+00, v4;
	_ =	sdelay $0x1  }
0xf5: {  	(erf) = vpow2.f32 v4;
	_ =	sdelay $0x8  }
0xf6: {  	v4 =	vpop (erf)  }
0xf7: {  	[tilespmem:s18+$0x9E80] =	vst v4;
	v4 =	vld [tilespmem:s18+$0x9E90]  }
0xf8: {  	v5 =	vld [tilespmem:$0x12E90];
	_ =	sdelay $0x4  }
0xf9: {  	v4 =	vadd.f32 v5, v4;
	_ =	sdelay $0x1  }
0xfa: {  	v5 =	vmul.f32 $2.000000030e-01, v4  }
0xfb: {  	vm9 =	vgt.f32 v4, $0.0e+00  }
0xfc: {  	v4 =	vsel vm9, v4, v5  }
0xfd: {  	v4 =	vsub.f32 v4, v3;
	_ =	sdelay $0x1  }
0xfe: {  	v4 =	vmul.f32 $1.442695020e+00, v4;
	_ =	sdelay $0x1  }
0xff: {  	(erf) = vpow2.f32 v4;
	_ =	sdelay $0x8  }
0x100: {  	v4 =	vpop (erf)  }
0x101: {  	[tilespmem:s18+$0x9E90] =	vst v4;
	v4 =	vld [tilespmem:s18+$0x9EA0]  }
0x102: {  	v5 =	vld [tilespmem:$0x12EA0];
	_ =	sdelay $0x4  }
0x103: {  	v4 =	vadd.f32 v5, v4;
	_ =	sdelay $0x1  }
0x104: {  	v5 =	vmul.f32 $2.000000030e-01, v4  }
0x105: {  	vm10 =	vgt.f32 v4, $0.0e+00  }
0x106: {  	v4 =	vsel vm10, v4, v5  }
0x107: {  	v4 =	vsub.f32 v4, v3;
	_ =	sdelay $0x1  }
0x108: {  	v4 =	vmul.f32 $1.442695020e+00, v4;
	_ =	sdelay $0x1  }
0x109: {  	(erf) = vpow2.f32 v4;
	_ =	sdelay $0x8  }
0x10a: {  	v4 =	vpop (erf)  }
0x10b: {  	[tilespmem:s18+$0x9EA0] =	vst v4;
	v4 =	vld [tilespmem:s18+$0x9EB0]  }
0x10c: {  	v5 =	vld [tilespmem:$0x12EB0];
	_ =	sdelay $0x4  }
0x10d: {  	v4 =	vadd.f32 v5, v4;
	_ =	sdelay $0x1  }
0x10e: {  	v5 =	vmul.f32 $2.000000030e-01, v4  }
0x10f: {  	vm11 =	vgt.f32 v4, $0.0e+00  }
0x110: {  	v4 =	vsel vm11, v4, v5  }
0x111: {  	v4 =	vsub.f32 v4, v3;
	_ =	sdelay $0x1  }
0x112: {  	v4 =	vmul.f32 $1.442695020e+00, v4;
	_ =	sdelay $0x1  }
0x113: {  	(erf) = vpow2.f32 v4;
	_ =	sdelay $0x8  }
0x114: {  	v4 =	vpop (erf)  }
0x115: {  	[tilespmem:s18+$0x9EB0] =	vst v4;
	v4 =	vld [tilespmem:s18+$0x9EC0]  }
0x116: {  	v5 =	vld [tilespmem:$0x12EC0];
	_ =	sdelay $0x4  }
0x117: {  	v4 =	vadd.f32 v5, v4;
	_ =	sdelay $0x1  }
0x118: {  	v5 =	vmul.f32 $2.000000030e-01, v4  }
0x119: {  	vm12 =	vgt.f32 v4, $0.0e+00  }
0x11a: {  	v4 =	vsel vm12, v4, v5  }
0x11b: {  	v4 =	vsub.f32 v4, v3;
	_ =	sdelay $0x1  }
0x11c: {  	v4 =	vmul.f32 $1.442695020e+00, v4;
	_ =	sdelay $0x1  }
0x11d: {  	(erf) = vpow2.f32 v4;
	_ =	sdelay $0x8  }
0x11e: {  	v4 =	vpop (erf)  }
0x11f: {  	[tilespmem:s18+$0x9EC0] =	vst v4;
	v4 =	vld [tilespmem:s18+$0x9ED0]  }
0x120: {  	v5 =	vld [tilespmem:$0x12ED0];
	_ =	sdelay $0x4  }
0x121: {  	v4 =	vadd.f32 v5, v4;
	_ =	sdelay $0x1  }
0x122: {  	v5 =	vmul.f32 $2.000000030e-01, v4  }
0x123: {  	vm13 =	vgt.f32 v4, $0.0e+00  }
0x124: {  	v4 =	vsel vm13, v4, v5  }
0x125: {  	v4 =	vsub.f32 v4, v3;
	_ =	sdelay $0x1  }
0x126: {  	v4 =	vmul.f32 $1.442695020e+00, v4;
	_ =	sdelay $0x1  }
0x127: {  	(erf) = vpow2.f32 v4;
	_ =	sdelay $0x8  }
0x128: {  	v4 =	vpop (erf)  }
0x129: {  	[tilespmem:s18+$0x9ED0] =	vst v4;
	v4 =	vld [tilespmem:s18+$0x9EE0]  }
0x12a: {  	v5 =	vld [tilespmem:$0x12EE0];
	_ =	sdelay $0x4  }
0x12b: {  	v4 =	vadd.f32 v5, v4;
	_ =	sdelay $0x1  }
0x12c: {  	v5 =	vmul.f32 $2.000000030e-01, v4  }
0x12d: {  	vm14 =	vgt.f32 v4, $0.0e+00  }
0x12e: {  	v4 =	vsel vm14, v4, v5  }
0x12f: {  	v4 =	vsub.f32 v4, v3;
	_ =	sdelay $0x1  }
0x130: {  	v4 =	vmul.f32 $1.442695020e+00, v4;
	_ =	sdelay $0x1  }
0x131: {  	(erf) = vpow2.f32 v4;
	_ =	sdelay $0x8  }
0x132: {  	v4 =	vpop (erf)  }
0x133: {  	[tilespmem:s18+$0x9EE0] =	vst v4;
	v4 =	vld [tilespmem:s18+$0x9EF0]  }
0x134: {  	v5 =	vld [tilespmem:$0x12EF0];
	_ =	sdelay $0x4  }
0x135: {  	v4 =	vadd.f32 v5, v4;
	_ =	sdelay $0x1  }
0x136: {  	v5 =	vmul.f32 $2.000000030e-01, v4  }
0x137: {  	vm15 =	vgt.f32 v4, $0.0e+00  }
0x138: {  	v4 =	vsel vm15, v4, v5  }
0x139: {  	v4 =	vsub.f32 v4, v3;
	_ =	sdelay $0x1  }
0x13a: {  	v4 =	vmul.f32 $1.442695020e+00, v4;
	_ =	sdelay $0x1  }
0x13b: {  	(erf) = vpow2.f32 v4;
	_ =	sdelay $0x6  }
.Ltmp1:
0x13c: {  	_ = 	snop;
	(pc) =	sbr.rel @p0 .LBB2_6-.Ltmp1, $4  }
0x13d: {  	_ = 	snop  }
0x13e: {  	v4 =	vpop (erf)  }
0x13f: {  	s23 =	sadd.s32 $0x4F80, s18;
	s22 =	sadd.s32 $0x9E80, s18;
	[tilespmem:s18+$0x9EF0] =	vst v4  }
0x140: {  	[spmem:s2] =	stream.indirect.scatter.add.f32 [tilespmem:s22], [sflag:$0x8], $0x1, s23, s30, $0xb8;
	[tilespmem:$0x1D280] =	vst v63  }
.Ltmp2:
0x141: {  	(pc) =	sbr.rel .LBB2_4-.Ltmp2, $4  }
0x142: {  	s19 =	sadd.s32 $0x9F80, s18;
	s20 =	sadd.s32 $0x180, s18  }
0x143: {  	[tilespmem:s19], [sflag:$0x5] =	stream.indirect.gather [hbm4b:s6+s30], $0x1, s20, s30, $0xb8;
	[tilespmem:$0x1D280] =	vst v63  }
0x144: {  	s23 =	sadd.s32 $0x5080, s18;
	s17 =	sadd.s32 $0x400, s17  }
0x145: {  	[tilespmem:s3], [sflag:$0x7] =	stream.indirect.gather [hbm4b:s7+s30], $0x1, s23, s30, $0xb8;
	[tilespmem:$0x1D280] =	vst v63  }
.LBB2_6:
0x146: {  	s17 =	simm.s32 $0x0  }
0x147: {  	s18 =	sand.u32 $0x7FC0, s17  }
0x148: {  	v3 =	vld [tilespmem:s18+$0x30]  }
0x149: {  	v6 =	vld [tilespmem:s18+$0x20];
	_ =	sdelay $0x1  }
0x14a: {  	v5 =	vld [tilespmem:s18+$0x10]  }
0x14b: {  	s23 =	simm.s32 $0x40;
	v4 =	vld [tilespmem:s18+$0x0]  }
0x14c: {  	s17 =	sand.u32 $0x7FC0, s23;
	v7 =	vshll.u32 v3, $0x1  }
0x14d: {  	s19 =	simm.s32 $0x4;
	s20 =	simm.s32 $0x100;
	v3 =	vld [tilespmem:s17+$0x30];
	v6 =	vshll.u32 v6, $0x1;
	v7 =	vor.u32 v0, v7  }
.LBB2_7:
0x14e: {  	s19 =	sadd.s32 $0x4, s19  }
0x14f: {  	v8 =	vld [tilespmem:s17+$0x20];
	v9 =	vshll.u32 v5, $0x1;
	v6 =	vor.u32 v0, v6;
	[tilespmem:s18+$0x30] =	vst v7;
	p0 =	slt.u32 s19, $0x4EC  }
.Ltmp3:
0x150: {  	v5 =	vld [tilespmem:s17+$0x10];
	v7 =	vshll.u32 v4, $0x1;
	v9 =	vor.u32 v0, v9;
	[tilespmem:s18+$0x20] =	vst v6;
	(pc) =	sbr.rel @p0 .LBB2_7-.Ltmp3, $4  }
0x151: {  	s20 =	sadd.s32 $0x100, s20;
	v4 =	vld [tilespmem:s17+$0x0];
	v6 =	vor.u32 v0, v7;
	[tilespmem:s18+$0x10] =	vst v9  }
0x152: {  	s21 =	sshrl.u32 s20, $0x2;
	[tilespmem:s18+$0x0] =	vst v6;
	s18 =	smov.u32 s17  }
0x153: {  	s17 =	sand.u32 $0x7FC0, s21;
	v7 =	vshll.u32 v3, $0x1  }
0x154: {  	v3 =	vld [tilespmem:s17+$0x30];
	v6 =	vshll.u32 v8, $0x1;
	v7 =	vor.u32 v0, v7  }
0x155: {  	v8 =	vld [tilespmem:s17+$0x20]  }
0x156: {  	v9 =	vld [tilespmem:s17+$0x10]  }
0x157: {  	v5 =	vshll.u32 v5, $0x1;
	v6 =	vor.u32 v0, v6;
	[tilespmem:s18+$0x30] =	vst v7;
	v61 =	vld [tilespmem:s17+$0x0]  }
0x158: {  	[tilespmem:s18+$0x20] =	vst v6;
	v4 =	vshll.u32 v4, $0x1;
	v5 =	vor.u32 v0, v5  }
0x159: {  	v4 =	vor.u32 v0, v4;
	[tilespmem:s18+$0x10] =	vst v5;
	v3 =	vshll.u32 v3, $0x1  }
0x15a: {  	[tilespmem:s18+$0x0] =	vst v4;
	v62 =	vshll.u32 v8, $0x1;
	v3 =	vor.u32 v0, v3  }
0x15b: {  	v63 =	vshll.u32 v9, $0x1;
	v4 =	vor.u32 v0, v62;
	[tilespmem:s17+$0x30] =	vst v3  }
0x15c: {  	v3 =	vshll.u32 v61, $0x1;
	v5 =	vor.u32 v0, v63;
	[tilespmem:s17+$0x20] =	vst v4  }
0x15d: {  	v3 =	vor.u32 v0, v3;
	[tilespmem:s17+$0x10] =	vst v5  }
0x15e: {  	[tilespmem:s17+$0x0] =	vst v3;
	s17 =	simm.s32 $0x0  }
0x15f: {  	[tilespmem:s29], [sflag:$0x1] =	stream.indirect.gather [hbm4b:s1+s30], $0x40, s17, s30, $0xb8;
	[tilespmem:$0x1D280] =	vst v63  }
0x160: {  	s18 =	simm.s32 $0x0  }
0x161: {  	[tilespmem:s8], [sflag:$0x2] =	stream.indirect.gather [hbm4b:s1+s30], $0x40, s30, s30, $0xb8;
	[tilespmem:$0x1D280] =	vst v63  }
.LBB2_9:
0x162: {  	s19 =	sshll.u32 s18, $0x8;
	v11 =	vmov s17;
	s5 =	simm.s32 $0x1  }
0x163: {  	s20 =	simm.s32 $0x2;
	s21 =	simm.s32 $0x3;
	s22 =	simm.s32 $0x4;
	v6 =	vmov s19;
	v11 =	vshrl.u32 v11, $0x3;
	v12 =	vmov s5  }
0x164: {  	s23 =	simm.s32 $0x5;
	v13 =	vmov s20;
	v14 =	vmov s21;
	v15 =	vmov s22  }
0x165: {  	v16 =	vmov s23;
	v8 =	vor.u32 $0x1, v6;
	v9 =	vor.u32 $0x2, v6  }
0x166: {  	s5 =	simm.s32 $0x6;
	v10 =	vor.u32 $0x3, v6;
	v7 =	vor.u32 $0x4, v6;
	v5 =	vor.u32 $0x5, v6  }
0x167: {  	s22 =	simm.s32 $0x7;
	s23 =	simm.s32 $0x8;
	s21 =	simm.s32 $0xD;
	v4 =	vor.u32 $0x6, v6;
	v3 =	vor.u32 $0x7, v6;
	v17 =	vmov s5  }
0x168: {  	v18 =	vmov s22;
	v19 =	vmov s23;
	v24 =	vmov s21  }
0x169: {  	v11 =	vshll.u32 v11, v2;
	v12 =	vshrl.u32 v12, $0x3;
	v13 =	vshrl.u32 v13, $0x3  }
0x16a: {  	s5 =	simm.s32 $0x9;
	s22 =	simm.s32 $0xA;
	s23 =	simm.s32 $0xB;
	v14 =	vshrl.u32 v14, $0x3;
	v15 =	vshrl.u32 v15, $0x3;
	v16 =	vshrl.u32 v16, $0x3  }
0x16b: {  	v20 =	vmov s5;
	v21 =	vmov s22;
	v22 =	vmov s23  }
0x16c: {  	v17 =	vshrl.u32 v17, $0x3;
	v18 =	vshrl.u32 v18, $0x3;
	v19 =	vshrl.u32 v19, $0x3  }
0x16d: {  	v24 =	vshrl.u32 v24, $0x3;
	v11 =	vadd.s32 v6, v11;
	v12 =	vshll.u32 v12, v2  }
0x16e: {  	s5 =	simm.s32 $0xC;
	s22 =	simm.s32 $0xE;
	v13 =	vshll.u32 v13, v2;
	v14 =	vshll.u32 v14, v2;
	v15 =	vshll.u32 v15, v2  }
0x16f: {  	v16 =	vshll.u32 v16, v2;
	v23 =	vmov s5;
	v25 =	vmov s22  }
0x170: {  	v20 =	vshrl.u32 v20, $0x3;
	v21 =	vshrl.u32 v21, $0x3;
	v22 =	vshrl.u32 v22, $0x3  }
0x171: {  	v11 =	vbroadcast v11, $0x0;
	v12 =	vadd.s32 v12, v8;
	v13 =	vadd.s32 v13, v9  }
0x172: {  	v17 =	vshll.u32 v17, v2;
	v14 =	vadd.s32 v14, v10;
	v12 =	vbroadcast v12, $0x0  }
0x173: {  	v18 =	vshll.u32 v18, v2;
	v15 =	vadd.s32 v15, v7;
	v13 =	vbroadcast v13, $0x0  }
0x174: {  	_ =	swait.ge [sflag:s9], $0x2000;
	v19 =	vshll.u32 v19, v2;
	v16 =	vadd.s32 v16, v5;
	v14 =	vbroadcast v14, $0x0  }
0x175: {  	[sflag:s9] =	ssyncset.done $0x0;
	v23 =	vshrl.u32 v23, $0x3;
	v25 =	vshrl.u32 v25, $0x3;
	v15 =	vbroadcast v15, $0x0  }
0x176: {  	[sflag:s9] =	ssyncadd.s32 $0xFFFFE000;
	v20 =	vshll.u32 v20, v2;
	v16 =	vbroadcast v16, $0x0;
	v17 =	vadd.s32 v17, v4  }
0x177: {  	v21 =	vshll.u32 v21, v2;
	v26 =	vld.idx.msk [tilespmem:v11+s31+$0x0], $0xffff;
	v11 =	vbroadcast v17, $0x0;
	v17 =	vadd.s32 v18, v3  }
0x178: {  	v18 =	vshll.u32 v22, v2;
	v22 =	vld.idx.msk [tilespmem:v12+s31+$0x0], $0xffff;
	v12 =	vbroadcast v17, $0x0;
	v17 =	vadd.s32 v6, v19  }
0x179: {  	v19 =	vshll.u32 v23, v2;
	v23 =	vld.idx.msk [tilespmem:v13+s31+$0x0], $0xffff;
	v13 =	vbroadcast v17, $0x0;
	v17 =	vadd.s32 v20, v8  }
0x17a: {  	v20 =	vshll.u32 v24, v2;
	v24 =	vld.idx.msk [tilespmem:v14+s31+$0x0], $0xffff;
	v14 =	vbroadcast v17, $0x0;
	v17 =	vadd.s32 v21, v9  }
0x17b: {  	v21 =	vshll.u32 v25, v2;
	v25 =	vld.idx.msk [tilespmem:v15+s31+$0x0], $0xffff;
	v15 =	vbroadcast v17, $0x0;
	v17 =	vadd.s32 v18, v10  }
0x17c: {  	s23 =	simm.s32 $0xF;
	v27 =	vld.idx.msk [tilespmem:v16+s31+$0x0], $0xffff;
	v16 =	vadd.s32 v19, v7;
	v28 =	vbroadcast v17, $0x0  }
0x17d: {  	v17 =	vmov s23;
	v29 =	vld.idx.msk [tilespmem:v11+s31+$0x0], $0xffff;
	v11 =	vbroadcast v16, $0x0;
	v16 =	vadd.s32 v20, v5  }
0x17e: {  	v17 =	vshrl.u32 v17, $0x3;
	v19 =	vld.idx.msk [tilespmem:v12+s31+$0x0], $0xffff;
	v12 =	vbroadcast v16, $0x0;
	v16 =	vadd.s32 v21, v4  }
0x17f: {  	v17 =	vshll.u32 v17, v2;
	v18 =	vld.idx.msk [tilespmem:v13+s31+$0x0], $0xffff;
	v20 =	vbroadcast v16, $0x0  }
0x180: {  	v13 =	vadd.s32 v17, v3;
	v17 =	vld.idx.msk [tilespmem:v14+s31+$0x0], $0xffff  }
0x181: {  	v21 =	vbroadcast v13, $0x0;
	v16 =	vld.idx.msk [tilespmem:v15+s31+$0x0], $0xffff  }
0x182: {  	v15 =	vld.idx.msk [tilespmem:v28+s31+$0x0], $0xffff  }
0x183: {  	v14 =	vld.idx.msk [tilespmem:v11+s31+$0x0], $0xffff  }
0x184: {  	v13 =	vld.idx.msk [tilespmem:v12+s31+$0x0], $0xffff  }
0x185: {  	s19 =	simm.s32 $0xEF00;
	v12 =	vld.idx.msk [tilespmem:v20+s31+$0x0], $0xffff  }
0x186: {  	v20 =	vld [tilespmem:s19+$0x1F0]  }
0x187: {  	v11 =	vld.idx.msk [tilespmem:v21+s31+$0x0], $0xffff  }
0x188: {  	v21 =	vld [tilespmem:s19+$0xFFFFFE00]  }
0x189: {  	v28 =	vld [tilespmem:s19+$0xFFFFFE10]  }
0x18a: {  	v30 =	vld [tilespmem:s19+$0xFFFFFE20]  }
0x18b: {  	v31 =	vld [tilespmem:s19+$0xFFFFFE30]  }
0x18c: {  	v32 =	vld [tilespmem:s19+$0xFFFFFE40];
	v20 =	vmul.f32 v20, v11  }
0x18d: {  	v33 =	vld [tilespmem:s19+$0xFFFFFE50];
	v21 =	vmul.f32 v21, v26  }
0x18e: {  	v34 =	vld [tilespmem:s19+$0xFFFFFE60];
	v28 =	vmul.f32 v28, v26;
	[tilespmem:s19+$0x1F0] =	vst v20  }
0x18f: {  	[tilespmem:s19+$0xFFFFFE00] =	vst v21;
	v20 =	vmul.f32 v30, v26;
	v21 =	vld [tilespmem:s19+$0xFFFFFE70]  }
0x190: {  	[tilespmem:s19+$0xFFFFFE10] =	vst v28;
	v28 =	vld [tilespmem:s19+$0xFFFFFE80];
	v26 =	vmul.f32 v31, v26  }
0x191: {  	v30 =	vld [tilespmem:s19+$0xFFFFFE90];
	[tilespmem:s19+$0xFFFFFE20] =	vst v20;
	v20 =	vmul.f32 v32, v22  }
0x192: {  	v31 =	vld [tilespmem:s19+$0xFFFFFEA0];
	[tilespmem:s19+$0xFFFFFE30] =	vst v26;
	v26 =	vmul.f32 v33, v22  }
0x193: {  	v46 =	vld [tilespmem:s19+$0xFFFFFEB0];
	[tilespmem:s19+$0xFFFFFE40] =	vst v20;
	v20 =	vmul.f32 v34, v22  }
0x194: {  	[tilespmem:s19+$0xFFFFFE50] =	vst v26;
	v21 =	vmul.f32 v21, v22;
	v22 =	vld [tilespmem:s19+$0xFFFFFEC0]  }
0x195: {  	v26 =	vld [tilespmem:s19+$0xFFFFFED0];
	[tilespmem:s19+$0xFFFFFE60] =	vst v20;
	v20 =	vmul.f32 v28, v23  }
0x196: {  	v28 =	vld [tilespmem:s19+$0xFFFFFEE0];
	[tilespmem:s19+$0xFFFFFE70] =	vst v21;
	v21 =	vmul.f32 v30, v23  }
0x197: {  	v30 =	vld [tilespmem:s19+$0xFFFFFEF0];
	[tilespmem:s19+$0xFFFFFE80] =	vst v20;
	v20 =	vmul.f32 v31, v23  }
0x198: {  	[tilespmem:s19+$0xFFFFFE90] =	vst v21;
	v21 =	vmul.f32 v46, v23;
	v23 =	vld [tilespmem:s19+$0xFFFFFF00]  }
0x199: {  	[tilespmem:s19+$0xFFFFFEA0] =	vst v20;
	v20 =	vmul.f32 v22, v24;
	v22 =	vld [tilespmem:s19+$0xFFFFFF10]  }
0x19a: {  	[tilespmem:s19+$0xFFFFFEB0] =	vst v21;
	v21 =	vmul.f32 v26, v24;
	v26 =	vld [tilespmem:s19+$0xFFFFFF20]  }
0x19b: {  	[tilespmem:s19+$0xFFFFFEC0] =	vst v20;
	v20 =	vmul.f32 v28, v24;
	v28 =	vld [tilespmem:s19+$0xFFFFFF30]  }
0x19c: {  	[tilespmem:s19+$0xFFFFFED0] =	vst v21;
	v21 =	vmul.f32 v30, v24;
	v24 =	vld [tilespmem:s19+$0xFFFFFF40]  }
0x19d: {  	[tilespmem:s19+$0xFFFFFEE0] =	vst v20;
	v20 =	vmul.f32 v23, v25;
	v23 =	vld [tilespmem:s19+$0xFFFFFF50]  }
0x19e: {  	[tilespmem:s19+$0xFFFFFEF0] =	vst v21;
	v21 =	vmul.f32 v22, v25;
	v22 =	vld [tilespmem:s19+$0xFFFFFF60]  }
0x19f: {  	[tilespmem:s19+$0xFFFFFF00] =	vst v20;
	v20 =	vmul.f32 v26, v25;
	v26 =	vld [tilespmem:s19+$0xFFFFFF70]  }
0x1a0: {  	[tilespmem:s19+$0xFFFFFF10] =	vst v21;
	v21 =	vmul.f32 v28, v25;
	v25 =	vld [tilespmem:s19+$0xFFFFFF80]  }
0x1a1: {  	[tilespmem:s19+$0xFFFFFF20] =	vst v20;
	v20 =	vmul.f32 v24, v27;
	v24 =	vld [tilespmem:s19+$0xFFFFFF90]  }
0x1a2: {  	[tilespmem:s19+$0xFFFFFF30] =	vst v21;
	v21 =	vmul.f32 v23, v27;
	v23 =	vld [tilespmem:s19+$0xFFFFFFA0]  }
0x1a3: {  	[tilespmem:s19+$0xFFFFFF40] =	vst v20;
	v20 =	vmul.f32 v22, v27;
	v22 =	vld [tilespmem:s19+$0xFFFFFFB0]  }
0x1a4: {  	[tilespmem:s19+$0xFFFFFF50] =	vst v21;
	v21 =	vmul.f32 v26, v27;
	v26 =	vld [tilespmem:s19+$0xFFFFFFC0]  }
0x1a5: {  	[tilespmem:s19+$0xFFFFFF60] =	vst v20;
	v20 =	vmul.f32 v25, v29;
	v25 =	vld [tilespmem:s19+$0xFFFFFFD0]  }
0x1a6: {  	[tilespmem:s19+$0xFFFFFF70] =	vst v21;
	v21 =	vmul.f32 v24, v29;
	v24 =	vld [tilespmem:s19+$0xFFFFFFE0]  }
0x1a7: {  	[tilespmem:s19+$0xFFFFFF80] =	vst v20;
	v20 =	vmul.f32 v23, v29;
	v23 =	vld [tilespmem:s19+$0xFFFFFFF0]  }
0x1a8: {  	[tilespmem:s19+$0xFFFFFF90] =	vst v21;
	v21 =	vmul.f32 v22, v29;
	v22 =	vld [tilespmem:s19+$0x0]  }
0x1a9: {  	[tilespmem:s19+$0xFFFFFFA0] =	vst v20;
	v20 =	vmul.f32 v26, v19;
	v26 =	vld [tilespmem:s19+$0x10]  }
0x1aa: {  	s23 =	simm.s32 $0x13;
	[tilespmem:s19+$0xFFFFFFB0] =	vst v21;
	v21 =	vmul.f32 v25, v19;
	v25 =	vld [tilespmem:s19+$0x20]  }
0x1ab: {  	v30 =	vmov s23;
	s23 =	simm.s32 $0x17;
	[tilespmem:s19+$0xFFFFFFC0] =	vst v20;
	v20 =	vmul.f32 v24, v19;
	v24 =	vld [tilespmem:s19+$0x30]  }
0x1ac: {  	v48 =	vmov s23;
	s23 =	simm.s32 $0x1B;
	v30 =	vshrl.u32 v30, $0x3;
	[tilespmem:s19+$0xFFFFFFD0] =	vst v21;
	v19 =	vmul.f32 v23, v19;
	v21 =	vld [tilespmem:s19+$0x40]  }
0x1ad: {  	v37 =	vmov s23;
	s23 =	simm.s32 $0x1E;
	v50 =	vshrl.u32 v48, $0x3;
	[tilespmem:s19+$0xFFFFFFE0] =	vst v20;
	v20 =	vmul.f32 v22, v18;
	v22 =	vld [tilespmem:s19+$0x50]  }
0x1ae: {  	s21 =	simm.s32 $0x11;
	v30 =	vshll.u32 v30, v2;
	v39 =	vmov s23;
	[tilespmem:s19+$0xFFFFFFF0] =	vst v19;
	v19 =	vmul.f32 v26, v18;
	v26 =	vld [tilespmem:s19+$0x60]  }
0x1af: {  	s5 =	simm.s32 $0x10;
	v54 =	vshrl.u32 v37, $0x3;
	v28 =	vmov s21;
	[tilespmem:s19+$0x0] =	vst v20;
	v20 =	vmul.f32 v25, v18;
	v25 =	vld [tilespmem:s19+$0x70]  }
0x1b0: {  	v28 =	vshrl.u32 v28, $0x3;
	v27 =	vmov s5;
	s5 =	simm.s32 $0x14;
	[tilespmem:s19+$0x10] =	vst v19;
	v18 =	vmul.f32 v24, v18;
	v19 =	vld [tilespmem:s19+$0x80]  }
0x1b1: {  	v28 =	vshll.u32 v28, v2;
	v31 =	vmov s5;
	s5 =	simm.s32 $0x18;
	[tilespmem:s19+$0x20] =	vst v20;
	v20 =	vmul.f32 v21, v17;
	v21 =	vld [tilespmem:s19+$0x90]  }
0x1b2: {  	v27 =	vshrl.u32 v27, $0x3;
	v49 =	vmov s5;
	[tilespmem:s19+$0x30] =	vst v18;
	v18 =	vmul.f32 v22, v17;
	v22 =	vld [tilespmem:s19+$0xA0]  }
0x1b3: {  	s5 =	simm.s32 $0x1C;
	v27 =	vshll.u32 v27, v2;
	v31 =	vshrl.u32 v31, $0x3;
	[tilespmem:s19+$0x40] =	vst v20;
	v20 =	vmul.f32 v26, v17;
	v26 =	vld [tilespmem:s19+$0xB0]  }
0x1b4: {  	s22 =	simm.s32 $0x12;
	v38 =	vmov s5;
	v51 =	vshrl.u32 v49, $0x3;
	[tilespmem:s19+$0x50] =	vst v18;
	v17 =	vmul.f32 v25, v17;
	v18 =	vld [tilespmem:s19+$0xC0]  }
0x1b5: {  	v31 =	vshll.u32 v31, v2;
	v29 =	vmov s22;
	s22 =	simm.s32 $0x16;
	[tilespmem:s19+$0x60] =	vst v20;
	v19 =	vmul.f32 v19, v16;
	v20 =	vld [tilespmem:s19+$0xD0]  }
0x1b6: {  	v56 =	vshll.u32 v51, v2;
	v47 =	vmov s22;
	s22 =	simm.s32 $0x1A;
	[tilespmem:s19+$0x70] =	vst v17;
	v17 =	vmul.f32 v21, v16;
	v21 =	vld [tilespmem:s19+$0xE0]  }
0x1b7: {  	s21 =	simm.s32 $0x15;
	v29 =	vshrl.u32 v29, $0x3;
	v36 =	vmov s22;
	[tilespmem:s19+$0x80] =	vst v19;
	v19 =	vmul.f32 v22, v16;
	v22 =	vld [tilespmem:s19+$0xF0]  }
0x1b8: {  	v29 =	vshll.u32 v29, v2;
	v23 =	vmov s21;
	s21 =	simm.s32 $0x19;
	[tilespmem:s19+$0x90] =	vst v17;
	v16 =	vmul.f32 v26, v16;
	v17 =	vld [tilespmem:s19+$0x100]  }
0x1b9: {  	v53 =	vshrl.u32 v36, $0x3;
	v36 =	vshll.u32 v54, v2;
	v35 =	vmov s21;
	[tilespmem:s19+$0xA0] =	vst v19;
	v19 =	vld [tilespmem:s19+$0x110]  }
0x1ba: {  	v23 =	vshrl.u32 v23, $0x3;
	v18 =	vmul.f32 v18, v15;
	[tilespmem:s19+$0xB0] =	vst v16;
	v16 =	vmul.f32 v20, v15;
	v20 =	vld [tilespmem:s19+$0x120]  }
0x1bb: {  	v60 =	vld [tilespmem:s19+$0x160];
	s22 =	simm.s32 $0x1D;
	v58 =	vshll.u32 v53, v2;
	v52 =	vshrl.u32 v35, $0x3;
	v23 =	vshll.u32 v23, v2  }
0x1bc: {  	v57 =	vshll.u32 v52, v2;
	v24 =	vmov s22;
	[tilespmem:s19+$0xC0] =	vst v18;
	v18 =	vmul.f32 v21, v15;
	v21 =	vld [tilespmem:s19+$0x130]  }
0x1bd: {  	v24 =	vshrl.u32 v24, $0x3;
	v26 =	vadd.s32 v6, v27;
	[tilespmem:s19+$0xD0] =	vst v16;
	v16 =	vld [tilespmem:s19+$0x140];
	v17 =	vmul.f32 v17, v14  }
0x1be: {  	v27 =	vshrl.u32 v39, $0x3;
	v15 =	vmul.f32 v22, v15;
	[tilespmem:s19+$0xE0] =	vst v18;
	v18 =	vld [tilespmem:s19+$0x150];
	v59 =	vmul.f32 v19, v14  }
0x1bf: {  	v61 =	vld [tilespmem:s19+$0x170];
	[tilespmem:s19+$0x100] =	vst v17;
	v20 =	vmul.f32 v20, v14;
	v17 =	vshll.u32 v24, v2;
	v24 =	vbroadcast v26, $0x0  }
0x1c0: {  	[tilespmem:s19+$0xF0] =	vst v15;
	v26 =	vadd.s32 v28, v8;
	v28 =	vadd.s32 v30, v10;
	v30 =	vadd.s32 v31, v7;
	v31 =	vld [tilespmem:s19+$0x1C0]  }
0x1c1: {  	v25 =	vshrl.u32 v47, $0x3;
	v15 =	vshll.u32 v27, v2;
	[tilespmem:s19+$0x110] =	vst v59;
	v14 =	vmul.f32 v21, v14;
	v21 =	vld [tilespmem:s19+$0x180]  }
0x1c2: {  	v27 =	vadd.s32 v29, v9;
	v26 =	vbroadcast v26, $0x0;
	[tilespmem:s19+$0x120] =	vst v20;
	v16 =	vmul.f32 v16, v13;
	v20 =	vld [tilespmem:s19+$0x190]  }
0x1c3: {  	v25 =	vshll.u32 v25, v2;
	v27 =	vbroadcast v27, $0x0;
	[tilespmem:s19+$0x130] =	vst v14;
	v14 =	vmul.f32 v18, v13;
	v18 =	vld [tilespmem:s19+$0x1A0]  }
0x1c4: {  	v22 =	vshll.u32 v50, v2;
	v29 =	vld [tilespmem:s19+$0x1B0];
	v28 =	vbroadcast v28, $0x0;
	[tilespmem:s19+$0x140] =	vst v16;
	v16 =	vmul.f32 v60, v13  }
0x1c5: {  	v30 =	vbroadcast v30, $0x0;
	[tilespmem:s19+$0x150] =	vst v14;
	v14 =	vmul.f32 v61, v13;
	v13 =	vadd.s32 v23, v5  }
0x1c6: {  	v62 =	vld [tilespmem:s19+$0x1D0];
	[tilespmem:s19+$0x160] =	vst v16;
	v16 =	vmul.f32 v21, v12;
	v13 =	vbroadcast v13, $0x0;
	v21 =	vadd.s32 v25, v4  }
0x1c7: {  	v63 =	vld [tilespmem:s19+$0x1E0];
	[tilespmem:s19+$0x170] =	vst v14;
	v20 =	vmul.f32 v20, v12;
	v14 =	vbroadcast v21, $0x0;
	v21 =	vadd.s32 v22, v3  }
0x1c8: {  	v55 =	vshrl.u32 v38, $0x3;
	v22 =	vld.idx.msk [tilespmem:v26+s31+$0x0], $0xffff;
	v26 =	vmul.f32 v31, v11;
	[tilespmem:s19+$0x180] =	vst v16;
	v16 =	vmul.f32 v18, v12  }
0x1c9: {  	v23 =	vld.idx.msk [tilespmem:v24+s31+$0x0], $0xffff;
	v21 =	vbroadcast v21, $0x0;
	v18 =	vadd.s32 v6, v56;
	v12 =	vmul.f32 v29, v12;
	[tilespmem:s19+$0x190] =	vst v20  }
0x1ca: {  	v19 =	vshll.u32 v55, v2;
	v24 =	vadd.s32 v57, v8;
	v20 =	vld.idx.msk [tilespmem:v27+s31+$0x0], $0xffff;
	v27 =	vbroadcast v18, $0x0;
	[tilespmem:s19+$0x1C0] =	vst v26  }
0x1cb: {  	v18 =	vld.idx.msk [tilespmem:v28+s31+$0x0], $0xffff;
	v28 =	vbroadcast v24, $0x0;
	v24 =	vadd.s32 v58, v9;
	[tilespmem:s19+$0x1B0] =	vst v12;
	v12 =	vmul.f32 v62, v11  }
0x1cc: {  	s20 =	sshll.u32 s18, $0x1;
	s21 =	simm.s32 $0x20;
	s22 =	simm.s32 $0x1F;
	v25 =	vadd.s32 v36, v10;
	[tilespmem:s19+$0x1A0] =	vst v16;
	v16 =	vld.idx.msk [tilespmem:v30+s31+$0x0], $0xffff;
	v29 =	vbroadcast v24, $0x0;
	v24 =	vmul.f32 v63, v11  }
.LBB2_10:
0x1cd: {  	p0 =	slt.u32 s21, $0x70;
	v26 =	vld.idx.msk [tilespmem:v13+s31+$0x0], $0xffff;
	v11 =	vbroadcast v25, $0x0;
	v13 =	vadd.s32 v19, v7;
	v19 =	vmov s22;
	[tilespmem:s19+$0x1D0] =	vst v12  }
0x1ce: {  	v25 =	vld.idx.msk [tilespmem:v14+s31+$0x0], $0xffff;
	v12 =	vbroadcast v13, $0x0;
	v13 =	vadd.s32 v17, v5;
	v14 =	vshrl.u32 v19, $0x3;
	[tilespmem:s19+$0x1E0] =	vst v24  }
0x1cf: {  	v15 =	vadd.s32 v15, v4;
	v24 =	vld.idx.msk [tilespmem:v21+s31+$0x0], $0xffff;
	v13 =	vbroadcast v13, $0x0;
	v14 =	vshll.u32 v14, v2  }
0x1d0: {  	v21 =	vld.idx.msk [tilespmem:v27+s31+$0x0], $0xffff;
	v27 =	vbroadcast v15, $0x0;
	v14 =	vadd.s32 v14, v3  }
0x1d1: {  	v19 =	vld.idx.msk [tilespmem:v28+s31+$0x0], $0xffff;
	v28 =	vbroadcast v14, $0x0  }
0x1d2: {  	v17 =	vld.idx.msk [tilespmem:v29+s31+$0x0], $0xffff  }
0x1d3: {  	v15 =	vld.idx.msk [tilespmem:v11+s31+$0x0], $0xffff  }
0x1d4: {  	v14 =	vld.idx.msk [tilespmem:v12+s31+$0x0], $0xffff  }
0x1d5: {  	v13 =	vld.idx.msk [tilespmem:v13+s31+$0x0], $0xffff  }
0x1d6: {  	v12 =	vld.idx.msk [tilespmem:v27+s31+$0x0], $0xffff  }
0x1d7: {  	s19 =	sadd.s32 $0x400, s19;
	v11 =	vld.idx.msk [tilespmem:v28+s31+$0x0], $0xffff  }
0x1d8: {  	v27 =	vld [tilespmem:s19+$0x1F0]  }
0x1d9: {  	v28 =	vld [tilespmem:s19+$0xFFFFFE00]  }
0x1da: {  	v29 =	vld [tilespmem:s19+$0xFFFFFE10]  }
0x1db: {  	v30 =	vld [tilespmem:s19+$0xFFFFFE20]  }
0x1dc: {  	v31 =	vld [tilespmem:s19+$0xFFFFFE30]  }
0x1dd: {  	v32 =	vld [tilespmem:s19+$0xFFFFFE40];
	v27 =	vmul.f32 v27, v11  }
0x1de: {  	v28 =	vmul.f32 v28, v23;
	v33 =	vld [tilespmem:s19+$0xFFFFFE50]  }
0x1df: {  	v29 =	vmul.f32 v29, v23;
	v34 =	vld [tilespmem:s19+$0xFFFFFE60];
	[tilespmem:s19+$0x1F0] =	vst v27  }
0x1e0: {  	[tilespmem:s19+$0xFFFFFE00] =	vst v28;
	v27 =	vmul.f32 v30, v23;
	v28 =	vld [tilespmem:s19+$0xFFFFFE70]  }
0x1e1: {  	[tilespmem:s19+$0xFFFFFE10] =	vst v29;
	v23 =	vmul.f32 v31, v23;
	v29 =	vld [tilespmem:s19+$0xFFFFFE80]  }
0x1e2: {  	[tilespmem:s19+$0xFFFFFE20] =	vst v27;
	v27 =	vmul.f32 v32, v22;
	v30 =	vld [tilespmem:s19+$0xFFFFFE90]  }
0x1e3: {  	[tilespmem:s19+$0xFFFFFE30] =	vst v23;
	v23 =	vmul.f32 v33, v22;
	v31 =	vld [tilespmem:s19+$0xFFFFFEA0]  }
0x1e4: {  	[tilespmem:s19+$0xFFFFFE40] =	vst v27;
	v27 =	vmul.f32 v34, v22;
	v32 =	vld [tilespmem:s19+$0xFFFFFEB0]  }
0x1e5: {  	[tilespmem:s19+$0xFFFFFE50] =	vst v23;
	v22 =	vmul.f32 v28, v22;
	v23 =	vld [tilespmem:s19+$0xFFFFFEC0]  }
0x1e6: {  	[tilespmem:s19+$0xFFFFFE60] =	vst v27;
	v27 =	vmul.f32 v29, v20;
	v28 =	vld [tilespmem:s19+$0xFFFFFED0]  }
0x1e7: {  	[tilespmem:s19+$0xFFFFFE70] =	vst v22;
	v22 =	vmul.f32 v30, v20;
	v29 =	vld [tilespmem:s19+$0xFFFFFEE0]  }
0x1e8: {  	[tilespmem:s19+$0xFFFFFE80] =	vst v27;
	v27 =	vmul.f32 v31, v20;
	v30 =	vld [tilespmem:s19+$0xFFFFFEF0]  }
0x1e9: {  	[tilespmem:s19+$0xFFFFFE90] =	vst v22;
	v20 =	vmul.f32 v32, v20;
	v22 =	vld [tilespmem:s19+$0xFFFFFF00]  }
0x1ea: {  	[tilespmem:s19+$0xFFFFFEA0] =	vst v27;
	v23 =	vmul.f32 v23, v18;
	v27 =	vld [tilespmem:s19+$0xFFFFFF10]  }
0x1eb: {  	[tilespmem:s19+$0xFFFFFEB0] =	vst v20;
	v20 =	vmul.f32 v28, v18;
	v28 =	vld [tilespmem:s19+$0xFFFFFF20]  }
0x1ec: {  	[tilespmem:s19+$0xFFFFFEC0] =	vst v23;
	v23 =	vmul.f32 v29, v18;
	v29 =	vld [tilespmem:s19+$0xFFFFFF30]  }
0x1ed: {  	[tilespmem:s19+$0xFFFFFED0] =	vst v20;
	v18 =	vmul.f32 v30, v18;
	v20 =	vld [tilespmem:s19+$0xFFFFFF40]  }
0x1ee: {  	[tilespmem:s19+$0xFFFFFEE0] =	vst v23;
	v22 =	vmul.f32 v22, v16;
	v23 =	vld [tilespmem:s19+$0xFFFFFF50]  }
0x1ef: {  	[tilespmem:s19+$0xFFFFFEF0] =	vst v18;
	v18 =	vmul.f32 v27, v16;
	v27 =	vld [tilespmem:s19+$0xFFFFFF60]  }
0x1f0: {  	[tilespmem:s19+$0xFFFFFF00] =	vst v22;
	v22 =	vmul.f32 v28, v16;
	v28 =	vld [tilespmem:s19+$0xFFFFFF70]  }
0x1f1: {  	[tilespmem:s19+$0xFFFFFF10] =	vst v18;
	v16 =	vmul.f32 v29, v16;
	v18 =	vld [tilespmem:s19+$0xFFFFFF80]  }
0x1f2: {  	[tilespmem:s19+$0xFFFFFF20] =	vst v22;
	v20 =	vmul.f32 v20, v26;
	v22 =	vld [tilespmem:s19+$0xFFFFFF90]  }
0x1f3: {  	[tilespmem:s19+$0xFFFFFF30] =	vst v16;
	v16 =	vmul.f32 v23, v26;
	v23 =	vld [tilespmem:s19+$0xFFFFFFA0]  }
0x1f4: {  	[tilespmem:s19+$0xFFFFFF40] =	vst v20;
	v20 =	vmul.f32 v27, v26;
	v27 =	vld [tilespmem:s19+$0xFFFFFFB0]  }
0x1f5: {  	[tilespmem:s19+$0xFFFFFF50] =	vst v16;
	v16 =	vmul.f32 v28, v26;
	v26 =	vld [tilespmem:s19+$0xFFFFFFC0]  }
0x1f6: {  	[tilespmem:s19+$0xFFFFFF60] =	vst v20;
	v18 =	vmul.f32 v18, v25;
	v20 =	vld [tilespmem:s19+$0xFFFFFFD0]  }
0x1f7: {  	[tilespmem:s19+$0xFFFFFF70] =	vst v16;
	v16 =	vmul.f32 v22, v25;
	v22 =	vld [tilespmem:s19+$0xFFFFFFE0]  }
0x1f8: {  	[tilespmem:s19+$0xFFFFFF80] =	vst v18;
	v18 =	vmul.f32 v23, v25;
	v23 =	vld [tilespmem:s19+$0xFFFFFFF0]  }
0x1f9: {  	[tilespmem:s19+$0xFFFFFF90] =	vst v16;
	v16 =	vmul.f32 v27, v25;
	v25 =	vld [tilespmem:s19+$0x0]  }
0x1fa: {  	v27 =	vmov s21;
	[tilespmem:s19+$0xFFFFFFA0] =	vst v18;
	v18 =	vmul.f32 v26, v24;
	v26 =	vld [tilespmem:s19+$0x10]  }
0x1fb: {  	s22 =	sadd.s32 $0x1, s21;
	s23 =	sadd.s32 $0x2, s21;
	v27 =	vshrl.u32 v27, $0x3;
	[tilespmem:s19+$0xFFFFFFB0] =	vst v16;
	v16 =	vmul.f32 v20, v24;
	v20 =	vld [tilespmem:s19+$0x20]  }
0x1fc: {  	v29 =	vmov s23;
	s23 =	sadd.s32 $0x4, s21;
	v28 =	vmov s22;
	s22 =	sadd.s32 $0x3, s21;
	[tilespmem:s19+$0xFFFFFFC0] =	vst v18;
	v18 =	vmul.f32 v22, v24;
	v22 =	vld [tilespmem:s19+$0x30]  }
0x1fd: {  	v31 =	vmov s23;
	s23 =	sadd.s32 $0x6, s21;
	v30 =	vmov s22;
	s22 =	sadd.s32 $0x5, s21;
	[tilespmem:s19+$0xFFFFFFD0] =	vst v16;
	v16 =	vmul.f32 v23, v24;
	v23 =	vld [tilespmem:s19+$0x40]  }
0x1fe: {  	v32 =	vmov s23;
	s23 =	sadd.s32 $0x8, s21;
	v24 =	vmov s22;
	s22 =	sadd.s32 $0x7, s21;
	[tilespmem:s19+$0xFFFFFFE0] =	vst v18;
	v18 =	vmul.f32 v25, v21;
	v25 =	vld [tilespmem:s19+$0x50]  }
0x1ff: {  	v34 =	vmov s23;
	s23 =	sadd.s32 $0xA, s21;
	v33 =	vmov s22;
	s22 =	sadd.s32 $0x9, s21;
	[tilespmem:s19+$0xFFFFFFF0] =	vst v16;
	v16 =	vmul.f32 v26, v21;
	v26 =	vld [tilespmem:s19+$0x60]  }
0x200: {  	v36 =	vmov s23;
	s23 =	sadd.s32 $0xC, s21;
	v35 =	vmov s22;
	s22 =	sadd.s32 $0xB, s21;
	[tilespmem:s19+$0x0] =	vst v18;
	v18 =	vmul.f32 v20, v21;
	v20 =	vld [tilespmem:s19+$0x70]  }
0x201: {  	v38 =	vmov s23;
	s23 =	sadd.s32 $0xE, s21;
	v37 =	vmov s22;
	s22 =	sadd.s32 $0xD, s21;
	[tilespmem:s19+$0x10] =	vst v16;
	v16 =	vmul.f32 v22, v21;
	v21 =	vld [tilespmem:s19+$0x80]  }
0x202: {  	v39 =	vmov s23;
	v22 =	vmov s22;
	[tilespmem:s19+$0x20] =	vst v18;
	v18 =	vmul.f32 v23, v19;
	v23 =	vld [tilespmem:s19+$0x90]  }
0x203: {  	v28 =	vshrl.u32 v28, $0x3;
	v27 =	vshll.u32 v27, v2;
	[tilespmem:s19+$0x30] =	vst v16;
	v16 =	vmul.f32 v25, v19;
	v25 =	vld [tilespmem:s19+$0xA0]  }
0x204: {  	v29 =	vshrl.u32 v29, $0x3;
	v30 =	vshrl.u32 v30, $0x3;
	[tilespmem:s19+$0x40] =	vst v18;
	v18 =	vmul.f32 v26, v19;
	v26 =	vld [tilespmem:s19+$0xB0]  }
0x205: {  	v31 =	vshrl.u32 v31, $0x3;
	v24 =	vshrl.u32 v24, $0x3;
	[tilespmem:s19+$0x50] =	vst v16;
	v16 =	vmul.f32 v20, v19;
	v19 =	vld [tilespmem:s19+$0xC0]  }
0x206: {  	v20 =	vshrl.u32 v32, $0x3;
	v32 =	vshrl.u32 v33, $0x3;
	[tilespmem:s19+$0x60] =	vst v18;
	v18 =	vmul.f32 v21, v17;
	v21 =	vld [tilespmem:s19+$0xD0]  }
0x207: {  	v33 =	vshrl.u32 v34, $0x3;
	v34 =	vshrl.u32 v35, $0x3;
	[tilespmem:s19+$0x70] =	vst v16;
	v16 =	vmul.f32 v23, v17;
	v23 =	vld [tilespmem:s19+$0xE0]  }
0x208: {  	v35 =	vshrl.u32 v36, $0x3;
	v36 =	vshrl.u32 v37, $0x3;
	[tilespmem:s19+$0x80] =	vst v18;
	v18 =	vmul.f32 v25, v17;
	v25 =	vld [tilespmem:s19+$0xF0]  }
0x209: {  	v22 =	vshrl.u32 v22, $0x3;
	v37 =	vshrl.u32 v38, $0x3;
	[tilespmem:s19+$0x90] =	vst v16;
	v16 =	vmul.f32 v26, v17;
	v17 =	vld [tilespmem:s19+$0x100]  }
0x20a: {  	v26 =	vadd.s32 v6, v27;
	v27 =	vshrl.u32 v39, $0x3;
	[tilespmem:s19+$0xA0] =	vst v18;
	v18 =	vmul.f32 v19, v15;
	v19 =	vld [tilespmem:s19+$0x110]  }
0x20b: {  	v29 =	vshll.u32 v29, v2;
	v28 =	vshll.u32 v28, v2;
	[tilespmem:s19+$0xB0] =	vst v16;
	v16 =	vmul.f32 v21, v15;
	v21 =	vld [tilespmem:s19+$0x120]  }
0x20c: {  	v31 =	vshll.u32 v31, v2;
	v30 =	vshll.u32 v30, v2;
	[tilespmem:s19+$0xC0] =	vst v18;
	v18 =	vmul.f32 v23, v15;
	v23 =	vld [tilespmem:s19+$0x130]  }
0x20d: {  	v24 =	vshll.u32 v24, v2;
	v20 =	vshll.u32 v20, v2;
	[tilespmem:s19+$0xD0] =	vst v16;
	v15 =	vmul.f32 v25, v15;
	v16 =	vld [tilespmem:s19+$0x140]  }
0x20e: {  	v25 =	vshll.u32 v32, v2;
	v32 =	vshll.u32 v33, v2;
	[tilespmem:s19+$0xE0] =	vst v18;
	v17 =	vmul.f32 v17, v14;
	v18 =	vld [tilespmem:s19+$0x150]  }
0x20f: {  	v33 =	vshll.u32 v34, v2;
	v34 =	vshll.u32 v35, v2;
	[tilespmem:s19+$0xF0] =	vst v15;
	v35 =	vmul.f32 v19, v14;
	v38 =	vld [tilespmem:s19+$0x160]  }
0x210: {  	v36 =	vshll.u32 v36, v2;
	v19 =	vshll.u32 v37, v2;
	[tilespmem:s19+$0x100] =	vst v17;
	v21 =	vmul.f32 v21, v14;
	v37 =	vld [tilespmem:s19+$0x170]  }
0x211: {  	v15 =	vshll.u32 v27, v2;
	v17 =	vshll.u32 v22, v2;
	[tilespmem:s19+$0x110] =	vst v35;
	v14 =	vmul.f32 v23, v14;
	v22 =	vld [tilespmem:s19+$0x180]  }
0x212: {  	v23 =	vbroadcast v26, $0x0;
	v26 =	vadd.s32 v28, v8;
	[tilespmem:s19+$0x120] =	vst v21;
	v16 =	vmul.f32 v16, v13;
	v21 =	vld [tilespmem:s19+$0x190]  }
0x213: {  	v27 =	vadd.s32 v29, v9;
	v26 =	vbroadcast v26, $0x0;
	[tilespmem:s19+$0x130] =	vst v14;
	v14 =	vmul.f32 v18, v13;
	v18 =	vld [tilespmem:s19+$0x1A0]  }
0x214: {  	v27 =	vbroadcast v27, $0x0;
	v28 =	vadd.s32 v30, v10;
	[tilespmem:s19+$0x140] =	vst v16;
	v16 =	vmul.f32 v38, v13;
	v29 =	vld [tilespmem:s19+$0x1B0]  }
0x215: {  	v30 =	vadd.s32 v31, v7;
	v28 =	vbroadcast v28, $0x0;
	[tilespmem:s19+$0x150] =	vst v14;
	v14 =	vmul.f32 v37, v13;
	v31 =	vld [tilespmem:s19+$0x1C0]  }
0x216: {  	v30 =	vbroadcast v30, $0x0;
	v13 =	vadd.s32 v24, v5;
	[tilespmem:s19+$0x160] =	vst v16;
	v16 =	vmul.f32 v22, v12;
	v24 =	vld [tilespmem:s19+$0x1D0]  }
0x217: {  	v20 =	vadd.s32 v20, v4;
	v13 =	vbroadcast v13, $0x0;
	[tilespmem:s19+$0x170] =	vst v14;
	v35 =	vmul.f32 v21, v12;
	v37 =	vld [tilespmem:s19+$0x1E0]  }
.Ltmp4:
0x218: {  	v14 =	vbroadcast v20, $0x0;
	v20 =	vadd.s32 v25, v3;
	v23 =	vld.idx.msk [tilespmem:v23+s31+$0x0], $0xffff;
	[tilespmem:s19+$0x180] =	vst v16;
	v16 =	vmul.f32 v18, v12;
	(pc) =	sbr.rel @p0 .LBB2_10-.Ltmp4, $4  }
0x219: {  	v21 =	vbroadcast v20, $0x0;
	v18 =	vadd.s32 v6, v32;
	v22 =	vld.idx.msk [tilespmem:v26+s31+$0x0], $0xffff;
	[tilespmem:s19+$0x190] =	vst v35;
	v12 =	vmul.f32 v29, v12  }
0x21a: {  	v25 =	vadd.s32 v33, v8;
	v20 =	vld.idx.msk [tilespmem:v27+s31+$0x0], $0xffff;
	v27 =	vbroadcast v18, $0x0;
	[tilespmem:s19+$0x1A0] =	vst v16;
	v26 =	vmul.f32 v31, v11  }
0x21b: {  	v18 =	vld.idx.msk [tilespmem:v28+s31+$0x0], $0xffff;
	v28 =	vbroadcast v25, $0x0;
	v25 =	vadd.s32 v34, v9;
	[tilespmem:s19+$0x1B0] =	vst v12;
	v12 =	vmul.f32 v24, v11  }
0x21c: {  	s22 =	sadd.s32 $0xF, s21;
	s21 =	sadd.s32 $0x10, s21;
	v16 =	vld.idx.msk [tilespmem:v30+s31+$0x0], $0xffff;
	v29 =	vbroadcast v25, $0x0;
	v25 =	vadd.s32 v36, v10;
	[tilespmem:s19+$0x1C0] =	vst v26;
	v24 =	vmul.f32 v37, v11  }
0x21d: {  	_ =	sdelay $0x3  }
0x21e: {  	v13 =	vld.idx.msk [tilespmem:v13+s31+$0x0], $0xffff  }
0x21f: {  	v14 =	vld.idx.msk [tilespmem:v14+s31+$0x0], $0xffff  }
0x220: {  	v11 =	vld.idx.msk [tilespmem:v21+s31+$0x0], $0xffff  }
0x221: {  	v10 =	vld.idx.msk [tilespmem:v27+s31+$0x0], $0xffff  }
0x222: {  	v7 =	vadd.s32 v19, v7;
	v8 =	vmov s22;
	v9 =	vld.idx.msk [tilespmem:v28+s31+$0x0], $0xffff  }
0x223: {  	s21 =	sadd.s32 $0x400, s19;
	v19 =	vbroadcast v7, $0x0;
	v7 =	vshrl.u32 v8, $0x3;
	v8 =	vld.idx.msk [tilespmem:v29+s31+$0x0], $0xffff  }
0x224: {  	v4 =	vadd.s32 v15, v4;
	v15 =	vld [tilespmem:s21+$0x1F0]  }
0x225: {  	v5 =	vadd.s32 v17, v5;
	v17 =	vld [tilespmem:s21+$0xFFFFFE00]  }
0x226: {  	v21 =	vld [tilespmem:s21+$0xFFFFFE20]  }
0x227: {  	v6 =	vbroadcast v25, $0x0;
	v25 =	vld [tilespmem:s21+$0xFFFFFE30]  }
0x228: {  	v26 =	vld [tilespmem:s21+$0xFFFFFE40]  }
0x229: {  	v27 =	vld [tilespmem:s21+$0xFFFFFE50]  }
0x22a: {  	v28 =	vld [tilespmem:s21+$0xFFFFFE60]  }
0x22b: {  	v29 =	vld [tilespmem:s21+$0xFFFFFE70]  }
0x22c: {  	v30 =	vld [tilespmem:s21+$0xFFFFFE80]  }
0x22d: {  	v31 =	vld [tilespmem:s21+$0xFFFFFE90]  }
0x22e: {  	v32 =	vld [tilespmem:s21+$0xFFFFFEA0]  }
0x22f: {  	v33 =	vld [tilespmem:s21+$0xFFFFFEB0]  }
0x230: {  	v34 =	vld [tilespmem:s21+$0xFFFFFEC0];
	v7 =	vshll.u32 v7, v2  }
0x231: {  	v35 =	vld [tilespmem:s21+$0xFFFFFED0];
	v3 =	vadd.s32 v7, v3  }
0x232: {  	v3 =	vbroadcast v3, $0x0;
	v7 =	vld.idx.msk [tilespmem:v6+s31+$0x0], $0xffff  }
0x233: {  	v6 =	vld.idx.msk [tilespmem:v19+s31+$0x0], $0xffff  }
0x234: {  	v17 =	vmul.f32 v17, v23;
	v19 =	vld [tilespmem:s21+$0xFFFFFE10]  }
0x235: {  	v36 =	vld [tilespmem:s21+$0xFFFFFEE0]  }
0x236: {  	v37 =	vld [tilespmem:s21+$0xFFFFFEF0];
	[tilespmem:s21+$0xFFFFFE00] =	vst v17;
	v17 =	vmul.f32 v21, v23  }
0x237: {  	[tilespmem:s19+$0x1D0] =	vst v12;
	v5 =	vbroadcast v5, $0x0;
	v38 =	vld [tilespmem:s21+$0xFFFFFF00]  }
0x238: {  	v4 =	vbroadcast v4, $0x0;
	v3 =	vld.idx.msk [tilespmem:v3+s31+$0x0], $0xffff;
	[tilespmem:s21+$0xFFFFFE20] =	vst v17;
	v17 =	vmul.f32 v26, v22  }
0x239: {  	v39 =	vld [tilespmem:s21+$0xFFFFFF10];
	[tilespmem:s19+$0x1E0] =	vst v24;
	v19 =	vmul.f32 v19, v23  }
0x23a: {  	v24 =	vld [tilespmem:s21+$0xFFFFFF30];
	[tilespmem:s21+$0xFFFFFE40] =	vst v17;
	v17 =	vmul.f32 v28, v22  }
0x23b: {  	v63 =	vld [tilespmem:s21+$0x0];
	[tilespmem:s21+$0xFFFFFE10] =	vst v19;
	v19 =	vmul.f32 v25, v23  }
0x23c: {  	v40 =	vld [tilespmem:s21+$0x40];
	[tilespmem:s21+$0xFFFFFE60] =	vst v17;
	v17 =	vmul.f32 v30, v20  }
0x23d: {  	v5 =	vld.idx.msk [tilespmem:v5+s31+$0x0], $0xffff;
	v12 =	vmul.f32 v15, v3;
	[tilespmem:s21+$0xFFFFFE30] =	vst v19  }
0x23e: {  	v4 =	vld.idx.msk [tilespmem:v4+s31+$0x0], $0xffff;
	v19 =	vmul.f32 v27, v22;
	[tilespmem:s21+$0xFFFFFE80] =	vst v17  }
0x23f: {  	v15 =	vld [tilespmem:s21+$0xFFFFFF20];
	v17 =	vmul.f32 v32, v20;
	[tilespmem:s21+$0x1F0] =	vst v12  }
0x240: {  	v21 =	vld [tilespmem:s21+$0xFFFFFF50];
	[tilespmem:s21+$0xFFFFFE50] =	vst v19;
	v19 =	vmul.f32 v29, v22  }
0x241: {  	v26 =	vld [tilespmem:s21+$0xFFFFFF80];
	[tilespmem:s21+$0xFFFFFEA0] =	vst v17;
	v17 =	vmul.f32 v34, v18  }
0x242: {  	v12 =	vld [tilespmem:s21+$0xFFFFFF40];
	[tilespmem:s21+$0xFFFFFE70] =	vst v19;
	v19 =	vmul.f32 v31, v20  }
0x243: {  	v28 =	vld [tilespmem:s21+$0xFFFFFFB0];
	[tilespmem:s21+$0xFFFFFEC0] =	vst v17;
	v17 =	vmul.f32 v36, v18  }
0x244: {  	v23 =	vld [tilespmem:s21+$0xFFFFFF60];
	v15 =	vmul.f32 v15, v16;
	[tilespmem:s21+$0xFFFFFE90] =	vst v19  }
0x245: {  	v25 =	vld [tilespmem:s21+$0xFFFFFF70];
	v19 =	vmul.f32 v33, v20;
	[tilespmem:s21+$0xFFFFFEE0] =	vst v17  }
0x246: {  	v30 =	vld [tilespmem:s21+$0xFFFFFFD0];
	v17 =	vmul.f32 v38, v16;
	[tilespmem:s21+$0xFFFFFF20] =	vst v15  }
0x247: {  	v27 =	vld [tilespmem:s21+$0xFFFFFF90];
	v12 =	vmul.f32 v12, v13;
	[tilespmem:s21+$0xFFFFFEB0] =	vst v19  }
0x248: {  	v22 =	vld [tilespmem:s21+$0xFFFFFFA0];
	v19 =	vmul.f32 v35, v18;
	[tilespmem:s21+$0xFFFFFF00] =	vst v17  }
0x249: {  	v29 =	vld [tilespmem:s21+$0xFFFFFFC0];
	v18 =	vmul.f32 v37, v18;
	[tilespmem:s21+$0xFFFFFF40] =	vst v12  }
0x24a: {  	v31 =	vld [tilespmem:s21+$0xFFFFFFF0];
	v12 =	vmul.f32 v23, v13;
	[tilespmem:s21+$0xFFFFFED0] =	vst v19  }
0x24b: {  	v36 =	vld [tilespmem:s21+$0x10];
	[tilespmem:s21+$0xFFFFFEF0] =	vst v18;
	v18 =	vmul.f32 v39, v16  }
0x24c: {  	v20 =	vld [tilespmem:s21+$0xFFFFFFE0];
	v16 =	vmul.f32 v24, v16;
	[tilespmem:s21+$0xFFFFFF60] =	vst v12  }
0x24d: {  	v38 =	vld [tilespmem:s21+$0x30];
	v12 =	vmul.f32 v26, v14;
	[tilespmem:s21+$0xFFFFFF10] =	vst v18  }
0x24e: {  	v15 =	vld [tilespmem:s21+$0x70];
	[tilespmem:s21+$0xFFFFFF30] =	vst v16;
	v16 =	vmul.f32 v21, v13  }
0x24f: {  	v17 =	vld [tilespmem:s21+$0x50];
	v13 =	vmul.f32 v25, v13;
	[tilespmem:s21+$0xFFFFFF80] =	vst v12  }
0x250: {  	v23 =	vld [tilespmem:s21+$0x90];
	v12 =	vmul.f32 v22, v14;
	[tilespmem:s21+$0xFFFFFF50] =	vst v16  }
0x251: {  	v19 =	vld [tilespmem:s21+$0x20];
	[tilespmem:s21+$0xFFFFFF70] =	vst v13;
	v13 =	vmul.f32 v27, v14  }
0x252: {  	v24 =	vld [tilespmem:s21+$0xB0];
	[tilespmem:s21+$0xFFFFFFA0] =	vst v12;
	v12 =	vmul.f32 v29, v11  }
0x253: {  	v16 =	vld [tilespmem:s21+$0xA0];
	[tilespmem:s21+$0xFFFFFF90] =	vst v13;
	v13 =	vmul.f32 v28, v14  }
0x254: {  	v26 =	vld [tilespmem:s21+$0xF0];
	[tilespmem:s21+$0xFFFFFFC0] =	vst v12;
	v12 =	vmul.f32 v20, v11  }
0x255: {  	v18 =	vld [tilespmem:s21+$0x60];
	[tilespmem:s21+$0xFFFFFFB0] =	vst v13;
	v13 =	vmul.f32 v30, v11  }
0x256: {  	v21 =	vld [tilespmem:s21+$0x80];
	v11 =	vmul.f32 v31, v11;
	[tilespmem:s21+$0xFFFFFFE0] =	vst v12  }
0x257: {  	v14 =	vld [tilespmem:s21+$0xE0];
	v12 =	vmul.f32 v63, v10;
	[tilespmem:s21+$0xFFFFFFD0] =	vst v13  }
0x258: {  	v25 =	vld [tilespmem:s21+$0xC0];
	v16 =	vmul.f32 v16, v8;
	[tilespmem:s21+$0xFFFFFFF0] =	vst v11  }
0x259: {  	v22 =	vld [tilespmem:s21+$0xD0];
	v11 =	vmul.f32 v36, v10;
	[tilespmem:s21+$0x0] =	vst v12  }
0x25a: {  	v27 =	vld [tilespmem:s21+$0x100];
	v12 =	vmul.f32 v19, v10;
	[tilespmem:s21+$0xA0] =	vst v16  }
0x25b: {  	v20 =	vld [tilespmem:s21+$0x110];
	v10 =	vmul.f32 v38, v10;
	[tilespmem:s21+$0x10] =	vst v11  }
0x25c: {  	v29 =	vld [tilespmem:s21+$0x140];
	v14 =	vmul.f32 v14, v7;
	[tilespmem:s21+$0x20] =	vst v12  }
0x25d: {  	v28 =	vld [tilespmem:s21+$0x130];
	v11 =	vmul.f32 v40, v9;
	[tilespmem:s21+$0x30] =	vst v10  }
0x25e: {  	v30 =	vld [tilespmem:s21+$0x160];
	v12 =	vmul.f32 v17, v9;
	[tilespmem:s21+$0xE0] =	vst v14  }
0x25f: {  	v13 =	vld [tilespmem:s21+$0x120];
	v17 =	vmul.f32 v18, v9;
	[tilespmem:s21+$0x40] =	vst v11  }
0x260: {  	v19 =	vld [tilespmem:s21+$0x150];
	v20 =	vmul.f32 v20, v6;
	v9 =	vmul.f32 v15, v9;
	[tilespmem:s21+$0x50] =	vst v12  }
0x261: {  	v18 =	vld [tilespmem:s21+$0x170];
	v10 =	vmul.f32 v21, v8;
	v11 =	vmul.f32 v23, v8;
	[tilespmem:s21+$0x60] =	vst v17  }
0x262: {  	v15 =	vld [tilespmem:s21+$0x180];
	v8 =	vmul.f32 v24, v8;
	v12 =	vmul.f32 v25, v7;
	[tilespmem:s21+$0x70] =	vst v9  }
0x263: {  	s23 =	sor.u32 $0x1, s20;
	v21 =	vld [tilespmem:s21+$0x190];
	v17 =	vmul.f32 v22, v7;
	v7 =	vmul.f32 v26, v7;
	[tilespmem:s21+$0x80] =	vst v10  }
0x264: {  	s19 =	sshll.u32 s23, $0x7;
	s23 =	simm.s32 $0x3;
	v23 =	vld [tilespmem:s21+$0x1A0];
	v9 =	vmul.f32 v27, v6;
	v25 =	vmul.f32 v29, v5;
	[tilespmem:s21+$0x90] =	vst v11  }
0x265: {  	v22 =	vld [tilespmem:s21+$0x1B0];
	v26 =	vmov s23;
	s23 =	simm.s32 $0x5;
	v13 =	vmul.f32 v13, v6;
	v16 =	vmul.f32 v19, v5;
	[tilespmem:s21+$0xB0] =	vst v8  }
0x266: {  	v24 =	vld [tilespmem:s21+$0x1C0];
	v19 =	vmul.f32 v30, v5;
	v27 =	vmov s23;
	s23 =	simm.s32 $0x8;
	v11 =	vmul.f32 v28, v6;
	[tilespmem:s21+$0xC0] =	vst v12  }
0x267: {  	s22 =	simm.s32 $0x1;
	v10 =	vld [tilespmem:s21+$0x1D0];
	[tilespmem:s21+$0xF0] =	vst v7;
	v29 =	vmov s23;
	v18 =	vmul.f32 v18, v5;
	v15 =	vmul.f32 v15, v4  }
0x268: {  	s23 =	simm.s32 $0xB;
	v12 =	vmul.f32 v21, v4;
	v5 =	vmov s19;
	[tilespmem:s21+$0x120] =	vst v13;
	v13 =	vmov s22  }
0x269: {  	[tilespmem:s21+$0x100] =	vst v9;
	s22 =	simm.s32 $0x4;
	v31 =	vmov s23;
	s23 =	simm.s32 $0xE;
	v7 =	vor.u32 $0x1, v5;
	v8 =	vor.u32 $0x2, v5  }
0x26a: {  	v9 =	vor.u32 $0x4, v5;
	[tilespmem:s21+$0x130] =	vst v11;
	v11 =	vmov s22;
	v42 =	vmov s23  }
0x26b: {  	[tilespmem:s21+$0xD0] =	vst v17;
	v13 =	vshrl.u32 v13, $0x3;
	v21 =	vmul.f32 v23, v4;
	v17 =	vmul.f32 v22, v4  }
0x26c: {  	s5 =	simm.s32 $0x0;
	[tilespmem:s21+$0x110] =	vst v20;
	v6 =	vld [tilespmem:s21+$0x1E0];
	s22 =	simm.s32 $0x7;
	v22 =	vmul.f32 v24, v3;
	v14 =	vmul.f32 v10, v3;
	v10 =	vor.u32 $0x3, v5  }
0x26d: {  	[tilespmem:s21+$0x140] =	vst v25;
	v24 =	vmov s5;
	v4 =	vor.u32 $0x6, v5;
	v25 =	vmov s22  }
0x26e: {  	s5 =	simm.s32 $0x2;
	s22 =	simm.s32 $0xA;
	[tilespmem:s21+$0x180] =	vst v15;
	v11 =	vshrl.u32 v11, $0x3;
	v15 =	vshrl.u32 v27, $0x3;
	v13 =	vshll.u32 v13, v2  }
0x26f: {  	[tilespmem:s21+$0x150] =	vst v16;
	v20 =	vshrl.u32 v24, $0x3;
	v24 =	vmov s5;
	v16 =	vmov s22  }
0x270: {  	[tilespmem:s21+$0x190] =	vst v12;
	v12 =	vshrl.u32 v25, $0x3;
	v25 =	vshrl.u32 v29, $0x3;
	v11 =	vshll.u32 v11, v2  }
0x271: {  	s5 =	simm.s32 $0x6;
	v13 =	vadd.s32 v13, v7;
	v15 =	vshll.u32 v15, v2;
	v23 =	vmul.f32 v6, v3  }
0x272: {  	[tilespmem:s21+$0x160] =	vst v19;
	s22 =	simm.s32 $0xD;
	v6 =	vor.u32 $0x5, v5;
	v3 =	vor.u32 $0x7, v5;
	v28 =	vmov s5  }
0x273: {  	[tilespmem:s21+$0x170] =	vst v18;
	v19 =	vmov s22;
	v20 =	vshll.u32 v20, v2;
	v18 =	vshrl.u32 v24, $0x3  }
0x274: {  	s5 =	simm.s32 $0x9;
	v24 =	vshrl.u32 v26, $0x3;
	[tilespmem:s21+$0x1A0] =	vst v21;
	v16 =	vshrl.u32 v16, $0x3;
	v21 =	vshrl.u32 v31, $0x3  }
0x275: {  	[tilespmem:s21+$0x1B0] =	vst v17;
	v13 =	vbroadcast v13, $0x0;
	v12 =	vshll.u32 v12, v2;
	v30 =	vmov s5;
	s5 =	simm.s32 $0xC  }
0x276: {  	[tilespmem:s21+$0x1C0] =	vst v22;
	v17 =	vshrl.u32 v19, $0x3;
	v19 =	vadd.s32 v5, v20;
	v41 =	vmov s5;
	s5 =	sshll.u32 s18, $0xA  }
0x277: {  	[tilespmem:s21+$0x1D0] =	vst v14;
	v11 =	vadd.s32 v11, v9;
	v18 =	vshll.u32 v18, v2;
	v14 =	vbroadcast v19, $0x0;
	s20 =	sshrl.u32 s5, $0x2  }
0x278: {  	v26 =	vshrl.u32 v28, $0x3;
	v22 =	vshll.u32 v24, v2;
	[tilespmem:s21+$0x1E0] =	vst v23;
	v18 =	vadd.s32 v18, v8;
	s22 =	sadd.s32 $0x4F00, s20  }
0x279: {  	v20 =	vshrl.u32 v42, $0x3;
	v22 =	vadd.s32 v22, v10;
	v18 =	vbroadcast v18, $0x0;
	[spmem:s4] =	stream.indirect.scatter.add.f32 [tilespmem:s29], [sflag:$0x3], $0x40, s22, s30, $0xb8;
	[tilespmem:$0x1D280] =	vst v63  }
0x27a: {  	v11 =	vbroadcast v11, $0x0;
	v15 =	vadd.s32 v15, v6;
	v22 =	vbroadcast v22, $0x0;
	_ =	swait.ge [sflag:s10], $0x2000  }
0x27b: {  	v16 =	vshll.u32 v16, v2;
	v12 =	vadd.s32 v12, v3;
	v19 =	vshll.u32 v26, v2;
	[sflag:s10] =	ssyncset.done $0x0  }
0x27c: {  	v27 =	vshrl.u32 v30, $0x3;
	v15 =	vbroadcast v15, $0x0;
	v19 =	vadd.s32 v19, v4;
	[sflag:s10] =	ssyncadd.s32 $0xFFFFE000  }
0x27d: {  	v23 =	vshll.u32 v25, v2;
	v12 =	vbroadcast v12, $0x0;
	v25 =	vld.idx.msk [tilespmem:v14+s31+$0x0], $0xffff;
	v14 =	vbroadcast v19, $0x0  }
0x27e: {  	v16 =	vadd.s32 v16, v8;
	v24 =	vshll.u32 v27, v2;
	v19 =	vshll.u32 v21, v2;
	v21 =	vld.idx.msk [tilespmem:v13+s31+$0x0], $0xffff  }
0x27f: {  	v28 =	vshrl.u32 v41, $0x3;
	v13 =	vadd.s32 v5, v23;
	v26 =	vld.idx.msk [tilespmem:v18+s31+$0x0], $0xffff;
	v18 =	vadd.s32 v24, v7  }
0x280: {  	v23 =	vshll.u32 v28, v2;
	v22 =	vld.idx.msk [tilespmem:v22+s31+$0x0], $0xffff;
	v13 =	vbroadcast v13, $0x0;
	v24 =	vbroadcast v18, $0x0  }
0x281: {  	v18 =	vshll.u32 v20, v2;
	v20 =	vld.idx.msk [tilespmem:v11+s31+$0x0], $0xffff;
	v11 =	vbroadcast v16, $0x0;
	v16 =	vadd.s32 v19, v10  }
0x282: {  	s23 =	simm.s32 $0xF;
	v17 =	vshll.u32 v17, v2;
	v27 =	vld.idx.msk [tilespmem:v15+s31+$0x0], $0xffff;
	v15 =	vbroadcast v16, $0x0;
	v16 =	vadd.s32 v23, v9  }
0x283: {  	v19 =	vmov s23;
	v23 =	vld.idx.msk [tilespmem:v14+s31+$0x0], $0xffff;
	v14 =	vbroadcast v16, $0x0;
	v16 =	vadd.s32 v17, v6  }
0x284: {  	s21 =	simm.s32 $0x10F00;
	v17 =	vshrl.u32 v19, $0x3;
	v19 =	vld.idx.msk [tilespmem:v12+s31+$0x0], $0xffff;
	v12 =	vbroadcast v16, $0x0;
	v16 =	vadd.s32 v18, v4  }
0x285: {  	v29 =	vld [tilespmem:s21+$0xFFFFFE10];
	v17 =	vshll.u32 v17, v2;
	v28 =	vbroadcast v16, $0x0  }
0x286: {  	v18 =	vld.idx.msk [tilespmem:v13+s31+$0x0], $0xffff;
	v13 =	vadd.s32 v17, v3  }
0x287: {  	v17 =	vld.idx.msk [tilespmem:v24+s31+$0x0], $0xffff;
	v24 =	vbroadcast v13, $0x0  }
0x288: {  	v30 =	vld [tilespmem:s21+$0xFFFFFE20]  }
0x289: {  	v16 =	vld.idx.msk [tilespmem:v11+s31+$0x0], $0xffff  }
0x28a: {  	v13 =	vld.idx.msk [tilespmem:v12+s31+$0x0], $0xffff  }
0x28b: {  	v12 =	vld.idx.msk [tilespmem:v28+s31+$0x0], $0xffff  }
0x28c: {  	v28 =	vld [tilespmem:s21+$0xFFFFFE00]  }
0x28d: {  	v11 =	vld.idx.msk [tilespmem:v24+s31+$0x0], $0xffff  }
0x28e: {  	v24 =	vld [tilespmem:s21+$0x1F0]  }
0x28f: {  	v31 =	vld [tilespmem:s21+$0xFFFFFE30]  }
0x290: {  	v43 =	vld [tilespmem:s21+$0xFFFFFE40]  }
0x291: {  	v44 =	vld [tilespmem:s21+$0xFFFFFE50];
	v29 =	vmul.f32 v29, v25  }
0x292: {  	v45 =	vld [tilespmem:s21+$0xFFFFFE60];
	v28 =	vmul.f32 v28, v25  }
0x293: {  	v46 =	vld [tilespmem:s21+$0xFFFFFEB0];
	[tilespmem:s21+$0xFFFFFE10] =	vst v29;
	v24 =	vmul.f32 v24, v11  }
0x294: {  	v29 =	vld [tilespmem:s21+$0xFFFFFE80];
	[tilespmem:s21+$0xFFFFFE00] =	vst v28  }
0x295: {  	v28 =	vld [tilespmem:s21+$0xFFFFFE70];
	[tilespmem:s21+$0x1F0] =	vst v24;
	v24 =	vmul.f32 v30, v25  }
0x296: {  	v15 =	vld.idx.msk [tilespmem:v15+s31+$0x0], $0xffff;
	v25 =	vmul.f32 v31, v25  }
0x297: {  	v30 =	vld [tilespmem:s21+$0xFFFFFE90];
	[tilespmem:s21+$0xFFFFFE20] =	vst v24;
	v24 =	vmul.f32 v43, v21  }
0x298: {  	v31 =	vld [tilespmem:s21+$0xFFFFFEA0];
	[tilespmem:s21+$0xFFFFFE30] =	vst v25;
	v25 =	vmul.f32 v44, v21  }
0x299: {  	v14 =	vld.idx.msk [tilespmem:v14+s31+$0x0], $0xffff;
	[tilespmem:s21+$0xFFFFFE40] =	vst v24;
	v24 =	vmul.f32 v45, v21  }
0x29a: {  	[tilespmem:s21+$0xFFFFFE50] =	vst v25;
	v21 =	vmul.f32 v28, v21;
	v25 =	vld [tilespmem:s21+$0xFFFFFEC0]  }
0x29b: {  	v28 =	vld [tilespmem:s21+$0xFFFFFED0];
	[tilespmem:s21+$0xFFFFFE60] =	vst v24;
	v24 =	vmul.f32 v29, v26  }
0x29c: {  	[tilespmem:s21+$0xFFFFFE70] =	vst v21;
	v21 =	vmul.f32 v30, v26;
	v29 =	vld [tilespmem:s21+$0xFFFFFEE0]  }
0x29d: {  	v30 =	vld [tilespmem:s21+$0xFFFFFEF0];
	[tilespmem:s21+$0xFFFFFE80] =	vst v24;
	v24 =	vmul.f32 v31, v26  }
0x29e: {  	[tilespmem:s21+$0xFFFFFE90] =	vst v21;
	v21 =	vmul.f32 v46, v26;
	v26 =	vld [tilespmem:s21+$0xFFFFFF00]  }
0x29f: {  	[tilespmem:s21+$0xFFFFFEA0] =	vst v24;
	v24 =	vmul.f32 v25, v22;
	v25 =	vld [tilespmem:s21+$0xFFFFFF10]  }
0x2a0: {  	[tilespmem:s21+$0xFFFFFEB0] =	vst v21;
	v21 =	vmul.f32 v28, v22;
	v28 =	vld [tilespmem:s21+$0xFFFFFF20]  }
0x2a1: {  	[tilespmem:s21+$0xFFFFFEC0] =	vst v24;
	v24 =	vmul.f32 v29, v22;
	v29 =	vld [tilespmem:s21+$0xFFFFFF30]  }
0x2a2: {  	[tilespmem:s21+$0xFFFFFED0] =	vst v21;
	v21 =	vmul.f32 v30, v22;
	v22 =	vld [tilespmem:s21+$0xFFFFFF40]  }
0x2a3: {  	[tilespmem:s21+$0xFFFFFEE0] =	vst v24;
	v24 =	vmul.f32 v26, v20;
	v26 =	vld [tilespmem:s21+$0xFFFFFF50]  }
0x2a4: {  	[tilespmem:s21+$0xFFFFFEF0] =	vst v21;
	v21 =	vmul.f32 v25, v20;
	v25 =	vld [tilespmem:s21+$0xFFFFFF60]  }
0x2a5: {  	[tilespmem:s21+$0xFFFFFF00] =	vst v24;
	v24 =	vmul.f32 v28, v20;
	v28 =	vld [tilespmem:s21+$0xFFFFFF70]  }
0x2a6: {  	[tilespmem:s21+$0xFFFFFF10] =	vst v21;
	v20 =	vmul.f32 v29, v20;
	v21 =	vld [tilespmem:s21+$0xFFFFFF80]  }
0x2a7: {  	v22 =	vmul.f32 v22, v27;
	[tilespmem:s21+$0xFFFFFF20] =	vst v24;
	v24 =	vld [tilespmem:s21+$0xFFFFFF90]  }
0x2a8: {  	[tilespmem:s21+$0xFFFFFF30] =	vst v20;
	v20 =	vmul.f32 v26, v27;
	v26 =	vld [tilespmem:s21+$0xFFFFFFA0]  }
0x2a9: {  	[tilespmem:s21+$0xFFFFFF40] =	vst v22;
	v22 =	vmul.f32 v25, v27;
	v25 =	vld [tilespmem:s21+$0xFFFFFFB0]  }
0x2aa: {  	[tilespmem:s21+$0xFFFFFF50] =	vst v20;
	v20 =	vmul.f32 v28, v27;
	v27 =	vld [tilespmem:s21+$0xFFFFFFC0]  }
0x2ab: {  	[tilespmem:s21+$0xFFFFFF60] =	vst v22;
	v21 =	vmul.f32 v21, v23;
	v22 =	vld [tilespmem:s21+$0xFFFFFFD0]  }
0x2ac: {  	[tilespmem:s21+$0xFFFFFF70] =	vst v20;
	v20 =	vmul.f32 v24, v23;
	v24 =	vld [tilespmem:s21+$0xFFFFFFE0]  }
0x2ad: {  	[tilespmem:s21+$0xFFFFFF80] =	vst v21;
	v21 =	vmul.f32 v26, v23;
	v26 =	vld [tilespmem:s21+$0xFFFFFFF0]  }
0x2ae: {  	s23 =	simm.s32 $0x11;
	[tilespmem:s21+$0xFFFFFF90] =	vst v20;
	v20 =	vmul.f32 v25, v23;
	v23 =	vld [tilespmem:s21+$0x0]  }
0x2af: {  	v28 =	vmov s23;
	s23 =	simm.s32 $0x13;
	[tilespmem:s21+$0xFFFFFFA0] =	vst v21;
	v21 =	vmul.f32 v27, v19;
	v27 =	vld [tilespmem:s21+$0x10]  }
0x2b0: {  	v30 =	vmov s23;
	[tilespmem:s21+$0xFFFFFFB0] =	vst v20;
	v20 =	vmul.f32 v22, v19;
	v22 =	vld [tilespmem:s21+$0x20]  }
0x2b1: {  	s5 =	simm.s32 $0x10;
	v28 =	vshrl.u32 v28, $0x3;
	v30 =	vshrl.u32 v30, $0x3;
	[tilespmem:s21+$0xFFFFFFC0] =	vst v21;
	v21 =	vmul.f32 v24, v19;
	v24 =	vld [tilespmem:s21+$0x30]  }
0x2b2: {  	v28 =	vshll.u32 v28, v2;
	v25 =	vmov s5;
	s5 =	simm.s32 $0x12;
	[tilespmem:s21+$0xFFFFFFD0] =	vst v20;
	v19 =	vmul.f32 v26, v19;
	v20 =	vld [tilespmem:s21+$0x40]  }
0x2b3: {  	v30 =	vshll.u32 v30, v2;
	v29 =	vmov s5;
	s5 =	simm.s32 $0x14;
	[tilespmem:s21+$0xFFFFFFE0] =	vst v21;
	v21 =	vmul.f32 v23, v18;
	v23 =	vld [tilespmem:s21+$0x50]  }
0x2b4: {  	v25 =	vshrl.u32 v25, $0x3;
	v31 =	vmov s5;
	[tilespmem:s21+$0xFFFFFFF0] =	vst v19;
	v19 =	vmul.f32 v27, v18;
	v27 =	vld [tilespmem:s21+$0x60]  }
0x2b5: {  	s5 =	simm.s32 $0x16;
	v25 =	vshll.u32 v25, v2;
	v29 =	vshrl.u32 v29, $0x3;
	[tilespmem:s21+$0x0] =	vst v21;
	v21 =	vmul.f32 v22, v18;
	v22 =	vld [tilespmem:s21+$0x70]  }
0x2b6: {  	v47 =	vmov s5;
	v31 =	vshrl.u32 v31, $0x3;
	[tilespmem:s21+$0x10] =	vst v19;
	v18 =	vmul.f32 v24, v18;
	v19 =	vld [tilespmem:s21+$0x80]  }
0x2b7: {  	s23 =	simm.s32 $0x15;
	s5 =	simm.s32 $0x18;
	v25 =	vadd.s32 v5, v25;
	v29 =	vshll.u32 v29, v2;
	[tilespmem:s21+$0x20] =	vst v21;
	v20 =	vmul.f32 v20, v17;
	v21 =	vld [tilespmem:s21+$0x90]  }
0x2b8: {  	v26 =	vmov s23;
	s23 =	simm.s32 $0x17;
	v49 =	vmov s5;
	[tilespmem:s21+$0x30] =	vst v18;
	v18 =	vmul.f32 v23, v17;
	v23 =	vld [tilespmem:s21+$0xA0]  }
0x2b9: {  	s5 =	simm.s32 $0x1A;
	v31 =	vshll.u32 v31, v2;
	v48 =	vmov s23;
	[tilespmem:s21+$0x40] =	vst v20;
	v20 =	vmul.f32 v27, v17;
	v27 =	vld [tilespmem:s21+$0xB0]  }
0x2ba: {  	s23 =	simm.s32 $0x19;
	v51 =	vmov s5;
	v26 =	vshrl.u32 v26, $0x3;
	[tilespmem:s21+$0x50] =	vst v18;
	v17 =	vmul.f32 v22, v17;
	v18 =	vld [tilespmem:s21+$0xC0]  }
0x2bb: {  	s5 =	simm.s32 $0x1C;
	v56 =	vshrl.u32 v49, $0x3;
	v50 =	vmov s23;
	[tilespmem:s21+$0x60] =	vst v20;
	v19 =	vmul.f32 v19, v16;
	v20 =	vld [tilespmem:s21+$0xD0]  }
0x2bc: {  	v53 =	vmov s5;
	v55 =	vshrl.u32 v48, $0x3;
	[tilespmem:s21+$0x70] =	vst v17;
	v17 =	vmul.f32 v21, v16;
	v21 =	vld [tilespmem:s21+$0xE0]  }
0x2bd: {  	s23 =	simm.s32 $0x1B;
	v58 =	vshrl.u32 v51, $0x3;
	v26 =	vshll.u32 v26, v2;
	[tilespmem:s21+$0x80] =	vst v19;
	v19 =	vmul.f32 v23, v16;
	v23 =	vld [tilespmem:s21+$0xF0]  }
0x2be: {  	s5 =	simm.s32 $0x1E;
	v33 =	vshll.u32 v56, v2;
	v52 =	vmov s23;
	[tilespmem:s21+$0x90] =	vst v17;
	v16 =	vmul.f32 v27, v16;
	v17 =	vld [tilespmem:s21+$0x100]  }
0x2bf: {  	v54 =	vmov s5;
	v57 =	vshrl.u32 v50, $0x3;
	[tilespmem:s21+$0xA0] =	vst v19;
	v18 =	vmul.f32 v18, v15;
	v19 =	vld [tilespmem:s21+$0x110]  }
0x2c0: {  	s23 =	simm.s32 $0x1D;
	v60 =	vshrl.u32 v53, $0x3;
	v32 =	vshll.u32 v55, v2;
	[tilespmem:s21+$0xB0] =	vst v16;
	v16 =	vmul.f32 v20, v15;
	v20 =	vld [tilespmem:s21+$0x120]  }
0x2c1: {  	v35 =	vshll.u32 v58, v2;
	v24 =	vmov s23;
	[tilespmem:s21+$0xC0] =	vst v18;
	v18 =	vmul.f32 v21, v15;
	v21 =	vld [tilespmem:s21+$0x130]  }
0x2c2: {  	v59 =	vshrl.u32 v52, $0x3;
	v34 =	vshll.u32 v57, v2;
	[tilespmem:s21+$0xD0] =	vst v16;
	v15 =	vmul.f32 v23, v15;
	v23 =	vld [tilespmem:s21+$0x140]  }
0x2c3: {  	v24 =	vshrl.u32 v24, $0x3;
	v36 =	vshll.u32 v59, v2;
	[tilespmem:s21+$0xE0] =	vst v18;
	v16 =	vmul.f32 v17, v14;
	v17 =	vld [tilespmem:s21+$0x150]  }
0x2c4: {  	v61 =	vld [tilespmem:s21+$0x160];
	v22 =	vshrl.u32 v47, $0x3;
	v27 =	vshrl.u32 v54, $0x3;
	[tilespmem:s21+$0xF0] =	vst v15;
	v19 =	vmul.f32 v19, v14  }
0x2c5: {  	v62 =	vld [tilespmem:s21+$0x170];
	v15 =	vshll.u32 v27, v2;
	[tilespmem:s21+$0x100] =	vst v16;
	v20 =	vmul.f32 v20, v14;
	v16 =	vshll.u32 v24, v2  }
0x2c6: {  	v24 =	vadd.s32 v28, v7;
	[tilespmem:s21+$0x110] =	vst v19;
	v14 =	vmul.f32 v21, v14;
	v19 =	vld [tilespmem:s21+$0x180];
	v21 =	vbroadcast v25, $0x0  }
0x2c7: {  	v25 =	vbroadcast v24, $0x0;
	v24 =	vadd.s32 v29, v8;
	[tilespmem:s21+$0x120] =	vst v20;
	v20 =	vmul.f32 v23, v13;
	v23 =	vld [tilespmem:s21+$0x190]  }
0x2c8: {  	v27 =	vbroadcast v24, $0x0;
	v24 =	vadd.s32 v30, v10;
	v30 =	vld [tilespmem:s21+$0x1C0];
	[tilespmem:s21+$0x130] =	vst v14;
	v14 =	vmul.f32 v17, v13  }
0x2c9: {  	v22 =	vshll.u32 v22, v2;
	v18 =	vshll.u32 v60, v2;
	v28 =	vld [tilespmem:s21+$0x1B0];
	[tilespmem:s21+$0x140] =	vst v20;
	v20 =	vmul.f32 v61, v13  }
0x2ca: {  	v17 =	vld [tilespmem:s21+$0x1A0];
	v29 =	vbroadcast v24, $0x0;
	v24 =	vadd.s32 v31, v9;
	[tilespmem:s21+$0x150] =	vst v14;
	v14 =	vmul.f32 v62, v13  }
0x2cb: {  	v31 =	vbroadcast v24, $0x0;
	v13 =	vadd.s32 v26, v6;
	v26 =	vld [tilespmem:s21+$0x1D0];
	[tilespmem:s21+$0x160] =	vst v20;
	v19 =	vmul.f32 v19, v12  }
0x2cc: {  	v63 =	vld [tilespmem:s21+$0x1E0];
	v13 =	vbroadcast v13, $0x0;
	v20 =	vadd.s32 v22, v4;
	[tilespmem:s21+$0x170] =	vst v14;
	v23 =	vmul.f32 v23, v12  }
0x2cd: {  	v24 =	vld.idx.msk [tilespmem:v21+s31+$0x0], $0xffff;
	v14 =	vbroadcast v20, $0x0;
	v20 =	vadd.s32 v32, v3;
	v30 =	vmul.f32 v30, v11;
	[tilespmem:s21+$0x180] =	vst v19  }
0x2ce: {  	v22 =	vld.idx.msk [tilespmem:v25+s31+$0x0], $0xffff;
	v21 =	vbroadcast v20, $0x0;
	v19 =	vadd.s32 v5, v33;
	[tilespmem:s21+$0x190] =	vst v23;
	v23 =	vmul.f32 v28, v12  }
0x2cf: {  	v25 =	vadd.s32 v34, v7;
	v17 =	vmul.f32 v17, v12;
	v20 =	vld.idx.msk [tilespmem:v27+s31+$0x0], $0xffff;
	v12 =	vbroadcast v19, $0x0;
	[tilespmem:s21+$0x1C0] =	vst v30  }
0x2d0: {  	v27 =	vbroadcast v25, $0x0;
	v25 =	vadd.s32 v35, v8;
	v19 =	vld.idx.msk [tilespmem:v29+s31+$0x0], $0xffff;
	[tilespmem:s21+$0x1B0] =	vst v23;
	v23 =	vmul.f32 v26, v11  }
0x2d1: {  	s22 =	simm.s32 $0x20;
	s23 =	simm.s32 $0x1F;
	v28 =	vbroadcast v25, $0x0;
	v25 =	vadd.s32 v36, v10;
	[tilespmem:s21+$0x1A0] =	vst v17;
	v17 =	vld.idx.msk [tilespmem:v31+s31+$0x0], $0xffff;
	v11 =	vmul.f32 v63, v11  }
.LBB2_12:
0x2d2: {  	p0 =	slt.u32 s22, $0x70;
	v26 =	vld.idx.msk [tilespmem:v13+s31+$0x0], $0xffff;
	v13 =	vbroadcast v25, $0x0;
	v18 =	vadd.s32 v18, v9;
	v29 =	vmov s23;
	[tilespmem:s21+$0x1D0] =	vst v23  }
0x2d3: {  	v16 =	vadd.s32 v16, v6;
	v25 =	vld.idx.msk [tilespmem:v14+s31+$0x0], $0xffff;
	v14 =	vbroadcast v18, $0x0;
	v18 =	vshrl.u32 v29, $0x3;
	[tilespmem:s21+$0x1E0] =	vst v11  }
0x2d4: {  	v15 =	vadd.s32 v15, v4;
	v11 =	vbroadcast v16, $0x0;
	v23 =	vld.idx.msk [tilespmem:v21+s31+$0x0], $0xffff;
	v16 =	vshll.u32 v18, v2  }
0x2d5: {  	v21 =	vld.idx.msk [tilespmem:v12+s31+$0x0], $0xffff;
	v12 =	vbroadcast v15, $0x0;
	v15 =	vadd.s32 v16, v3  }
0x2d6: {  	v18 =	vld.idx.msk [tilespmem:v27+s31+$0x0], $0xffff;
	v27 =	vbroadcast v15, $0x0  }
0x2d7: {  	v16 =	vld.idx.msk [tilespmem:v28+s31+$0x0], $0xffff  }
0x2d8: {  	v15 =	vld.idx.msk [tilespmem:v13+s31+$0x0], $0xffff  }
0x2d9: {  	v14 =	vld.idx.msk [tilespmem:v14+s31+$0x0], $0xffff  }
0x2da: {  	v13 =	vld.idx.msk [tilespmem:v11+s31+$0x0], $0xffff  }
0x2db: {  	v12 =	vld.idx.msk [tilespmem:v12+s31+$0x0], $0xffff  }
0x2dc: {  	s21 =	sadd.s32 $0x400, s21;
	v11 =	vld.idx.msk [tilespmem:v27+s31+$0x0], $0xffff  }
0x2dd: {  	v27 =	vld [tilespmem:s21+$0x1F0]  }
0x2de: {  	v28 =	vld [tilespmem:s21+$0xFFFFFE00]  }
0x2df: {  	v29 =	vld [tilespmem:s21+$0xFFFFFE10]  }
0x2e0: {  	v30 =	vld [tilespmem:s21+$0xFFFFFE20]  }
0x2e1: {  	v31 =	vld [tilespmem:s21+$0xFFFFFE30]  }
0x2e2: {  	v32 =	vld [tilespmem:s21+$0xFFFFFE40];
	v27 =	vmul.f32 v27, v11  }
0x2e3: {  	v28 =	vmul.f32 v28, v24;
	v33 =	vld [tilespmem:s21+$0xFFFFFE50]  }
0x2e4: {  	v29 =	vmul.f32 v29, v24;
	v34 =	vld [tilespmem:s21+$0xFFFFFE60];
	[tilespmem:s21+$0x1F0] =	vst v27  }
0x2e5: {  	[tilespmem:s21+$0xFFFFFE00] =	vst v28;
	v27 =	vmul.f32 v30, v24;
	v28 =	vld [tilespmem:s21+$0xFFFFFE70]  }
0x2e6: {  	[tilespmem:s21+$0xFFFFFE10] =	vst v29;
	v24 =	vmul.f32 v31, v24;
	v29 =	vld [tilespmem:s21+$0xFFFFFE80]  }
0x2e7: {  	[tilespmem:s21+$0xFFFFFE20] =	vst v27;
	v27 =	vmul.f32 v32, v22;
	v30 =	vld [tilespmem:s21+$0xFFFFFE90]  }
0x2e8: {  	[tilespmem:s21+$0xFFFFFE30] =	vst v24;
	v24 =	vmul.f32 v33, v22;
	v31 =	vld [tilespmem:s21+$0xFFFFFEA0]  }
0x2e9: {  	[tilespmem:s21+$0xFFFFFE40] =	vst v27;
	v27 =	vmul.f32 v34, v22;
	v32 =	vld [tilespmem:s21+$0xFFFFFEB0]  }
0x2ea: {  	[tilespmem:s21+$0xFFFFFE50] =	vst v24;
	v22 =	vmul.f32 v28, v22;
	v24 =	vld [tilespmem:s21+$0xFFFFFEC0]  }
0x2eb: {  	[tilespmem:s21+$0xFFFFFE60] =	vst v27;
	v27 =	vmul.f32 v29, v20;
	v28 =	vld [tilespmem:s21+$0xFFFFFED0]  }
0x2ec: {  	[tilespmem:s21+$0xFFFFFE70] =	vst v22;
	v22 =	vmul.f32 v30, v20;
	v29 =	vld [tilespmem:s21+$0xFFFFFEE0]  }
0x2ed: {  	[tilespmem:s21+$0xFFFFFE80] =	vst v27;
	v27 =	vmul.f32 v31, v20;
	v30 =	vld [tilespmem:s21+$0xFFFFFEF0]  }
0x2ee: {  	[tilespmem:s21+$0xFFFFFE90] =	vst v22;
	v20 =	vmul.f32 v32, v20;
	v22 =	vld [tilespmem:s21+$0xFFFFFF00]  }
0x2ef: {  	[tilespmem:s21+$0xFFFFFEA0] =	vst v27;
	v24 =	vmul.f32 v24, v19;
	v27 =	vld [tilespmem:s21+$0xFFFFFF10]  }
0x2f0: {  	[tilespmem:s21+$0xFFFFFEB0] =	vst v20;
	v20 =	vmul.f32 v28, v19;
	v28 =	vld [tilespmem:s21+$0xFFFFFF20]  }
0x2f1: {  	[tilespmem:s21+$0xFFFFFEC0] =	vst v24;
	v24 =	vmul.f32 v29, v19;
	v29 =	vld [tilespmem:s21+$0xFFFFFF30]  }
0x2f2: {  	[tilespmem:s21+$0xFFFFFED0] =	vst v20;
	v19 =	vmul.f32 v30, v19;
	v20 =	vld [tilespmem:s21+$0xFFFFFF40]  }
0x2f3: {  	[tilespmem:s21+$0xFFFFFEE0] =	vst v24;
	v22 =	vmul.f32 v22, v17;
	v24 =	vld [tilespmem:s21+$0xFFFFFF50]  }
0x2f4: {  	[tilespmem:s21+$0xFFFFFEF0] =	vst v19;
	v19 =	vmul.f32 v27, v17;
	v27 =	vld [tilespmem:s21+$0xFFFFFF60]  }
0x2f5: {  	[tilespmem:s21+$0xFFFFFF00] =	vst v22;
	v22 =	vmul.f32 v28, v17;
	v28 =	vld [tilespmem:s21+$0xFFFFFF70]  }
0x2f6: {  	[tilespmem:s21+$0xFFFFFF10] =	vst v19;
	v17 =	vmul.f32 v29, v17;
	v19 =	vld [tilespmem:s21+$0xFFFFFF80]  }
0x2f7: {  	[tilespmem:s21+$0xFFFFFF20] =	vst v22;
	v20 =	vmul.f32 v20, v26;
	v22 =	vld [tilespmem:s21+$0xFFFFFF90]  }
0x2f8: {  	[tilespmem:s21+$0xFFFFFF30] =	vst v17;
	v17 =	vmul.f32 v24, v26;
	v24 =	vld [tilespmem:s21+$0xFFFFFFA0]  }
0x2f9: {  	[tilespmem:s21+$0xFFFFFF40] =	vst v20;
	v20 =	vmul.f32 v27, v26;
	v27 =	vld [tilespmem:s21+$0xFFFFFFB0]  }
0x2fa: {  	[tilespmem:s21+$0xFFFFFF50] =	vst v17;
	v17 =	vmul.f32 v28, v26;
	v26 =	vld [tilespmem:s21+$0xFFFFFFC0]  }
0x2fb: {  	[tilespmem:s21+$0xFFFFFF60] =	vst v20;
	v19 =	vmul.f32 v19, v25;
	v20 =	vld [tilespmem:s21+$0xFFFFFFD0]  }
0x2fc: {  	[tilespmem:s21+$0xFFFFFF70] =	vst v17;
	v17 =	vmul.f32 v22, v25;
	v22 =	vld [tilespmem:s21+$0xFFFFFFE0]  }
0x2fd: {  	[tilespmem:s21+$0xFFFFFF80] =	vst v19;
	v19 =	vmul.f32 v24, v25;
	v24 =	vld [tilespmem:s21+$0xFFFFFFF0]  }
0x2fe: {  	[tilespmem:s21+$0xFFFFFF90] =	vst v17;
	v17 =	vmul.f32 v27, v25;
	v25 =	vld [tilespmem:s21+$0x0]  }
0x2ff: {  	v27 =	vmov s22;
	[tilespmem:s21+$0xFFFFFFA0] =	vst v19;
	v19 =	vmul.f32 v26, v23;
	v26 =	vld [tilespmem:s21+$0x10]  }
0x300: {  	s23 =	sadd.s32 $0x1, s22;
	s5 =	sadd.s32 $0x2, s22;
	v27 =	vshrl.u32 v27, $0x3;
	[tilespmem:s21+$0xFFFFFFB0] =	vst v17;
	v17 =	vmul.f32 v20, v23;
	v20 =	vld [tilespmem:s21+$0x20]  }
0x301: {  	v29 =	vmov s5;
	s5 =	sadd.s32 $0x3, s22;
	v28 =	vmov s23;
	s23 =	sadd.s32 $0x4, s22;
	[tilespmem:s21+$0xFFFFFFC0] =	vst v19;
	v19 =	vmul.f32 v22, v23;
	v22 =	vld [tilespmem:s21+$0x30]  }
0x302: {  	v30 =	vmov s5;
	s5 =	sadd.s32 $0x5, s22;
	v31 =	vmov s23;
	s23 =	sadd.s32 $0x6, s22;
	[tilespmem:s21+$0xFFFFFFD0] =	vst v17;
	v17 =	vmul.f32 v24, v23;
	v23 =	vld [tilespmem:s21+$0x40]  }
0x303: {  	v32 =	vmov s23;
	s23 =	sadd.s32 $0x8, s22;
	v24 =	vmov s5;
	s5 =	sadd.s32 $0x7, s22;
	[tilespmem:s21+$0xFFFFFFE0] =	vst v19;
	v19 =	vmul.f32 v25, v21;
	v25 =	vld [tilespmem:s21+$0x50]  }
0x304: {  	v34 =	vmov s23;
	s23 =	sadd.s32 $0xA, s22;
	v33 =	vmov s5;
	s5 =	sadd.s32 $0x9, s22;
	[tilespmem:s21+$0xFFFFFFF0] =	vst v17;
	v17 =	vmul.f32 v26, v21;
	v26 =	vld [tilespmem:s21+$0x60]  }
0x305: {  	v36 =	vmov s23;
	s23 =	sadd.s32 $0xC, s22;
	v35 =	vmov s5;
	s5 =	sadd.s32 $0xB, s22;
	[tilespmem:s21+$0x0] =	vst v19;
	v19 =	vmul.f32 v20, v21;
	v20 =	vld [tilespmem:s21+$0x70]  }
0x306: {  	v38 =	vmov s23;
	s23 =	sadd.s32 $0xE, s22;
	v37 =	vmov s5;
	s5 =	sadd.s32 $0xD, s22;
	[tilespmem:s21+$0x10] =	vst v17;
	v17 =	vmul.f32 v22, v21;
	v21 =	vld [tilespmem:s21+$0x80]  }
0x307: {  	v39 =	vmov s23;
	v22 =	vmov s5;
	[tilespmem:s21+$0x20] =	vst v19;
	v19 =	vmul.f32 v23, v18;
	v23 =	vld [tilespmem:s21+$0x90]  }
0x308: {  	v28 =	vshrl.u32 v28, $0x3;
	v27 =	vshll.u32 v27, v2;
	[tilespmem:s21+$0x30] =	vst v17;
	v17 =	vmul.f32 v25, v18;
	v25 =	vld [tilespmem:s21+$0xA0]  }
0x309: {  	v29 =	vshrl.u32 v29, $0x3;
	v30 =	vshrl.u32 v30, $0x3;
	[tilespmem:s21+$0x40] =	vst v19;
	v19 =	vmul.f32 v26, v18;
	v26 =	vld [tilespmem:s21+$0xB0]  }
0x30a: {  	v31 =	vshrl.u32 v31, $0x3;
	v24 =	vshrl.u32 v24, $0x3;
	[tilespmem:s21+$0x50] =	vst v17;
	v17 =	vmul.f32 v20, v18;
	v18 =	vld [tilespmem:s21+$0xC0]  }
0x30b: {  	v20 =	vshrl.u32 v32, $0x3;
	v32 =	vshrl.u32 v33, $0x3;
	[tilespmem:s21+$0x60] =	vst v19;
	v19 =	vmul.f32 v21, v16;
	v21 =	vld [tilespmem:s21+$0xD0]  }
0x30c: {  	v33 =	vshrl.u32 v34, $0x3;
	v34 =	vshrl.u32 v35, $0x3;
	[tilespmem:s21+$0x70] =	vst v17;
	v17 =	vmul.f32 v23, v16;
	v23 =	vld [tilespmem:s21+$0xE0]  }
0x30d: {  	v35 =	vshrl.u32 v36, $0x3;
	v36 =	vshrl.u32 v37, $0x3;
	[tilespmem:s21+$0x80] =	vst v19;
	v19 =	vmul.f32 v25, v16;
	v25 =	vld [tilespmem:s21+$0xF0]  }
0x30e: {  	v22 =	vshrl.u32 v22, $0x3;
	v37 =	vshrl.u32 v38, $0x3;
	[tilespmem:s21+$0x90] =	vst v17;
	v16 =	vmul.f32 v26, v16;
	v17 =	vld [tilespmem:s21+$0x100]  }
0x30f: {  	v26 =	vadd.s32 v5, v27;
	v27 =	vshrl.u32 v39, $0x3;
	[tilespmem:s21+$0xA0] =	vst v19;
	v18 =	vmul.f32 v18, v15;
	v19 =	vld [tilespmem:s21+$0x110]  }
0x310: {  	v29 =	vshll.u32 v29, v2;
	v28 =	vshll.u32 v28, v2;
	[tilespmem:s21+$0xB0] =	vst v16;
	v16 =	vmul.f32 v21, v15;
	v21 =	vld [tilespmem:s21+$0x120]  }
0x311: {  	v30 =	vshll.u32 v30, v2;
	v31 =	vshll.u32 v31, v2;
	[tilespmem:s21+$0xC0] =	vst v18;
	v18 =	vmul.f32 v23, v15;
	v23 =	vld [tilespmem:s21+$0x130]  }
0x312: {  	v24 =	vshll.u32 v24, v2;
	v20 =	vshll.u32 v20, v2;
	[tilespmem:s21+$0xD0] =	vst v16;
	v15 =	vmul.f32 v25, v15;
	v25 =	vld [tilespmem:s21+$0x140]  }
0x313: {  	v32 =	vshll.u32 v32, v2;
	v33 =	vshll.u32 v33, v2;
	[tilespmem:s21+$0xE0] =	vst v18;
	v16 =	vmul.f32 v17, v14;
	v17 =	vld [tilespmem:s21+$0x150]  }
0x314: {  	v34 =	vshll.u32 v34, v2;
	v35 =	vshll.u32 v35, v2;
	[tilespmem:s21+$0xF0] =	vst v15;
	v19 =	vmul.f32 v19, v14;
	v38 =	vld [tilespmem:s21+$0x160]  }
0x315: {  	v36 =	vshll.u32 v36, v2;
	v18 =	vshll.u32 v37, v2;
	[tilespmem:s21+$0x100] =	vst v16;
	v21 =	vmul.f32 v21, v14;
	v37 =	vld [tilespmem:s21+$0x170]  }
0x316: {  	v15 =	vshll.u32 v27, v2;
	v16 =	vshll.u32 v22, v2;
	[tilespmem:s21+$0x110] =	vst v19;
	v14 =	vmul.f32 v23, v14;
	v19 =	vld [tilespmem:s21+$0x180]  }
0x317: {  	v22 =	vbroadcast v26, $0x0;
	v23 =	vadd.s32 v28, v7;
	[tilespmem:s21+$0x120] =	vst v21;
	v21 =	vmul.f32 v25, v13;
	v25 =	vld [tilespmem:s21+$0x190]  }
0x318: {  	v26 =	vadd.s32 v29, v8;
	v23 =	vbroadcast v23, $0x0;
	[tilespmem:s21+$0x130] =	vst v14;
	v14 =	vmul.f32 v17, v13;
	v17 =	vld [tilespmem:s21+$0x1A0]  }
0x319: {  	v27 =	vadd.s32 v30, v10;
	v26 =	vbroadcast v26, $0x0;
	[tilespmem:s21+$0x140] =	vst v21;
	v21 =	vmul.f32 v38, v13;
	v28 =	vld [tilespmem:s21+$0x1B0]  }
0x31a: {  	v27 =	vbroadcast v27, $0x0;
	v29 =	vadd.s32 v31, v9;
	[tilespmem:s21+$0x150] =	vst v14;
	v14 =	vmul.f32 v37, v13;
	v30 =	vld [tilespmem:s21+$0x1C0]  }
0x31b: {  	v29 =	vbroadcast v29, $0x0;
	v13 =	vadd.s32 v24, v6;
	[tilespmem:s21+$0x160] =	vst v21;
	v19 =	vmul.f32 v19, v12;
	v31 =	vld [tilespmem:s21+$0x1D0]  }
0x31c: {  	v20 =	vadd.s32 v20, v4;
	v13 =	vbroadcast v13, $0x0;
	[tilespmem:s21+$0x170] =	vst v14;
	v25 =	vmul.f32 v25, v12;
	v37 =	vld [tilespmem:s21+$0x1E0]  }
.Ltmp5:
0x31d: {  	v14 =	vbroadcast v20, $0x0;
	v20 =	vadd.s32 v32, v3;
	v24 =	vld.idx.msk [tilespmem:v22+s31+$0x0], $0xffff;
	[tilespmem:s21+$0x180] =	vst v19;
	v17 =	vmul.f32 v17, v12;
	(pc) =	sbr.rel @p0 .LBB2_12-.Ltmp5, $4  }
0x31e: {  	v21 =	vbroadcast v20, $0x0;
	v19 =	vadd.s32 v5, v33;
	v22 =	vld.idx.msk [tilespmem:v23+s31+$0x0], $0xffff;
	[tilespmem:s21+$0x190] =	vst v25;
	v23 =	vmul.f32 v28, v12  }
0x31f: {  	v12 =	vbroadcast v19, $0x0;
	v25 =	vadd.s32 v34, v7;
	v20 =	vld.idx.msk [tilespmem:v26+s31+$0x0], $0xffff;
	[tilespmem:s21+$0x1A0] =	vst v17;
	v26 =	vmul.f32 v30, v11  }
0x320: {  	v19 =	vld.idx.msk [tilespmem:v27+s31+$0x0], $0xffff;
	v27 =	vbroadcast v25, $0x0;
	v25 =	vadd.s32 v35, v8;
	[tilespmem:s21+$0x1B0] =	vst v23;
	v23 =	vmul.f32 v31, v11  }
0x321: {  	s23 =	sadd.s32 $0xF, s22;
	s22 =	sadd.s32 $0x10, s22;
	v17 =	vld.idx.msk [tilespmem:v29+s31+$0x0], $0xffff;
	v28 =	vbroadcast v25, $0x0;
	v25 =	vadd.s32 v36, v10;
	[tilespmem:s21+$0x1C0] =	vst v26;
	v11 =	vmul.f32 v37, v11  }
0x322: {  	_ =	sdelay $0x3  }
0x323: {  	v10 =	vld.idx.msk [tilespmem:v13+s31+$0x0], $0xffff  }
0x324: {  	v13 =	vld.idx.msk [tilespmem:v14+s31+$0x0], $0xffff  }
0x325: {  	v6 =	vadd.s32 v16, v6;
	v16 =	vld.idx.msk [tilespmem:v21+s31+$0x0], $0xffff  }
0x326: {  	v12 =	vld.idx.msk [tilespmem:v12+s31+$0x0], $0xffff  }
0x327: {  	v7 =	vadd.s32 v18, v9;
	v8 =	vmov s23;
	v9 =	vld.idx.msk [tilespmem:v27+s31+$0x0], $0xffff  }
0x328: {  	s22 =	sadd.s32 $0x400, s21;
	v34 =	vshrl.u32 v8, $0x3;
	v8 =	vld.idx.msk [tilespmem:v28+s31+$0x0], $0xffff  }
0x329: {  	v37 =	vld [tilespmem:s22+$0x1F0]  }
0x32a: {  	v38 =	vld [tilespmem:s22+$0xFFFFFE00]  }
0x32b: {  	v39 =	vld [tilespmem:s22+$0xFFFFFE10]  }
0x32c: {  	v40 =	vld [tilespmem:s22+$0xFFFFFE20]  }
0x32d: {  	v41 =	vld [tilespmem:s22+$0xFFFFFE30]  }
0x32e: {  	v42 =	vld [tilespmem:s22+$0xFFFFFE40]  }
0x32f: {  	v44 =	vld [tilespmem:s22+$0xFFFFFE50]  }
0x330: {  	v26 =	vld [tilespmem:s22+$0xFFFFFE60]  }
0x331: {  	v46 =	vld [tilespmem:s22+$0xFFFFFE70]  }
0x332: {  	v48 =	vld [tilespmem:s22+$0xFFFFFE80]  }
0x333: {  	[tilespmem:s21+$0x1D0] =	vst v23;
	v50 =	vld [tilespmem:s22+$0xFFFFFE90];
	v43 =	vmul.f32 v38, v24  }
0x334: {  	[tilespmem:s21+$0x1E0] =	vst v11;
	v51 =	vld [tilespmem:s22+$0xFFFFFEA0];
	v18 =	vmul.f32 v39, v24  }
0x335: {  	v53 =	vld [tilespmem:s22+$0xFFFFFEB0];
	v45 =	vmul.f32 v40, v24;
	[tilespmem:s22+$0xFFFFFE00] =	vst v43  }
0x336: {  	v54 =	vld [tilespmem:s22+$0xFFFFFEC0];
	v47 =	vmul.f32 v41, v24;
	[tilespmem:s22+$0xFFFFFE10] =	vst v18  }
0x337: {  	v56 =	vld [tilespmem:s22+$0xFFFFFED0];
	v49 =	vmul.f32 v42, v22;
	[tilespmem:s22+$0xFFFFFE20] =	vst v45  }
0x338: {  	v4 =	vadd.s32 v15, v4;
	v58 =	vld [tilespmem:s22+$0xFFFFFEE0];
	v15 =	vmul.f32 v44, v22;
	[tilespmem:s22+$0xFFFFFE30] =	vst v47  }
0x339: {  	v60 =	vld [tilespmem:s22+$0xFFFFFEF0];
	v52 =	vmul.f32 v26, v22;
	[tilespmem:s22+$0xFFFFFE40] =	vst v49  }
0x33a: {  	v5 =	vbroadcast v25, $0x0;
	v62 =	vld [tilespmem:s22+$0xFFFFFF00];
	v55 =	vmul.f32 v48, v20;
	[tilespmem:s22+$0xFFFFFE50] =	vst v15  }
0x33b: {  	v30 =	vld [tilespmem:s22+$0xFFFFFF40];
	v57 =	vmul.f32 v50, v20;
	[tilespmem:s22+$0xFFFFFE60] =	vst v52  }
0x33c: {  	v32 =	vld [tilespmem:s22+$0xFFFFFF50];
	v59 =	vmul.f32 v51, v20;
	[tilespmem:s22+$0xFFFFFE80] =	vst v55  }
0x33d: {  	v21 =	vld [tilespmem:s22+$0x60];
	v61 =	vmul.f32 v53, v20;
	[tilespmem:s22+$0xFFFFFE90] =	vst v57  }
0x33e: {  	v36 =	vshll.u32 v34, v2;
	v34 =	vld [tilespmem:s22+$0xFFFFFF60];
	v63 =	vmul.f32 v54, v19;
	[tilespmem:s22+$0xFFFFFEA0] =	vst v59  }
0x33f: {  	v3 =	vadd.s32 v36, v3;
	v36 =	vld [tilespmem:s22+$0xFFFFFF70];
	v25 =	vmul.f32 v56, v19;
	[tilespmem:s22+$0xFFFFFEB0] =	vst v61  }
0x340: {  	v33 =	vbroadcast v7, $0x0;
	v7 =	vld.idx.msk [tilespmem:v5+s31+$0x0], $0xffff;
	v27 =	vmul.f32 v58, v19;
	[tilespmem:s22+$0xFFFFFEC0] =	vst v63  }
0x341: {  	v24 =	vld [tilespmem:s22+$0xFFFFFF10];
	v29 =	vmul.f32 v60, v19;
	[tilespmem:s22+$0xFFFFFED0] =	vst v25  }
0x342: {  	v26 =	vld [tilespmem:s22+$0xFFFFFF20];
	v31 =	vmul.f32 v62, v17;
	[tilespmem:s22+$0xFFFFFEE0] =	vst v27  }
0x343: {  	v35 =	vbroadcast v6, $0x0;
	v39 =	vmul.f32 v30, v10;
	v40 =	vld [tilespmem:s22+$0xFFFFFF90];
	[tilespmem:s22+$0xFFFFFEF0] =	vst v29  }
0x344: {  	v41 =	vmul.f32 v32, v10;
	v42 =	vld [tilespmem:s22+$0xFFFFFFA0];
	[tilespmem:s22+$0xFFFFFF00] =	vst v31  }
0x345: {  	v44 =	vld [tilespmem:s22+$0xFFFFFFB0];
	v30 =	vmul.f32 v21, v9;
	[tilespmem:s22+$0xFFFFFF40] =	vst v39  }
0x346: {  	v51 =	vld [tilespmem:s22+$0xFFFFFFF0];
	v43 =	vmul.f32 v34, v10;
	[tilespmem:s22+$0xFFFFFF50] =	vst v41  }
0x347: {  	v53 =	vld [tilespmem:s22+$0x0];
	v10 =	vmul.f32 v36, v10;
	[tilespmem:s22+$0x60] =	vst v30  }
0x348: {  	v6 =	vld.idx.msk [tilespmem:v33+s31+$0x0], $0xffff;
	[tilespmem:s22+$0xFFFFFF60] =	vst v43;
	v33 =	vmul.f32 v24, v17  }
0x349: {  	v5 =	vld.idx.msk [tilespmem:v35+s31+$0x0], $0xffff;
	[tilespmem:s22+$0xFFFFFF70] =	vst v10;
	v35 =	vmul.f32 v26, v17  }
0x34a: {  	v32 =	vld [tilespmem:s22+$0xC0];
	v48 =	vmul.f32 v40, v13;
	[tilespmem:s22+$0xFFFFFF10] =	vst v33  }
0x34b: {  	v45 =	vld [tilespmem:s22+$0xFFFFFFC0];
	v50 =	vmul.f32 v42, v13;
	[tilespmem:s22+$0xFFFFFF20] =	vst v35  }
0x34c: {  	v47 =	vld [tilespmem:s22+$0xFFFFFFD0];
	v52 =	vmul.f32 v44, v13;
	[tilespmem:s22+$0xFFFFFF90] =	vst v48  }
0x34d: {  	v49 =	vld [tilespmem:s22+$0xFFFFFFE0];
	v60 =	vmul.f32 v51, v16;
	[tilespmem:s22+$0xFFFFFFA0] =	vst v50  }
0x34e: {  	v55 =	vld [tilespmem:s22+$0x10];
	v62 =	vmul.f32 v53, v12;
	[tilespmem:s22+$0xFFFFFFB0] =	vst v52  }
0x34f: {  	v3 =	vbroadcast v3, $0x0;
	v59 =	vld [tilespmem:s22+$0x30];
	v10 =	vmul.f32 v32, v7;
	[tilespmem:s22+$0xFFFFFFF0] =	vst v60  }
0x350: {  	v61 =	vld [tilespmem:s22+$0x40];
	v54 =	vmul.f32 v45, v16;
	[tilespmem:s22+$0x0] =	vst v62  }
0x351: {  	v25 =	vld [tilespmem:s22+$0x80];
	v56 =	vmul.f32 v47, v16;
	[tilespmem:s22+$0xC0] =	vst v10  }
0x352: {  	v27 =	vld [tilespmem:s22+$0x90];
	v58 =	vmul.f32 v49, v16;
	[tilespmem:s22+$0xFFFFFFC0] =	vst v54  }
0x353: {  	v34 =	vld [tilespmem:s22+$0xD0];
	v20 =	vmul.f32 v55, v12;
	[tilespmem:s22+$0xFFFFFFD0] =	vst v56  }
0x354: {  	v36 =	vld [tilespmem:s22+$0xE0];
	v24 =	vmul.f32 v59, v12;
	[tilespmem:s22+$0xFFFFFFE0] =	vst v58  }
0x355: {  	v3 =	vld.idx.msk [tilespmem:v3+s31+$0x0], $0xffff;
	v26 =	vmul.f32 v61, v9;
	[tilespmem:s22+$0x10] =	vst v20  }
0x356: {  	v4 =	vbroadcast v4, $0x0;
	v28 =	vld [tilespmem:s22+$0xFFFFFF30];
	v33 =	vmul.f32 v25, v8;
	[tilespmem:s22+$0x30] =	vst v24  }
0x357: {  	v63 =	vld [tilespmem:s22+$0x50];
	v35 =	vmul.f32 v27, v8;
	[tilespmem:s22+$0x40] =	vst v26  }
0x358: {  	v23 =	vld [tilespmem:s22+$0x70];
	v41 =	vmul.f32 v34, v7;
	[tilespmem:s22+$0x80] =	vst v33  }
0x359: {  	v40 =	vld [tilespmem:s22+$0x110];
	v43 =	vmul.f32 v36, v7;
	[tilespmem:s22+$0x90] =	vst v35  }
0x35a: {  	v42 =	vld [tilespmem:s22+$0x120];
	v14 =	vmul.f32 v37, v3;
	[tilespmem:s22+$0xD0] =	vst v41  }
0x35b: {  	v38 =	vld [tilespmem:s22+$0xFFFFFF80];
	v37 =	vmul.f32 v28, v17;
	[tilespmem:s22+$0xE0] =	vst v43  }
0x35c: {  	v4 =	vld.idx.msk [tilespmem:v4+s31+$0x0], $0xffff;
	v28 =	vmul.f32 v63, v9;
	[tilespmem:s22+$0x1F0] =	vst v14  }
0x35d: {  	v57 =	vld [tilespmem:s22+$0x20];
	v9 =	vmul.f32 v23, v9;
	[tilespmem:s22+$0xFFFFFF30] =	vst v37  }
0x35e: {  	v29 =	vld [tilespmem:s22+$0xA0];
	v47 =	vmul.f32 v40, v6;
	[tilespmem:s22+$0x50] =	vst v28  }
0x35f: {  	v31 =	vld [tilespmem:s22+$0xB0];
	v49 =	vmul.f32 v42, v6;
	[tilespmem:s22+$0x70] =	vst v9  }
0x360: {  	v39 =	vld [tilespmem:s22+$0x100];
	v14 =	vmul.f32 v46, v22;
	[tilespmem:s22+$0x110] =	vst v47  }
0x361: {  	v44 =	vld [tilespmem:s22+$0x130];
	v46 =	vmul.f32 v38, v13;
	[tilespmem:s22+$0x120] =	vst v49  }
0x362: {  	v48 =	vld [tilespmem:s22+$0x160];
	v22 =	vmul.f32 v57, v12;
	[tilespmem:s22+$0xFFFFFE70] =	vst v14  }
0x363: {  	v52 =	vld [tilespmem:s22+$0x190];
	v37 =	vmul.f32 v29, v8;
	[tilespmem:s22+$0xFFFFFF80] =	vst v46  }
0x364: {  	v45 =	vld [tilespmem:s22+$0x140];
	v8 =	vmul.f32 v31, v8;
	[tilespmem:s22+$0x20] =	vst v22  }
0x365: {  	v54 =	vld [tilespmem:s22+$0x1A0];
	v9 =	vmul.f32 v39, v6;
	[tilespmem:s22+$0xA0] =	vst v37  }
0x366: {  	v58 =	vld [tilespmem:s22+$0x1D0];
	v6 =	vmul.f32 v44, v6;
	[tilespmem:s22+$0xB0] =	vst v8  }
0x367: {  	v38 =	vld [tilespmem:s22+$0xF0];
	v55 =	vmul.f32 v48, v5;
	[tilespmem:s22+$0x100] =	vst v9  }
0x368: {  	v57 =	vld [tilespmem:s22+$0x1C0];
	v59 =	vmul.f32 v52, v4;
	[tilespmem:s22+$0x130] =	vst v6  }
0x369: {  	v60 =	vld [tilespmem:s22+$0x1E0];
	v8 =	vmul.f32 v45, v5;
	[tilespmem:s22+$0x160] =	vst v55  }
0x36a: {  	v46 =	vld [tilespmem:s22+$0x150];
	v61 =	vmul.f32 v54, v4;
	[tilespmem:s22+$0x190] =	vst v59  }
0x36b: {  	v50 =	vld [tilespmem:s22+$0x170];
	v63 =	vmul.f32 v58, v3;
	[tilespmem:s22+$0x140] =	vst v8  }
0x36c: {  	v51 =	vld [tilespmem:s22+$0x180];
	v7 =	vmul.f32 v38, v7;
	[tilespmem:s22+$0x1A0] =	vst v61  }
0x36d: {  	v56 =	vld [tilespmem:s22+$0x1B0];
	v62 =	vmul.f32 v57, v3;
	[tilespmem:s22+$0x1D0] =	vst v63  }
0x36e: {  	v3 =	vmul.f32 v60, v3;
	[tilespmem:s22+$0xF0] =	vst v7  }
0x36f: {  	v53 =	vmul.f32 v46, v5;
	[tilespmem:s22+$0x1C0] =	vst v62  }
0x370: {  	v5 =	vmul.f32 v50, v5;
	[tilespmem:s22+$0x1E0] =	vst v3  }
0x371: {  	v7 =	vmul.f32 v51, v4;
	[tilespmem:s22+$0x150] =	vst v53  }
0x372: {  	v4 =	vmul.f32 v56, v4;
	[tilespmem:s22+$0x170] =	vst v5  }
0x373: {  	s5 =	sand.u32 $0x3FFFFF80, s19;
	p0 =	seq.s32 s18, $0x4E;
	[tilespmem:s22+$0x180] =	vst v7  }
.Ltmp6:
0x374: {  	s5 =	sadd.s32 $0x4F00, s5;
	[tilespmem:s22+$0x1B0] =	vst v4;
	(pc) =	sbr.rel @p0 .LBB2_15-.Ltmp6, $4  }
0x375: {  	[spmem:s4] =	stream.indirect.scatter.add.f32 [tilespmem:s8], [sflag:$0x4], $0x40, s5, s30, $0xb8;
	[tilespmem:$0x1D280] =	vst v63  }
0x376: {  	_ =	swait.ge [sflag:s13], $0x2000  }
0x377: {  	[sflag:s13] =	ssyncset.done $0x0  }
0x378: {  	[sflag:s13] =	ssyncadd.s32 $0xFFFFE000  }
0x379: {  	s5 =	sadd.s32 $0x100, s20  }
0x37a: {  	[tilespmem:s29], [sflag:$0x1] =	stream.indirect.gather [hbm4b:s1+s30], $0x40, s5, s30, $0xb8;
	[tilespmem:$0x1D280] =	vst v63  }
.Ltmp7:
0x37b: {  	_ = 	snop;
	(pc) =	sbr.rel .LBB2_9-.Ltmp7, $4  }
0x37c: {  	_ =	swait.ge [sflag:s14], $0x2000  }
0x37d: {  	[sflag:s14] =	ssyncset.done $0x0  }
0x37e: {  	s23 =	sadd.s32 $0x180, s20;
	s18 =	sadd.s32 $0x1, s18;
	[sflag:s14] =	ssyncadd.s32 $0xFFFFE000  }
0x37f: {  	[tilespmem:s8], [sflag:$0x2] =	stream.indirect.gather [hbm4b:s1+s30], $0x40, s23, s30, $0xb8;
	[tilespmem:$0x1D280] =	vst v63  }
.LBB2_15:
0x380: {  	_ =	swait.ge [sflag:s14], $0x2000  }
0x381: {  	[sflag:s14] =	ssyncset.done $0x0  }
0x382: {  	[sflag:s14] =	ssyncadd.s32 $0xFFFFE000  }
0x383: {  	_ =	swait.ge [sflag:s15], $0x80  }
0x384: {  	s17 =	simm.s32 $0x9D;
	s19 =	simm.s32 $0x4F00;
	[sflag:s15] =	ssyncset.done $0x0  }
.LBB2_16:
0x385: {  	p0 =	sne.s32 s17, $0x1;
	s17 =	sadd.s32 $0xFFFFFFFF, s17;
	[sflag:s15] =	ssyncadd.s32 $0xFFFFFF80  }
.Ltmp8:
0x386: {  	(pc) =	sbr.rel @p0 .LBB2_16-.Ltmp8, $3  }
0x387: {  	_ =	sdelay $0x1  }
0x388: {  	_ =	swait.ge [sflag:s15], $0x80  }
0x389: {  	[sflag:s15] =	ssyncset.done $0x0  }
0x38a: {  	[sflag:s15] =	ssyncadd.s32 $0xFFFFFF80;
	s5 =	stileid.u32  }
0x38b: {  	s5 =	sshll.u32 s5, $0x6;
	[bflag:$0x0] =	sbarrier.arrive $0xFFFF  }
0x38c: {  	s17 =	sshrl.u32 s11, $0x3;
	s5 =	sor.u32 $0x1C09, s5;
	s18 =	rddreg [dreg:$0x10]  }
0x38d: {  	[hbm:s18], [sflag:s5] =	dma.local [spmem:s17], $0x50  }
0x38e: {  	_ =	swait.ge [sflag:s24], $0x50  }
0x38f: {  	[sflag:s24] =	ssyncset.done $0x0  }
0x390: {  	s21 =	sshrl.u32 s12, $0x3;
	s22 =	rddreg [dreg:$0x11];
	[sflag:s24] =	ssyncadd.s32 $0xFFFFFFB0  }
0x391: {  	[hbm:s22], [sflag:s5] =	dma.local [spmem:s21], $0x1400  }
0x392: {  	_ =	swait.ge [sflag:s24], $0x1400  }
0x393: {  	s16 =	sadd.s32 $0x1, s16;
	s23 =	rddreg [dreg:$0x12]  }
0x394: {  	p0 =	sne.s32 s16, s23  }
.Ltmp9:
0x395: {  	_ = 	snop;
	(pc) =	sbr.rel @p0 .LBB2_1-.Ltmp9, $3  }
0x396: {  	_ =	sdelay $0x1  }
0x397: {  	[sflag:s24] =	ssyncset.done $0x0  }
0x398: {  	[sflag:s24] =	ssyncadd.s32 $0xFFFFEC00  }
0x399: {  	_ =	sfence.sel $0x180000  }
0x39a: {  	[bflag:$0x0] =	sbarrier.arrive $0xFFFF  }
0x39b: {  	_ =	strace $0x90000047  }
0x39c: {  	s0 =	stileid.u32;
	[bflag:$0x2] =	sbarrier.arrive $0xFFFF  }
0x39d: {  	p0 =	sne.s32 s0, $0x0;
	s0 =	rddreg [dreg:$0x4]  }
0x39e: {  	s0 =	sadd.s32 @!p0 $0x100000, s0  }
0x39f: {  	[sflag:s0] =	ssyncadd.tile.s32 @!p0 $0x1;
	_ =	shalt  }
.Lfunc_end2:
_tile_overlayer_lowered:
.L_overlay_start_2:
0x3a0: {  	(tag) =	ssettag $0x2  }
0x3a1: {  	s0 =	rddreg [dreg:$0x0];
	s2 =	stileid.u32  }
0x3a2: {  	s1 =	rddreg [dreg:$0x1];
	p0 =	sne.s32 s2, $0x0  }
0x3a3: {  	s3 =	rddreg [dreg:$0x2];
	[bflag:$0x3] =	sbarrier.arrive $0xFFFF;
	s2 =	simm.s32 @!p0 $0x1C09  }
0x3a4: {  	[timem:s3], [sflag:s2] =	dma.local @!p0 [hbm:s0], s1  }
0x3a5: {  	s0 =	simm.s32 @!p0 $0x9  }
0x3a6: {  	_ =	swait.ge @!p0 [sflag:s0], s1  }
0x3a7: {  	s1 =	ssub.s32 @!p0 $0x0, s1;
	[sflag:s0] =	ssyncset.done @!p0 $0x0  }
0x3a8: {  	[sflag:s0] =	ssyncadd.s32 @!p0 s1  }
0x3a9: {  	[bflag:$0x3] =	sbarrier.arrive $0xFFFF  }
0x3aa: {  	_ =	shalt  }

</sc_bundles>
